<compile_context>
chip_gen: v7x
topology: tpu7x:2x2x1
jax: 0.10.2.dev20260603
libtpu: 0.0.44.dev20260713+nightly
codegen_flags: <defaults>
</compile_context>

<pallas_src>
import functools

import numpy as np
import jax
import jax.numpy as jnp
from jax import lax
from jax.experimental import pallas as pl
from jax.experimental.pallas import tpu as pltpu
from jax.experimental.pallas import tpu_sc as plsc

EMBED_DIM = 128
HIDDEN = 256
NUM_CLASSES = 119
PADC = 128
SEG = 1024
MASK_RATE = 0.3
NSEG = 16
N = NSEG * SEG
PER_SEG = max(int(SEG * MASK_RATE), 1)
TOTAL = NSEG * PER_SEG

NTILES = 16
L = 16
NVEC = 20


def _np_uniform_threefry(seed: int, n: int) -> np.ndarray:
    def rotl(x, d):
        return ((x << np.uint32(d)) | (x >> np.uint32(32 - d))).astype(np.uint32)

    counts = np.arange(n, dtype=np.uint64)
    x = [(counts >> np.uint64(32)).astype(np.uint32),
         (counts & np.uint64(0xFFFFFFFF)).astype(np.uint32)]
    k0, k1 = np.uint32(0), np.uint32(seed)
    rotations = ((13, 15, 26, 6), (17, 29, 16, 24))
    ks = (k0, k1, np.uint32(k0 ^ k1 ^ 0x1BD11BDA))
    x[0] = (x[0] + ks[0]).astype(np.uint32)
    x[1] = (x[1] + ks[1]).astype(np.uint32)
    for i in range(5):
        for r in rotations[i % 2]:
            x[0] = (x[0] + x[1]).astype(np.uint32)
            x[1] = rotl(x[1], r) ^ x[0]
        x[0] = (x[0] + ks[(i + 1) % 3]).astype(np.uint32)
        x[1] = (x[1] + ks[(i + 2) % 3] + np.uint32(i + 1)).astype(np.uint32)
    bits = x[0] ^ x[1]
    f = ((bits >> np.uint32(9)) | np.uint32(0x3F800000)).view(np.float32) - np.float32(1.0)
    return np.maximum(np.float32(0.0), f)


_U = _np_uniform_threefry(42, TOTAL)
_U_PAD = np.zeros((NTILES, NVEC * L), dtype=np.float32)
_U_PAD[:, :PER_SEG] = _U.reshape(NTILES, PER_SEG)
_U_PAD = _U_PAD.reshape(NTILES, NVEC, L)


def _head_body(bm_ref, w1_ref, b1_ref, w2_ref, b2_ref, hist_ref, out_ref):
    rb = jnp.maximum(bm_ref[...].reshape(1, EMBED_DIM), 0.0)
    hid = jnp.dot(rb, w1_ref[...], preferred_element_type=jnp.float32)
    hid = jnp.maximum(hid + b1_ref[...].reshape(1, HIDDEN), 0.0)
    s = jnp.dot(hid, w2_ref[...], preferred_element_type=jnp.float32)
    s = s + b2_ref[...].reshape(1, NUM_CLASSES)
    m = jnp.max(s)
    lz = m + jnp.log(jnp.sum(jnp.exp(s - m)))
    sp = jnp.concatenate(
        [s, jnp.zeros((1, PADC - NUM_CLASSES), jnp.float32)], axis=1)
    hist = jnp.sum(hist_ref[...], axis=0, keepdims=True)
    picked = jnp.sum(hist * sp)
    loss = lz - picked * (1.0 / TOTAL)
    out_ref[...] = jnp.full((8, PADC), loss, dtype=jnp.float32)


_head = pl.pallas_call(
    _head_body,
    out_shape=jax.ShapeDtypeStruct((8, PADC), jnp.float32),
)


_mesh = plsc.VectorSubcoreMesh(core_axis_name="c", subcore_axis_name="s",
                               num_cores=1)


@functools.partial(
    pl.kernel,
    mesh=_mesh,
    out_type=jax.ShapeDtypeStruct((NTILES, PADC), jnp.float32),
    scratch_types=[
        pltpu.VMEM((NVEC, L), jnp.float32),
        pltpu.VMEM((24,), jnp.int32),
        pltpu.VMEM((NVEC * L,), jnp.float32),
        pltpu.VMEM((L, PADC), jnp.float32),
        pltpu.VMEM((PADC,), jnp.float32),
        pltpu.SemaphoreType.DMA,
        pltpu.SemaphoreType.DMA,
        pltpu.SemaphoreType.DMA,
    ],
    compiler_params=pltpu.CompilerParams(needs_layout_passes=False),
)
def _sc_hist(u_hbm, ptr_hbm, xf_hbm, out_hbm,
             u_v, ptr_v, lbl_v, hist2_v, hist_v,
             sem, sem_u, sem_p):
    sid = lax.axis_index("s")

    u_cp = pltpu.async_copy(u_hbm.at[sid], u_v, sem_u)
    p_cp = pltpu.async_copy(ptr_hbm, ptr_v.at[pl.ds(0, NSEG + 1)], sem_p)
    zeros_f = jnp.zeros((L,), jnp.float32)
    for r in range(L):
        for k in range(PADC // L):
            hist2_v[r, pl.ds(k * L, L)] = zeros_f
    u_cp.wait()
    p_cp.wait()
    lo = plsc.load_gather(ptr_v, [jnp.full((L,), sid, jnp.int32)])
    hi = plsc.load_gather(ptr_v, [jnp.full((L,), sid + 1, jnp.int32)])
    szf = (hi - lo).astype(jnp.float32)

    copies = []
    for j in range(NVEC):
        elem = ((u_v[j] * szf).astype(jnp.int32) + lo) * EMBED_DIM
        copies.append(
            pltpu.async_copy(xf_hbm.at[elem], lbl_v.at[pl.ds(j * L, L)], sem))
    for cp in copies:
        cp.wait()

    iota = lax.iota(jnp.int32, L)
    ones = jnp.ones((L,), jnp.float32)
    for j in range(NVEC):
        li = lbl_v[pl.ds(j * L, L)].astype(jnp.int32)
        valid = (j * L) + iota < PER_SEG
        plsc.addupdate_scatter(hist2_v, [iota, li], ones, mask=valid)

    for k in range(PADC // L):
        h = jnp.zeros((L,), jnp.float32)
        for r in range(L):
            h = h + hist2_v[r, pl.ds(k * L, L)]
        hist_v[pl.ds(k * L, L)] = h
    pltpu.sync_copy(hist_v, out_hbm.at[sid])


def kernel(x, ptr, W_model, b_model, W1, b1, W2, b2):
    u_c = jnp.asarray(_U_PAD)
    parts = _sc_hist(u_c, ptr, x.reshape(-1))

    out = _head(b_model, W1, b1, W2, b2, parts)
    return out[0, 0]

# --- scband reference (transcript-rebuilt; emitter-appended) ---
"""Pipeline reference for scband-atom-number-task-70239895159023 (READ-ONLY COPY).

The authoritative reference and input builder live on the scoring server;
editing this copy changes nothing except your own understanding.
"""

import jax, jax.numpy as jnp
import numpy as np

EMBED_DIM = 128
HIDDEN = 256
NUM_CLASSES = 119
B = 16
SEG = 1024
N = B * SEG
MASK_RATE = 0.3
TASK_FEATURE_IDX = 0


def setup_inputs(seed: int = 0):
    key = jax.random.key(seed)
    ks = jax.random.split(key, 8)
    x = jax.random.normal(ks[0], (N, EMBED_DIM), dtype=jnp.float32)
    # column TASK_FEATURE_IDX holds the integer atomic-number class label (as float, like torch long features cast)
    labels = jax.random.randint(ks[1], (N,), 0, NUM_CLASSES).astype(jnp.float32)
    x = x.at[:, TASK_FEATURE_IDX].set(labels)
    ptr = jnp.arange(0, N + 1, SEG, dtype=jnp.int32)
    W_model = jax.random.normal(ks[2], (EMBED_DIM, EMBED_DIM), dtype=jnp.float32) / np.sqrt(EMBED_DIM)
    b_model = jnp.zeros((EMBED_DIM,), dtype=jnp.float32)
    W1 = jax.random.normal(ks[3], (EMBED_DIM, HIDDEN), dtype=jnp.float32) / np.sqrt(EMBED_DIM)
    b1 = jnp.zeros((HIDDEN,), dtype=jnp.float32)
    W2 = jax.random.normal(ks[4], (HIDDEN, NUM_CLASSES), dtype=jnp.float32) / np.sqrt(HIDDEN)
    b2 = jnp.zeros((NUM_CLASSES,), dtype=jnp.float32)
    return {"x": x, "ptr": ptr, "W_model": W_model, "b_model": b_model, "W1": W1, "b1": b1, "W2": W2, "b2": b2}


def choose_indices(ptr, mask_rate):
    # faithful port of Task.choose_indices
    sizes = ptr[1:] - ptr[:-1]
    num_hidden = jnp.maximum((sizes.astype(jnp.float32) * mask_rate).astype(jnp.int32), 1)
    num_segments = ptr.shape[0] - 1
    per_segment = max(int(SEG * mask_rate), 1)
    total = num_segments * per_segment
    hidden_to_batch = jnp.repeat(jnp.arange(sizes.shape[0]), num_hidden, total_repeat_length=total)
    u = jax.random.uniform(jax.random.key(42), (total,), dtype=jnp.float32)
    chosen = (u * sizes[hidden_to_batch].astype(jnp.float32)).astype(jnp.int32)
    chosen = chosen + ptr[:-1][hidden_to_batch]
    return chosen


def reference(x, ptr, W_model, b_model, W1, b1, W2, b2):
    mask = choose_indices(ptr, MASK_RATE)
    # labels = data['ligand'].x[mask, task_feature_idx].clone()
    labels = x[mask, TASK_FEATURE_IDX].astype(jnp.int32)
    # data['ligand'].x[mask] = 0  (scatter-overwrite whole rows)
    xm = x.at[mask].set(0.0)
    # self.model(data, keep_graph=True): backbone producing per-node embeddings
    h = jax.nn.relu(xm @ W_model + b_model)
    # score = self.mlp(h[mask])  (gather masked rows, 2-layer MLP)
    hm = h[mask]
    hid = jax.nn.relu(hm @ W1 + b1)
    score = hid @ W2 + b2
    # nn.CrossEntropyLoss() with mean reduction
    logZ = jax.nn.logsumexp(score, axis=-1)
    picked = jnp.take_along_axis(score, labels[:, None], axis=-1)[:, 0]
    return jnp.mean(logZ - picked)

if __name__ == "__main__":
    import jax
    _d = setup_inputs()
    print(jax.jit(kernel)(*tuple(_d.values())))

</pallas_src>

<mosaic_0001>
#map = affine_map<(d0, d1) -> (0, 0, 0)>
#map1 = affine_map<(d0, d1) -> (0)>
#map2 = affine_map<(d0, d1) -> (0, 0)>
module attributes {stable_mosaic.version = 14 : i64} {
  func.func @_sc_hist(%arg0: i32, %arg1: i32, %arg2: memref<16x20x16xf32, #tpu.memory_space<hbm>>, %arg3: memref<17xi32, #tpu.memory_space<hbm>>, %arg4: memref<2097152xf32, #tpu.memory_space<hbm>>, %arg5: memref<16x128xf32, #tpu.memory_space<hbm>>, %arg6: memref<20x16xf32, #tpu.memory_space<vmem>>, %arg7: memref<24xi32, #tpu.memory_space<vmem>>, %arg8: memref<320xf32, #tpu.memory_space<vmem>>, %arg9: memref<16x128xf32, #tpu.memory_space<vmem>>, %arg10: memref<128xf32, #tpu.memory_space<vmem>>, %arg11: memref<!tpu.dma_semaphore, #tpu.memory_space<semaphore_mem>>, %arg12: memref<!tpu.dma_semaphore, #tpu.memory_space<semaphore_mem>>, %arg13: memref<!tpu.dma_semaphore, #tpu.memory_space<semaphore_mem>>) attributes {dimension_semantics = [#tpu.dimension_semantics<core_parallel>, #tpu.dimension_semantics<subcore_parallel>], iteration_bounds = array<i64: 1, 16>, scalar_prefetch = 0 : i64, scratch_operands = 8 : i64, tpu.core_type = #tpu.core_type<sc_vector_subcore>, window_params = [{transform_indices = #map}, {transform_indices = #map1}, {transform_indices = #map1}, {transform_indices = #map2}]} {
    %dma_start3A = arith.constant 0 : i32
    %dma_start3A_0 = arith.constant 0 : i32
    %dma_start3A_1 = tpu.memref_slice %arg2[%arg1, %dma_start3A, %dma_start3A_0] : memref<16x20x16xf32, #tpu.memory_space<hbm>> -> memref<1x20x16xf32, #tpu.memory_space<hbm>>
    %dma_start3A_2 = tpu.memref_squeeze %dma_start3A_1 : memref<1x20x16xf32, #tpu.memory_space<hbm>> -> memref<20x16xf32, #tpu.memory_space<hbm>>
    %dma_start3A_3 = arith.constant 0 : i32
    %dma_start3A_4 = arith.constant 0 : i32
    %dma_start3A_5 = tpu.memref_slice %arg2[%arg1, %dma_start3A_3, %dma_start3A_4] : memref<16x20x16xf32, #tpu.memory_space<hbm>> -> memref<1x20x16xf32, #tpu.memory_space<hbm>>
    %dma_start3A_6 = tpu.memref_squeeze %dma_start3A_5 : memref<1x20x16xf32, #tpu.memory_space<hbm>> -> memref<20x16xf32, #tpu.memory_space<hbm>>
    tpu.enqueue_dma source(%dma_start3A_6 : memref<20x16xf32, #tpu.memory_space<hbm>>) target(%arg6 : memref<20x16xf32, #tpu.memory_space<vmem>>) target_semaphore(%arg12 : memref<!tpu.dma_semaphore, #tpu.memory_space<semaphore_mem>>)
    %dma_start3A_7 = arith.constant 0 : i32
    %dma_start3A_8 = tpu.memref_slice %arg7[%dma_start3A_7] : memref<24xi32, #tpu.memory_space<vmem>> -> memref<17xi32, #tpu.memory_space<vmem>>
    %dma_start3A_9 = arith.constant 0 : i32
    %dma_start3A_10 = tpu.memref_slice %arg7[%dma_start3A_9] : memref<24xi32, #tpu.memory_space<vmem>> -> memref<17xi32, #tpu.memory_space<vmem>>
    tpu.enqueue_dma source(%arg3 : memref<17xi32, #tpu.memory_space<hbm>>) target(%dma_start3A_10 : memref<17xi32, #tpu.memory_space<vmem>>) target_semaphore(%arg13 : memref<!tpu.dma_semaphore, #tpu.memory_space<semaphore_mem>>)
    %broadcast_in_dim3A = arith.constant 0.000000e+00 : f32
    %broadcast_in_dim3A_11 = vector.broadcast %broadcast_in_dim3A : f32 to vector<16xf32>
    %swap3A = arith.constant 0 : i32
    %swap3A_12 = arith.index_cast %swap3A : i32 to index
    %swap3A_13 = arith.constant 0 : index
    %swap3A_14 = tpu.vector_load %arg9[%swap3A_12, %swap3A_13] {strides = array<i32>} : memref<16x128xf32, #tpu.memory_space<vmem>>, vector<16xf32>,
    tpu.vector_store %arg9[%swap3A_12, %swap3A_13], %broadcast_in_dim3A_11 {strides = array<i32>} : memref<16x128xf32, #tpu.memory_space<vmem>>, vector<16xf32>,
    %swap3A_15 = arith.constant 0 : i32
    %swap3A_16 = arith.index_cast %swap3A_15 : i32 to index
    %swap3A_17 = arith.constant 16 : index
    %swap3A_18 = tpu.vector_load %arg9[%swap3A_16, %swap3A_17] {strides = array<i32>} : memref<16x128xf32, #tpu.memory_space<vmem>>, vector<16xf32>,
    tpu.vector_store %arg9[%swap3A_16, %swap3A_17], %broadcast_in_dim3A_11 {strides = array<i32>} : memref<16x128xf32, #tpu.memory_space<vmem>>, vector<16xf32>,
    %swap3A_19 = arith.constant 0 : i32
    %swap3A_20 = arith.index_cast %swap3A_19 : i32 to index
    %swap3A_21 = arith.constant 32 : index
    %swap3A_22 = tpu.vector_load %arg9[%swap3A_20, %swap3A_21] {strides = array<i32>} : memref<16x128xf32, #tpu.memory_space<vmem>>, vector<16xf32>,
    tpu.vector_store %arg9[%swap3A_20, %swap3A_21], %broadcast_in_dim3A_11 {strides = array<i32>} : memref<16x128xf32, #tpu.memory_space<vmem>>, vector<16xf32>,
    %swap3A_23 = arith.constant 0 : i32
    %swap3A_24 = arith.index_cast %swap3A_23 : i32 to index
    %swap3A_25 = arith.constant 48 : index
    %swap3A_26 = tpu.vector_load %arg9[%swap3A_24, %swap3A_25] {strides = array<i32>} : memref<16x128xf32, #tpu.memory_space<vmem>>, vector<16xf32>,
    tpu.vector_store %arg9[%swap3A_24, %swap3A_25], %broadcast_in_dim3A_11 {strides = array<i32>} : memref<16x128xf32, #tpu.memory_space<vmem>>, vector<16xf32>,
    %swap3A_27 = arith.constant 0 : i32
    %swap3A_28 = arith.index_cast %swap3A_27 : i32 to index
    %swap3A_29 = arith.constant 64 : index
    %swap3A_30 = tpu.vector_load %arg9[%swap3A_28, %swap3A_29] {strides = array<i32>} : memref<16x128xf32, #tpu.memory_space<vmem>>, vector<16xf32>,
    tpu.vector_store %arg9[%swap3A_28, %swap3A_29], %broadcast_in_dim3A_11 {strides = array<i32>} : memref<16x128xf32, #tpu.memory_space<vmem>>, vector<16xf32>,
    %swap3A_31 = arith.constant 0 : i32
    %swap3A_32 = arith.index_cast %swap3A_31 : i32 to index
    %swap3A_33 = arith.constant 80 : index
    %swap3A_34 = tpu.vector_load %arg9[%swap3A_32, %swap3A_33] {strides = array<i32>} : memref<16x128xf32, #tpu.memory_space<vmem>>, vector<16xf32>,
    tpu.vector_store %arg9[%swap3A_32, %swap3A_33], %broadcast_in_dim3A_11 {strides = array<i32>} : memref<16x128xf32, #tpu.memory_space<vmem>>, vector<16xf32>,
    %swap3A_35 = arith.constant 0 : i32
    %swap3A_36 = arith.index_cast %swap3A_35 : i32 to index
    %swap3A_37 = arith.constant 96 : index
    %swap3A_38 = tpu.vector_load %arg9[%swap3A_36, %swap3A_37] {strides = array<i32>} : memref<16x128xf32, #tpu.memory_space<vmem>>, vector<16xf32>,
    tpu.vector_store %arg9[%swap3A_36, %swap3A_37], %broadcast_in_dim3A_11 {strides = array<i32>} : memref<16x128xf32, #tpu.memory_space<vmem>>, vector<16xf32>,
    %swap3A_39 = arith.constant 0 : i32
    %swap3A_40 = arith.index_cast %swap3A_39 : i32 to index
    %swap3A_41 = arith.constant 112 : index
    %swap3A_42 = tpu.vector_load %arg9[%swap3A_40, %swap3A_41] {strides = array<i32>} : memref<16x128xf32, #tpu.memory_space<vmem>>, vector<16xf32>,
    tpu.vector_store %arg9[%swap3A_40, %swap3A_41], %broadcast_in_dim3A_11 {strides = array<i32>} : memref<16x128xf32, #tpu.memory_space<vmem>>, vector<16xf32>,
    %swap3A_43 = arith.constant 1 : i32
    %swap3A_44 = arith.index_cast %swap3A_43 : i32 to index
    %swap3A_45 = arith.constant 0 : index
    %swap3A_46 = tpu.vector_load %arg9[%swap3A_44, %swap3A_45] {strides = array<i32>} : memref<16x128xf32, #tpu.memory_space<vmem>>, vector<16xf32>,
    tpu.vector_store %arg9[%swap3A_44, %swap3A_45], %broadcast_in_dim3A_11 {strides = array<i32>} : memref<16x128xf32, #tpu.memory_space<vmem>>, vector<16xf32>,
    %swap3A_47 = arith.constant 1 : i32
    %swap3A_48 = arith.index_cast %swap3A_47 : i32 to index
    %swap3A_49 = arith.constant 16 : index
    %swap3A_50 = tpu.vector_load %arg9[%swap3A_48, %swap3A_49] {strides = array<i32>} : memref<16x128xf32, #tpu.memory_space<vmem>>, vector<16xf32>,
    tpu.vector_store %arg9[%swap3A_48, %swap3A_49], %broadcast_in_dim3A_11 {strides = array<i32>} : memref<16x128xf32, #tpu.memory_space<vmem>>, vector<16xf32>,
    %swap3A_51 = arith.constant 1 : i32
    %swap3A_52 = arith.index_cast %swap3A_51 : i32 to index
    %swap3A_53 = arith.constant 32 : index
    %swap3A_54 = tpu.vector_load %arg9[%swap3A_52, %swap3A_53] {strides = array<i32>} : memref<16x128xf32, #tpu.memory_space<vmem>>, vector<16xf32>,
    tpu.vector_store %arg9[%swap3A_52, %swap3A_53], %broadcast_in_dim3A_11 {strides = array<i32>} : memref<16x128xf32, #tpu.memory_space<vmem>>, vector<16xf32>,
    %swap3A_55 = arith.constant 1 : i32
    %swap3A_56 = arith.index_cast %swap3A_55 : i32 to index
    %swap3A_57 = arith.constant 48 : index
    %swap3A_58 = tpu.vector_load %arg9[%swap3A_56, %swap3A_57] {strides = array<i32>} : memref<16x128xf32, #tpu.memory_space<vmem>>, vector<16xf32>,
    tpu.vector_store %arg9[%swap3A_56, %swap3A_57], %broadcast_in_dim3A_11 {strides = array<i32>} : memref<16x128xf32, #tpu.memory_space<vmem>>, vector<16xf32>,
    %swap3A_59 = arith.constant 1 : i32
    %swap3A_60 = arith.index_cast %swap3A_59 : i32 to index
    %swap3A_61 = arith.constant 64 : index
    %swap3A_62 = tpu.vector_load %arg9[%swap3A_60, %swap3A_61] {strides = array<i32>} : memref<16x128xf32, #tpu.memory_space<vmem>>, vector<16xf32>,
    tpu.vector_store %arg9[%swap3A_60, %swap3A_61], %broadcast_in_dim3A_11 {strides = array<i32>} : memref<16x128xf32, #tpu.memory_space<vmem>>, vector<16xf32>,
    %swap3A_63 = arith.constant 1 : i32
    %swap3A_64 = arith.index_cast %swap3A_63 : i32 to index
    %swap3A_65 = arith.constant 80 : index
    %swap3A_66 = tpu.vector_load %arg9[%swap3A_64, %swap3A_65] {strides = array<i32>} : memref<16x128xf32, #tpu.memory_space<vmem>>, vector<16xf32>,
    tpu.vector_store %arg9[%swap3A_64, %swap3A_65], %broadcast_in_dim3A_11 {strides = array<i32>} : memref<16x128xf32, #tpu.memory_space<vmem>>, vector<16xf32>,
    %swap3A_67 = arith.constant 1 : i32
    %swap3A_68 = arith.index_cast %swap3A_67 : i32 to index
    %swap3A_69 = arith.constant 96 : index
    %swap3A_70 = tpu.vector_load %arg9[%swap3A_68, %swap3A_69] {strides = array<i32>} : memref<16x128xf32, #tpu.memory_space<vmem>>, vector<16xf32>,
    tpu.vector_store %arg9[%swap3A_68, %swap3A_69], %broadcast_in_dim3A_11 {strides = array<i32>} : memref<16x128xf32, #tpu.memory_space<vmem>>, vector<16xf32>,
    %swap3A_71 = arith.constant 1 : i32
    %swap3A_72 = arith.index_cast %swap3A_71 : i32 to index
    %swap3A_73 = arith.constant 112 : index
    %swap3A_74 = tpu.vector_load %arg9[%swap3A_72, %swap3A_73] {strides = array<i32>} : memref<16x128xf32, #tpu.memory_space<vmem>>, vector<16xf32>,
    tpu.vector_store %arg9[%swap3A_72, %swap3A_73], %broadcast_in_dim3A_11 {strides = array<i32>} : memref<16x128xf32, #tpu.memory_space<vmem>>, vector<16xf32>,
    %swap3A_75 = arith.constant 2 : i32
    %swap3A_76 = arith.index_cast %swap3A_75 : i32 to index
    %swap3A_77 = arith.constant 0 : index
    %swap3A_78 = tpu.vector_load %arg9[%swap3A_76, %swap3A_77] {strides = array<i32>} : memref<16x128xf32, #tpu.memory_space<vmem>>, vector<16xf32>,
    tpu.vector_store %arg9[%swap3A_76, %swap3A_77], %broadcast_in_dim3A_11 {strides = array<i32>} : memref<16x128xf32, #tpu.memory_space<vmem>>, vector<16xf32>,
    %swap3A_79 = arith.constant 2 : i32
    %swap3A_80 = arith.index_cast %swap3A_79 : i32 to index
    %swap3A_81 = arith.constant 16 : index
    %swap3A_82 = tpu.vector_load %arg9[%swap3A_80, %swap3A_81] {strides = array<i32>} : memref<16x128xf32, #tpu.memory_space<vmem>>, vector<16xf32>,
    tpu.vector_store %arg9[%swap3A_80, %swap3A_81], %broadcast_in_dim3A_11 {strides = array<i32>} : memref<16x128xf32, #tpu.memory_space<vmem>>, vector<16xf32>,
    %swap3A_83 = arith.constant 2 : i32
    %swap3A_84 = arith.index_cast %swap3A_83 : i32 to index
    %swap3A_85 = arith.constant 32 : index
    %swap3A_86 = tpu.vector_load %arg9[%swap3A_84, %swap3A_85] {strides = array<i32>} : memref<16x128xf32, #tpu.memory_space<vmem>>, vector<16xf32>,
    tpu.vector_store %arg9[%swap3A_84, %swap3A_85], %broadcast_in_dim3A_11 {strides = array<i32>} : memref<16x128xf32, #tpu.memory_space<vmem>>, vector<16xf32>,
    %swap3A_87 = arith.constant 2 : i32
    %swap3A_88 = arith.index_cast %swap3A_87 : i32 to index
    %swap3A_89 = arith.constant 48 : index
    %swap3A_90 = tpu.vector_load %arg9[%swap3A_88, %swap3A_89] {strides = array<i32>} : memref<16x128xf32, #tpu.memory_space<vmem>>, vector<16xf32>,
    tpu.vector_store %arg9[%swap3A_88, %swap3A_89], %broadcast_in_dim3A_11 {strides = array<i32>} : memref<16x128xf32, #tpu.memory_space<vmem>>, vector<16xf32>,
    %swap3A_91 = arith.constant 2 : i32
    %swap3A_92 = arith.index_cast %swap3A_91 : i32 to index
    %swap3A_93 = arith.constant 64 : index
    %swap3A_94 = tpu.vector_load %arg9[%swap3A_92, %swap3A_93] {strides = array<i32>} : memref<16x128xf32, #tpu.memory_space<vmem>>, vector<16xf32>,
    tpu.vector_store %arg9[%swap3A_92, %swap3A_93], %broadcast_in_dim3A_11 {strides = array<i32>} : memref<16x128xf32, #tpu.memory_space<vmem>>, vector<16xf32>,
    %swap3A_95 = arith.constant 2 : i32
    %swap3A_96 = arith.index_cast %swap3A_95 : i32 to index
    %swap3A_97 = arith.constant 80 : index
    %swap3A_98 = tpu.vector_load %arg9[%swap3A_96, %swap3A_97] {strides = array<i32>} : memref<16x128xf32, #tpu.memory_space<vmem>>, vector<16xf32>,
    tpu.vector_store %arg9[%swap3A_96, %swap3A_97], %broadcast_in_dim3A_11 {strides = array<i32>} : memref<16x128xf32, #tpu.memory_space<vmem>>, vector<16xf32>,
    %swap3A_99 = arith.constant 2 : i32
    %swap3A_100 = arith.index_cast %swap3A_99 : i32 to index
    %swap3A_101 = arith.constant 96 : index
    %swap3A_102 = tpu.vector_load %arg9[%swap3A_100, %swap3A_101] {strides = array<i32>} : memref<16x128xf32, #tpu.memory_space<vmem>>, vector<16xf32>,
    tpu.vector_store %arg9[%swap3A_100, %swap3A_101], %broadcast_in_dim3A_11 {strides = array<i32>} : memref<16x128xf32, #tpu.memory_space<vmem>>, vector<16xf32>,
    %swap3A_103 = arith.constant 2 : i32
    %swap3A_104 = arith.index_cast %swap3A_103 : i32 to index
    %swap3A_105 = arith.constant 112 : index
    %swap3A_106 = tpu.vector_load %arg9[%swap3A_104, %swap3A_105] {strides = array<i32>} : memref<16x128xf32, #tpu.memory_space<vmem>>, vector<16xf32>,
    tpu.vector_store %arg9[%swap3A_104, %swap3A_105], %broadcast_in_dim3A_11 {strides = array<i32>} : memref<16x128xf32, #tpu.memory_space<vmem>>, vector<16xf32>,
    %swap3A_107 = arith.constant 3 : i32
    %swap3A_108 = arith.index_cast %swap3A_107 : i32 to index
    %swap3A_109 = arith.constant 0 : index
    %swap3A_110 = tpu.vector_load %arg9[%swap3A_108, %swap3A_109] {strides = array<i32>} : memref<16x128xf32, #tpu.memory_space<vmem>>, vector<16xf32>,
    tpu.vector_store %arg9[%swap3A_108, %swap3A_109], %broadcast_in_dim3A_11 {strides = array<i32>} : memref<16x128xf32, #tpu.memory_space<vmem>>, vector<16xf32>,
    %swap3A_111 = arith.constant 3 : i32
    %swap3A_112 = arith.index_cast %swap3A_111 : i32 to index
    %swap3A_113 = arith.constant 16 : index
    %swap3A_114 = tpu.vector_load %arg9[%swap3A_112, %swap3A_113] {strides = array<i32>} : memref<16x128xf32, #tpu.memory_space<vmem>>, vector<16xf32>,
    tpu.vector_store %arg9[%swap3A_112, %swap3A_113], %broadcast_in_dim3A_11 {strides = array<i32>} : memref<16x128xf32, #tpu.memory_space<vmem>>, vector<16xf32>,
    %swap3A_115 = arith.constant 3 : i32
    %swap3A_116 = arith.index_cast %swap3A_115 : i32 to index
    %swap3A_117 = arith.constant 32 : index
    %swap3A_118 = tpu.vector_load %arg9[%swap3A_116, %swap3A_117] {strides = array<i32>} : memref<16x128xf32, #tpu.memory_space<vmem>>, vector<16xf32>,
    tpu.vector_store %arg9[%swap3A_116, %swap3A_117], %broadcast_in_dim3A_11 {strides = array<i32>} : memref<16x128xf32, #tpu.memory_space<vmem>>, vector<16xf32>,
    %swap3A_119 = arith.constant 3 : i32
    %swap3A_120 = arith.index_cast %swap3A_119 : i32 to index
    %swap3A_121 = arith.constant 48 : index
    %swap3A_122 = tpu.vector_load %arg9[%swap3A_120, %swap3A_121] {strides = array<i32>} : memref<16x128xf32, #tpu.memory_space<vmem>>, vector<16xf32>,
    tpu.vector_store %arg9[%swap3A_120, %swap3A_121], %broadcast_in_dim3A_11 {strides = array<i32>} : memref<16x128xf32, #tpu.memory_space<vmem>>, vector<16xf32>,
    %swap3A_123 = arith.constant 3 : i32
    %swap3A_124 = arith.index_cast %swap3A_123 : i32 to index
    %swap3A_125 = arith.constant 64 : index
    %swap3A_126 = tpu.vector_load %arg9[%swap3A_124, %swap3A_125] {strides = array<i32>} : memref<16x128xf32, #tpu.memory_space<vmem>>, vector<16xf32>,
    tpu.vector_store %arg9[%swap3A_124, %swap3A_125], %broadcast_in_dim3A_11 {strides = array<i32>} : memref<16x128xf32, #tpu.memory_space<vmem>>, vector<16xf32>,
    %swap3A_127 = arith.constant 3 : i32
    %swap3A_128 = arith.index_cast %swap3A_127 : i32 to index
    %swap3A_129 = arith.constant 80 : index
    %swap3A_130 = tpu.vector_load %arg9[%swap3A_128, %swap3A_129] {strides = array<i32>} : memref<16x128xf32, #tpu.memory_space<vmem>>, vector<16xf32>,
    tpu.vector_store %arg9[%swap3A_128, %swap3A_129], %broadcast_in_dim3A_11 {strides = array<i32>} : memref<16x128xf32, #tpu.memory_space<vmem>>, vector<16xf32>,
    %swap3A_131 = arith.constant 3 : i32
    %swap3A_132 = arith.index_cast %swap3A_131 : i32 to index
    %swap3A_133 = arith.constant 96 : index
    %swap3A_134 = tpu.vector_load %arg9[%swap3A_132, %swap3A_133] {strides = array<i32>} : memref<16x128xf32, #tpu.memory_space<vmem>>, vector<16xf32>,
    tpu.vector_store %arg9[%swap3A_132, %swap3A_133], %broadcast_in_dim3A_11 {strides = array<i32>} : memref<16x128xf32, #tpu.memory_space<vmem>>, vector<16xf32>,
    %swap3A_135 = arith.constant 3 : i32
    %swap3A_136 = arith.index_cast %swap3A_135 : i32 to index
    %swap3A_137 = arith.constant 112 : index
    %swap3A_138 = tpu.vector_load %arg9[%swap3A_136, %swap3A_137] {strides = array<i32>} : memref<16x128xf32, #tpu.memory_space<vmem>>, vector<16xf32>,
    tpu.vector_store %arg9[%swap3A_136, %swap3A_137], %broadcast_in_dim3A_11 {strides = array<i32>} : memref<16x128xf32, #tpu.memory_space<vmem>>, vector<16xf32>,
    %swap3A_139 = arith.constant 4 : i32
    %swap3A_140 = arith.index_cast %swap3A_139 : i32 to index
    %swap3A_141 = arith.constant 0 : index
    %swap3A_142 = tpu.vector_load %arg9[%swap3A_140, %swap3A_141] {strides = array<i32>} : memref<16x128xf32, #tpu.memory_space<vmem>>, vector<16xf32>,
    tpu.vector_store %arg9[%swap3A_140, %swap3A_141], %broadcast_in_dim3A_11 {strides = array<i32>} : memref<16x128xf32, #tpu.memory_space<vmem>>, vector<16xf32>,
    %swap3A_143 = arith.constant 4 : i32
    %swap3A_144 = arith.index_cast %swap3A_143 : i32 to index
    %swap3A_145 = arith.constant 16 : index
    %swap3A_146 = tpu.vector_load %arg9[%swap3A_144, %swap3A_145] {strides = array<i32>} : memref<16x128xf32, #tpu.memory_space<vmem>>, vector<16xf32>,
    tpu.vector_store %arg9[%swap3A_144, %swap3A_145], %broadcast_in_dim3A_11 {strides = array<i32>} : memref<16x128xf32, #tpu.memory_space<vmem>>, vector<16xf32>,
    %swap3A_147 = arith.constant 4 : i32
    %swap3A_148 = arith.index_cast %swap3A_147 : i32 to index
    %swap3A_149 = arith.constant 32 : index
    %swap3A_150 = tpu.vector_load %arg9[%swap3A_148, %swap3A_149] {strides = array<i32>} : memref<16x128xf32, #tpu.memory_space<vmem>>, vector<16xf32>,
    tpu.vector_store %arg9[%swap3A_148, %swap3A_149], %broadcast_in_dim3A_11 {strides = array<i32>} : memref<16x128xf32, #tpu.memory_space<vmem>>, vector<16xf32>,
    %swap3A_151 = arith.constant 4 : i32
    %swap3A_152 = arith.index_cast %swap3A_151 : i32 to index
    %swap3A_153 = arith.constant 48 : index
    %swap3A_154 = tpu.vector_load %arg9[%swap3A_152, %swap3A_153] {strides = array<i32>} : memref<16x128xf32, #tpu.memory_space<vmem>>, vector<16xf32>,
    tpu.vector_store %arg9[%swap3A_152, %swap3A_153], %broadcast_in_dim3A_11 {strides = array<i32>} : memref<16x128xf32, #tpu.memory_space<vmem>>, vector<16xf32>,
    %swap3A_155 = arith.constant 4 : i32
    %swap3A_156 = arith.index_cast %swap3A_155 : i32 to index
    %swap3A_157 = arith.constant 64 : index
    %swap3A_158 = tpu.vector_load %arg9[%swap3A_156, %swap3A_157] {strides = array<i32>} : memref<16x128xf32, #tpu.memory_space<vmem>>, vector<16xf32>,
    tpu.vector_store %arg9[%swap3A_156, %swap3A_157], %broadcast_in_dim3A_11 {strides = array<i32>} : memref<16x128xf32, #tpu.memory_space<vmem>>, vector<16xf32>,
    %swap3A_159 = arith.constant 4 : i32
    %swap3A_160 = arith.index_cast %swap3A_159 : i32 to index
    %swap3A_161 = arith.constant 80 : index
    %swap3A_162 = tpu.vector_load %arg9[%swap3A_160, %swap3A_161] {strides = array<i32>} : memref<16x128xf32, #tpu.memory_space<vmem>>, vector<16xf32>,
    tpu.vector_store %arg9[%swap3A_160, %swap3A_161], %broadcast_in_dim3A_11 {strides = array<i32>} : memref<16x128xf32, #tpu.memory_space<vmem>>, vector<16xf32>,
    %swap3A_163 = arith.constant 4 : i32
    %swap3A_164 = arith.index_cast %swap3A_163 : i32 to index
    %swap3A_165 = arith.constant 96 : index
    %swap3A_166 = tpu.vector_load %arg9[%swap3A_164, %swap3A_165] {strides = array<i32>} : memref<16x128xf32, #tpu.memory_space<vmem>>, vector<16xf32>,
    tpu.vector_store %arg9[%swap3A_164, %swap3A_165], %broadcast_in_dim3A_11 {strides = array<i32>} : memref<16x128xf32, #tpu.memory_space<vmem>>, vector<16xf32>,
    %swap3A_167 = arith.constant 4 : i32
    %swap3A_168 = arith.index_cast %swap3A_167 : i32 to index
    %swap3A_169 = arith.constant 112 : index
    %swap3A_170 = tpu.vector_load %arg9[%swap3A_168, %swap3A_169] {strides = array<i32>} : memref<16x128xf32, #tpu.memory_space<vmem>>, vector<16xf32>,
    tpu.vector_store %arg9[%swap3A_168, %swap3A_169], %broadcast_in_dim3A_11 {strides = array<i32>} : memref<16x128xf32, #tpu.memory_space<vmem>>, vector<16xf32>,
    %swap3A_171 = arith.constant 5 : i32
    %swap3A_172 = arith.index_cast %swap3A_171 : i32 to index
    %swap3A_173 = arith.constant 0 : index
    %swap3A_174 = tpu.vector_load %arg9[%swap3A_172, %swap3A_173] {strides = array<i32>} : memref<16x128xf32, #tpu.memory_space<vmem>>, vector<16xf32>,
    tpu.vector_store %arg9[%swap3A_172, %swap3A_173], %broadcast_in_dim3A_11 {strides = array<i32>} : memref<16x128xf32, #tpu.memory_space<vmem>>, vector<16xf32>,
    %swap3A_175 = arith.constant 5 : i32
    %swap3A_176 = arith.index_cast %swap3A_175 : i32 to index
    %swap3A_177 = arith.constant 16 : index
    %swap3A_178 = tpu.vector_load %arg9[%swap3A_176, %swap3A_177] {strides = array<i32>} : memref<16x128xf32, #tpu.memory_space<vmem>>, vector<16xf32>,
    tpu.vector_store %arg9[%swap3A_176, %swap3A_177], %broadcast_in_dim3A_11 {strides = array<i32>} : memref<16x128xf32, #tpu.memory_space<vmem>>, vector<16xf32>,
    %swap3A_179 = arith.constant 5 : i32
    %swap3A_180 = arith.index_cast %swap3A_179 : i32 to index
    %swap3A_181 = arith.constant 32 : index
    %swap3A_182 = tpu.vector_load %arg9[%swap3A_180, %swap3A_181] {strides = array<i32>} : memref<16x128xf32, #tpu.memory_space<vmem>>, vector<16xf32>,
    tpu.vector_store %arg9[%swap3A_180, %swap3A_181], %broadcast_in_dim3A_11 {strides = array<i32>} : memref<16x128xf32, #tpu.memory_space<vmem>>, vector<16xf32>,
    %swap3A_183 = arith.constant 5 : i32
    %swap3A_184 = arith.index_cast %swap3A_183 : i32 to index
    %swap3A_185 = arith.constant 48 : index
    %swap3A_186 = tpu.vector_load %arg9[%swap3A_184, %swap3A_185] {strides = array<i32>} : memref<16x128xf32, #tpu.memory_space<vmem>>, vector<16xf32>,
    tpu.vector_store %arg9[%swap3A_184, %swap3A_185], %broadcast_in_dim3A_11 {strides = array<i32>} : memref<16x128xf32, #tpu.memory_space<vmem>>, vector<16xf32>,
    %swap3A_187 = arith.constant 5 : i32
    %swap3A_188 = arith.index_cast %swap3A_187 : i32 to index
    %swap3A_189 = arith.constant 64 : index
    %swap3A_190 = tpu.vector_load %arg9[%swap3A_188, %swap3A_189] {strides = array<i32>} : memref<16x128xf32, #tpu.memory_space<vmem>>, vector<16xf32>,
    tpu.vector_store %arg9[%swap3A_188, %swap3A_189], %broadcast_in_dim3A_11 {strides = array<i32>} : memref<16x128xf32, #tpu.memory_space<vmem>>, vector<16xf32>,
    %swap3A_191 = arith.constant 5 : i32
    %swap3A_192 = arith.index_cast %swap3A_191 : i32 to index
    %swap3A_193 = arith.constant 80 : index
    %swap3A_194 = tpu.vector_load %arg9[%swap3A_192, %swap3A_193] {strides = array<i32>} : memref<16x128xf32, #tpu.memory_space<vmem>>, vector<16xf32>,
    tpu.vector_store %arg9[%swap3A_192, %swap3A_193], %broadcast_in_dim3A_11 {strides = array<i32>} : memref<16x128xf32, #tpu.memory_space<vmem>>, vector<16xf32>,
    %swap3A_195 = arith.constant 5 : i32
    %swap3A_196 = arith.index_cast %swap3A_195 : i32 to index
    %swap3A_197 = arith.constant 96 : index
    %swap3A_198 = tpu.vector_load %arg9[%swap3A_196, %swap3A_197] {strides = array<i32>} : memref<16x128xf32, #tpu.memory_space<vmem>>, vector<16xf32>,
    tpu.vector_store %arg9[%swap3A_196, %swap3A_197], %broadcast_in_dim3A_11 {strides = array<i32>} : memref<16x128xf32, #tpu.memory_space<vmem>>, vector<16xf32>,
    %swap3A_199 = arith.constant 5 : i32
    %swap3A_200 = arith.index_cast %swap3A_199 : i32 to index
    %swap3A_201 = arith.constant 112 : index
    %swap3A_202 = tpu.vector_load %arg9[%swap3A_200, %swap3A_201] {strides = array<i32>} : memref<16x128xf32, #tpu.memory_space<vmem>>, vector<16xf32>,
    tpu.vector_store %arg9[%swap3A_200, %swap3A_201], %broadcast_in_dim3A_11 {strides = array<i32>} : memref<16x128xf32, #tpu.memory_space<vmem>>, vector<16xf32>,
    %swap3A_203 = arith.constant 6 : i32
    %swap3A_204 = arith.index_cast %swap3A_203 : i32 to index
    %swap3A_205 = arith.constant 0 : index
    %swap3A_206 = tpu.vector_load %arg9[%swap3A_204, %swap3A_205] {strides = array<i32>} : memref<16x128xf32, #tpu.memory_space<vmem>>, vector<16xf32>,
    tpu.vector_store %arg9[%swap3A_204, %swap3A_205], %broadcast_in_dim3A_11 {strides = array<i32>} : memref<16x128xf32, #tpu.memory_space<vmem>>, vector<16xf32>,
    %swap3A_207 = arith.constant 6 : i32
    %swap3A_208 = arith.index_cast %swap3A_207 : i32 to index
    %swap3A_209 = arith.constant 16 : index
    %swap3A_210 = tpu.vector_load %arg9[%swap3A_208, %swap3A_209] {strides = array<i32>} : memref<16x128xf32, #tpu.memory_space<vmem>>, vector<16xf32>,
    tpu.vector_store %arg9[%swap3A_208, %swap3A_209], %broadcast_in_dim3A_11 {strides = array<i32>} : memref<16x128xf32, #tpu.memory_space<vmem>>, vector<16xf32>,
    %swap3A_211 = arith.constant 6 : i32
    %swap3A_212 = arith.index_cast %swap3A_211 : i32 to index
    %swap3A_213 = arith.constant 32 : index
    %swap3A_214 = tpu.vector_load %arg9[%swap3A_212, %swap3A_213] {strides = array<i32>} : memref<16x128xf32, #tpu.memory_space<vmem>>, vector<16xf32>,
    tpu.vector_store %arg9[%swap3A_212, %swap3A_213], %broadcast_in_dim3A_11 {strides = array<i32>} : memref<16x128xf32, #tpu.memory_space<vmem>>, vector<16xf32>,
    %swap3A_215 = arith.constant 6 : i32
    %swap3A_216 = arith.index_cast %swap3A_215 : i32 to index
    %swap3A_217 = arith.constant 48 : index
    %swap3A_218 = tpu.vector_load %arg9[%swap3A_216, %swap3A_217] {strides = array<i32>} : memref<16x128xf32, #tpu.memory_space<vmem>>, vector<16xf32>,
    tpu.vector_store %arg9[%swap3A_216, %swap3A_217], %broadcast_in_dim3A_11 {strides = array<i32>} : memref<16x128xf32, #tpu.memory_space<vmem>>, vector<16xf32>,
    %swap3A_219 = arith.constant 6 : i32
    %swap3A_220 = arith.index_cast %swap3A_219 : i32 to index
    %swap3A_221 = arith.constant 64 : index
    %swap3A_222 = tpu.vector_load %arg9[%swap3A_220, %swap3A_221] {strides = array<i32>} : memref<16x128xf32, #tpu.memory_space<vmem>>, vector<16xf32>,
    tpu.vector_store %arg9[%swap3A_220, %swap3A_221], %broadcast_in_dim3A_11 {strides = array<i32>} : memref<16x128xf32, #tpu.memory_space<vmem>>, vector<16xf32>,
    %swap3A_223 = arith.constant 6 : i32
    %swap3A_224 = arith.index_cast %swap3A_223 : i32 to index
    %swap3A_225 = arith.constant 80 : index
    %swap3A_226 = tpu.vector_load %arg9[%swap3A_224, %swap3A_225] {strides = array<i32>} : memref<16x128xf32, #tpu.memory_space<vmem>>, vector<16xf32>,
    tpu.vector_store %arg9[%swap3A_224, %swap3A_225], %broadcast_in_dim3A_11 {strides = array<i32>} : memref<16x128xf32, #tpu.memory_space<vmem>>, vector<16xf32>,
    %swap3A_227 = arith.constant 6 : i32
    %swap3A_228 = arith.index_cast %swap3A_227 : i32 to index
    %swap3A_229 = arith.constant 96 : index
    %swap3A_230 = tpu.vector_load %arg9[%swap3A_228, %swap3A_229] {strides = array<i32>} : memref<16x128xf32, #tpu.memory_space<vmem>>, vector<16xf32>,
    tpu.vector_store %arg9[%swap3A_228, %swap3A_229], %broadcast_in_dim3A_11 {strides = array<i32>} : memref<16x128xf32, #tpu.memory_space<vmem>>, vector<16xf32>,
    %swap3A_231 = arith.constant 6 : i32
    %swap3A_232 = arith.index_cast %swap3A_231 : i32 to index
    %swap3A_233 = arith.constant 112 : index
    %swap3A_234 = tpu.vector_load %arg9[%swap3A_232, %swap3A_233] {strides = array<i32>} : memref<16x128xf32, #tpu.memory_space<vmem>>, vector<16xf32>,
    tpu.vector_store %arg9[%swap3A_232, %swap3A_233], %broadcast_in_dim3A_11 {strides = array<i32>} : memref<16x128xf32, #tpu.memory_space<vmem>>, vector<16xf32>,
    %swap3A_235 = arith.constant 7 : i32
    %swap3A_236 = arith.index_cast %swap3A_235 : i32 to index
    %swap3A_237 = arith.constant 0 : index
    %swap3A_238 = tpu.vector_load %arg9[%swap3A_236, %swap3A_237] {strides = array<i32>} : memref<16x128xf32, #tpu.memory_space<vmem>>, vector<16xf32>,
    tpu.vector_store %arg9[%swap3A_236, %swap3A_237], %broadcast_in_dim3A_11 {strides = array<i32>} : memref<16x128xf32, #tpu.memory_space<vmem>>, vector<16xf32>,
    %swap3A_239 = arith.constant 7 : i32
    %swap3A_240 = arith.index_cast %swap3A_239 : i32 to index
    %swap3A_241 = arith.constant 16 : index
    %swap3A_242 = tpu.vector_load %arg9[%swap3A_240, %swap3A_241] {strides = array<i32>} : memref<16x128xf32, #tpu.memory_space<vmem>>, vector<16xf32>,
    tpu.vector_store %arg9[%swap3A_240, %swap3A_241], %broadcast_in_dim3A_11 {strides = array<i32>} : memref<16x128xf32, #tpu.memory_space<vmem>>, vector<16xf32>,
    %swap3A_243 = arith.constant 7 : i32
    %swap3A_244 = arith.index_cast %swap3A_243 : i32 to index
    %swap3A_245 = arith.constant 32 : index
    %swap3A_246 = tpu.vector_load %arg9[%swap3A_244, %swap3A_245] {strides = array<i32>} : memref<16x128xf32, #tpu.memory_space<vmem>>, vector<16xf32>,
    tpu.vector_store %arg9[%swap3A_244, %swap3A_245], %broadcast_in_dim3A_11 {strides = array<i32>} : memref<16x128xf32, #tpu.memory_space<vmem>>, vector<16xf32>,
    %swap3A_247 = arith.constant 7 : i32
    %swap3A_248 = arith.index_cast %swap3A_247 : i32 to index
    %swap3A_249 = arith.constant 48 : index
    %swap3A_250 = tpu.vector_load %arg9[%swap3A_248, %swap3A_249] {strides = array<i32>} : memref<16x128xf32, #tpu.memory_space<vmem>>, vector<16xf32>,
    tpu.vector_store %arg9[%swap3A_248, %swap3A_249], %broadcast_in_dim3A_11 {strides = array<i32>} : memref<16x128xf32, #tpu.memory_space<vmem>>, vector<16xf32>,
    %swap3A_251 = arith.constant 7 : i32
    %swap3A_252 = arith.index_cast %swap3A_251 : i32 to index
    %swap3A_253 = arith.constant 64 : index
    %swap3A_254 = tpu.vector_load %arg9[%swap3A_252, %swap3A_253] {strides = array<i32>} : memref<16x128xf32, #tpu.memory_space<vmem>>, vector<16xf32>,
    tpu.vector_store %arg9[%swap3A_252, %swap3A_253], %broadcast_in_dim3A_11 {strides = array<i32>} : memref<16x128xf32, #tpu.memory_space<vmem>>, vector<16xf32>,
    %swap3A_255 = arith.constant 7 : i32
    %swap3A_256 = arith.index_cast %swap3A_255 : i32 to index
    %swap3A_257 = arith.constant 80 : index
    %swap3A_258 = tpu.vector_load %arg9[%swap3A_256, %swap3A_257] {strides = array<i32>} : memref<16x128xf32, #tpu.memory_space<vmem>>, vector<16xf32>,
    tpu.vector_store %arg9[%swap3A_256, %swap3A_257], %broadcast_in_dim3A_11 {strides = array<i32>} : memref<16x128xf32, #tpu.memory_space<vmem>>, vector<16xf32>,
    %swap3A_259 = arith.constant 7 : i32
    %swap3A_260 = arith.index_cast %swap3A_259 : i32 to index
    %swap3A_261 = arith.constant 96 : index
    %swap3A_262 = tpu.vector_load %arg9[%swap3A_260, %swap3A_261] {strides = array<i32>} : memref<16x128xf32, #tpu.memory_space<vmem>>, vector<16xf32>,
    tpu.vector_store %arg9[%swap3A_260, %swap3A_261], %broadcast_in_dim3A_11 {strides = array<i32>} : memref<16x128xf32, #tpu.memory_space<vmem>>, vector<16xf32>,
    %swap3A_263 = arith.constant 7 : i32
    %swap3A_264 = arith.index_cast %swap3A_263 : i32 to index
    %swap3A_265 = arith.constant 112 : index
    %swap3A_266 = tpu.vector_load %arg9[%swap3A_264, %swap3A_265] {strides = array<i32>} : memref<16x128xf32, #tpu.memory_space<vmem>>, vector<16xf32>,
    tpu.vector_store %arg9[%swap3A_264, %swap3A_265], %broadcast_in_dim3A_11 {strides = array<i32>} : memref<16x128xf32, #tpu.memory_space<vmem>>, vector<16xf32>,
    %swap3A_267 = arith.constant 8 : i32
    %swap3A_268 = arith.index_cast %swap3A_267 : i32 to index
    %swap3A_269 = arith.constant 0 : index
    %swap3A_270 = tpu.vector_load %arg9[%swap3A_268, %swap3A_269] {strides = array<i32>} : memref<16x128xf32, #tpu.memory_space<vmem>>, vector<16xf32>,
    tpu.vector_store %arg9[%swap3A_268, %swap3A_269], %broadcast_in_dim3A_11 {strides = array<i32>} : memref<16x128xf32, #tpu.memory_space<vmem>>, vector<16xf32>,
    %swap3A_271 = arith.constant 8 : i32
    %swap3A_272 = arith.index_cast %swap3A_271 : i32 to index
    %swap3A_273 = arith.constant 16 : index
    %swap3A_274 = tpu.vector_load %arg9[%swap3A_272, %swap3A_273] {strides = array<i32>} : memref<16x128xf32, #tpu.memory_space<vmem>>, vector<16xf32>,
    tpu.vector_store %arg9[%swap3A_272, %swap3A_273], %broadcast_in_dim3A_11 {strides = array<i32>} : memref<16x128xf32, #tpu.memory_space<vmem>>, vector<16xf32>,
    %swap3A_275 = arith.constant 8 : i32
    %swap3A_276 = arith.index_cast %swap3A_275 : i32 to index
    %swap3A_277 = arith.constant 32 : index
    %swap3A_278 = tpu.vector_load %arg9[%swap3A_276, %swap3A_277] {strides = array<i32>} : memref<16x128xf32, #tpu.memory_space<vmem>>, vector<16xf32>,
    tpu.vector_store %arg9[%swap3A_276, %swap3A_277], %broadcast_in_dim3A_11 {strides = array<i32>} : memref<16x128xf32, #tpu.memory_space<vmem>>, vector<16xf32>,
    %swap3A_279 = arith.constant 8 : i32
    %swap3A_280 = arith.index_cast %swap3A_279 : i32 to index
    %swap3A_281 = arith.constant 48 : index
    %swap3A_282 = tpu.vector_load %arg9[%swap3A_280, %swap3A_281] {strides = array<i32>} : memref<16x128xf32, #tpu.memory_space<vmem>>, vector<16xf32>,
    tpu.vector_store %arg9[%swap3A_280, %swap3A_281], %broadcast_in_dim3A_11 {strides = array<i32>} : memref<16x128xf32, #tpu.memory_space<vmem>>, vector<16xf32>,
    %swap3A_283 = arith.constant 8 : i32
    %swap3A_284 = arith.index_cast %swap3A_283 : i32 to index
    %swap3A_285 = arith.constant 64 : index
    %swap3A_286 = tpu.vector_load %arg9[%swap3A_284, %swap3A_285] {strides = array<i32>} : memref<16x128xf32, #tpu.memory_space<vmem>>, vector<16xf32>,
    tpu.vector_store %arg9[%swap3A_284, %swap3A_285], %broadcast_in_dim3A_11 {strides = array<i32>} : memref<16x128xf32, #tpu.memory_space<vmem>>, vector<16xf32>,
    %swap3A_287 = arith.constant 8 : i32
    %swap3A_288 = arith.index_cast %swap3A_287 : i32 to index
    %swap3A_289 = arith.constant 80 : index
    %swap3A_290 = tpu.vector_load %arg9[%swap3A_288, %swap3A_289] {strides = array<i32>} : memref<16x128xf32, #tpu.memory_space<vmem>>, vector<16xf32>,
    tpu.vector_store %arg9[%swap3A_288, %swap3A_289], %broadcast_in_dim3A_11 {strides = array<i32>} : memref<16x128xf32, #tpu.memory_space<vmem>>, vector<16xf32>,
    %swap3A_291 = arith.constant 8 : i32
    %swap3A_292 = arith.index_cast %swap3A_291 : i32 to index
    %swap3A_293 = arith.constant 96 : index
    %swap3A_294 = tpu.vector_load %arg9[%swap3A_292, %swap3A_293] {strides = array<i32>} : memref<16x128xf32, #tpu.memory_space<vmem>>, vector<16xf32>,
    tpu.vector_store %arg9[%swap3A_292, %swap3A_293], %broadcast_in_dim3A_11 {strides = array<i32>} : memref<16x128xf32, #tpu.memory_space<vmem>>, vector<16xf32>,
    %swap3A_295 = arith.constant 8 : i32
    %swap3A_296 = arith.index_cast %swap3A_295 : i32 to index
    %swap3A_297 = arith.constant 112 : index
    %swap3A_298 = tpu.vector_load %arg9[%swap3A_296, %swap3A_297] {strides = array<i32>} : memref<16x128xf32, #tpu.memory_space<vmem>>, vector<16xf32>,
    tpu.vector_store %arg9[%swap3A_296, %swap3A_297], %broadcast_in_dim3A_11 {strides = array<i32>} : memref<16x128xf32, #tpu.memory_space<vmem>>, vector<16xf32>,
    %swap3A_299 = arith.constant 9 : i32
    %swap3A_300 = arith.index_cast %swap3A_299 : i32 to index
    %swap3A_301 = arith.constant 0 : index
    %swap3A_302 = tpu.vector_load %arg9[%swap3A_300, %swap3A_301] {strides = array<i32>} : memref<16x128xf32, #tpu.memory_space<vmem>>, vector<16xf32>,
    tpu.vector_store %arg9[%swap3A_300, %swap3A_301], %broadcast_in_dim3A_11 {strides = array<i32>} : memref<16x128xf32, #tpu.memory_space<vmem>>, vector<16xf32>,
    %swap3A_303 = arith.constant 9 : i32
    %swap3A_304 = arith.index_cast %swap3A_303 : i32 to index
    %swap3A_305 = arith.constant 16 : index
    %swap3A_306 = tpu.vector_load %arg9[%swap3A_304, %swap3A_305] {strides = array<i32>} : memref<16x128xf32, #tpu.memory_space<vmem>>, vector<16xf32>,
    tpu.vector_store %arg9[%swap3A_304, %swap3A_305], %broadcast_in_dim3A_11 {strides = array<i32>} : memref<16x128xf32, #tpu.memory_space<vmem>>, vector<16xf32>,
    %swap3A_307 = arith.constant 9 : i32
    %swap3A_308 = arith.index_cast %swap3A_307 : i32 to index
    %swap3A_309 = arith.constant 32 : index
    %swap3A_310 = tpu.vector_load %arg9[%swap3A_308, %swap3A_309] {strides = array<i32>} : memref<16x128xf32, #tpu.memory_space<vmem>>, vector<16xf32>,
    tpu.vector_store %arg9[%swap3A_308, %swap3A_309], %broadcast_in_dim3A_11 {strides = array<i32>} : memref<16x128xf32, #tpu.memory_space<vmem>>, vector<16xf32>,
    %swap3A_311 = arith.constant 9 : i32
    %swap3A_312 = arith.index_cast %swap3A_311 : i32 to index
    %swap3A_313 = arith.constant 48 : index
    %swap3A_314 = tpu.vector_load %arg9[%swap3A_312, %swap3A_313] {strides = array<i32>} : memref<16x128xf32, #tpu.memory_space<vmem>>, vector<16xf32>,
    tpu.vector_store %arg9[%swap3A_312, %swap3A_313], %broadcast_in_dim3A_11 {strides = array<i32>} : memref<16x128xf32, #tpu.memory_space<vmem>>, vector<16xf32>,
    %swap3A_315 = arith.constant 9 : i32
    %swap3A_316 = arith.index_cast %swap3A_315 : i32 to index
    %swap3A_317 = arith.constant 64 : index
    %swap3A_318 = tpu.vector_load %arg9[%swap3A_316, %swap3A_317] {strides = array<i32>} : memref<16x128xf32, #tpu.memory_space<vmem>>, vector<16xf32>,
    tpu.vector_store %arg9[%swap3A_316, %swap3A_317], %broadcast_in_dim3A_11 {strides = array<i32>} : memref<16x128xf32, #tpu.memory_space<vmem>>, vector<16xf32>,
    %swap3A_319 = arith.constant 9 : i32
    %swap3A_320 = arith.index_cast %swap3A_319 : i32 to index
    %swap3A_321 = arith.constant 80 : index
    %swap3A_322 = tpu.vector_load %arg9[%swap3A_320, %swap3A_321] {strides = array<i32>} : memref<16x128xf32, #tpu.memory_space<vmem>>, vector<16xf32>,
    tpu.vector_store %arg9[%swap3A_320, %swap3A_321], %broadcast_in_dim3A_11 {strides = array<i32>} : memref<16x128xf32, #tpu.memory_space<vmem>>, vector<16xf32>,
    %swap3A_323 = arith.constant 9 : i32
    %swap3A_324 = arith.index_cast %swap3A_323 : i32 to index
    %swap3A_325 = arith.constant 96 : index
    %swap3A_326 = tpu.vector_load %arg9[%swap3A_324, %swap3A_325] {strides = array<i32>} : memref<16x128xf32, #tpu.memory_space<vmem>>, vector<16xf32>,
    tpu.vector_store %arg9[%swap3A_324, %swap3A_325], %broadcast_in_dim3A_11 {strides = array<i32>} : memref<16x128xf32, #tpu.memory_space<vmem>>, vector<16xf32>,
    %swap3A_327 = arith.constant 9 : i32
    %swap3A_328 = arith.index_cast %swap3A_327 : i32 to index
    %swap3A_329 = arith.constant 112 : index
    %swap3A_330 = tpu.vector_load %arg9[%swap3A_328, %swap3A_329] {strides = array<i32>} : memref<16x128xf32, #tpu.memory_space<vmem>>, vector<16xf32>,
    tpu.vector_store %arg9[%swap3A_328, %swap3A_329], %broadcast_in_dim3A_11 {strides = array<i32>} : memref<16x128xf32, #tpu.memory_space<vmem>>, vector<16xf32>,
    %swap3A_331 = arith.constant 10 : i32
    %swap3A_332 = arith.index_cast %swap3A_331 : i32 to index
    %swap3A_333 = arith.constant 0 : index
    %swap3A_334 = tpu.vector_load %arg9[%swap3A_332, %swap3A_333] {strides = array<i32>} : memref<16x128xf32, #tpu.memory_space<vmem>>, vector<16xf32>,
    tpu.vector_store %arg9[%swap3A_332, %swap3A_333], %broadcast_in_dim3A_11 {strides = array<i32>} : memref<16x128xf32, #tpu.memory_space<vmem>>, vector<16xf32>,
    %swap3A_335 = arith.constant 10 : i32
    %swap3A_336 = arith.index_cast %swap3A_335 : i32 to index
    %swap3A_337 = arith.constant 16 : index
    %swap3A_338 = tpu.vector_load %arg9[%swap3A_336, %swap3A_337] {strides = array<i32>} : memref<16x128xf32, #tpu.memory_space<vmem>>, vector<16xf32>,
    tpu.vector_store %arg9[%swap3A_336, %swap3A_337], %broadcast_in_dim3A_11 {strides = array<i32>} : memref<16x128xf32, #tpu.memory_space<vmem>>, vector<16xf32>,
    %swap3A_339 = arith.constant 10 : i32
    %swap3A_340 = arith.index_cast %swap3A_339 : i32 to index
    %swap3A_341 = arith.constant 32 : index
    %swap3A_342 = tpu.vector_load %arg9[%swap3A_340, %swap3A_341] {strides = array<i32>} : memref<16x128xf32, #tpu.memory_space<vmem>>, vector<16xf32>,
    tpu.vector_store %arg9[%swap3A_340, %swap3A_341], %broadcast_in_dim3A_11 {strides = array<i32>} : memref<16x128xf32, #tpu.memory_space<vmem>>, vector<16xf32>,
    %swap3A_343 = arith.constant 10 : i32
    %swap3A_344 = arith.index_cast %swap3A_343 : i32 to index
    %swap3A_345 = arith.constant 48 : index
    %swap3A_346 = tpu.vector_load %arg9[%swap3A_344, %swap3A_345] {strides = array<i32>} : memref<16x128xf32, #tpu.memory_space<vmem>>, vector<16xf32>,
    tpu.vector_store %arg9[%swap3A_344, %swap3A_345], %broadcast_in_dim3A_11 {strides = array<i32>} : memref<16x128xf32, #tpu.memory_space<vmem>>, vector<16xf32>,
    %swap3A_347 = arith.constant 10 : i32
    %swap3A_348 = arith.index_cast %swap3A_347 : i32 to index
    %swap3A_349 = arith.constant 64 : index
    %swap3A_350 = tpu.vector_load %arg9[%swap3A_348, %swap3A_349] {strides = array<i32>} : memref<16x128xf32, #tpu.memory_space<vmem>>, vector<16xf32>,
    tpu.vector_store %arg9[%swap3A_348, %swap3A_349], %broadcast_in_dim3A_11 {strides = array<i32>} : memref<16x128xf32, #tpu.memory_space<vmem>>, vector<16xf32>,
    %swap3A_351 = arith.constant 10 : i32
    %swap3A_352 = arith.index_cast %swap3A_351 : i32 to index
    %swap3A_353 = arith.constant 80 : index
    %swap3A_354 = tpu.vector_load %arg9[%swap3A_352, %swap3A_353] {strides = array<i32>} : memref<16x128xf32, #tpu.memory_space<vmem>>, vector<16xf32>,
    tpu.vector_store %arg9[%swap3A_352, %swap3A_353], %broadcast_in_dim3A_11 {strides = array<i32>} : memref<16x128xf32, #tpu.memory_space<vmem>>, vector<16xf32>,
    %swap3A_355 = arith.constant 10 : i32
    %swap3A_356 = arith.index_cast %swap3A_355 : i32 to index
    %swap3A_357 = arith.constant 96 : index
    %swap3A_358 = tpu.vector_load %arg9[%swap3A_356, %swap3A_357] {strides = array<i32>} : memref<16x128xf32, #tpu.memory_space<vmem>>, vector<16xf32>,
    tpu.vector_store %arg9[%swap3A_356, %swap3A_357], %broadcast_in_dim3A_11 {strides = array<i32>} : memref<16x128xf32, #tpu.memory_space<vmem>>, vector<16xf32>,
    %swap3A_359 = arith.constant 10 : i32
    %swap3A_360 = arith.index_cast %swap3A_359 : i32 to index
    %swap3A_361 = arith.constant 112 : index
    %swap3A_362 = tpu.vector_load %arg9[%swap3A_360, %swap3A_361] {strides = array<i32>} : memref<16x128xf32, #tpu.memory_space<vmem>>, vector<16xf32>,
    tpu.vector_store %arg9[%swap3A_360, %swap3A_361], %broadcast_in_dim3A_11 {strides = array<i32>} : memref<16x128xf32, #tpu.memory_space<vmem>>, vector<16xf32>,
    %swap3A_363 = arith.constant 11 : i32
    %swap3A_364 = arith.index_cast %swap3A_363 : i32 to index
    %swap3A_365 = arith.constant 0 : index
    %swap3A_366 = tpu.vector_load %arg9[%swap3A_364, %swap3A_365] {strides = array<i32>} : memref<16x128xf32, #tpu.memory_space<vmem>>, vector<16xf32>,
    tpu.vector_store %arg9[%swap3A_364, %swap3A_365], %broadcast_in_dim3A_11 {strides = array<i32>} : memref<16x128xf32, #tpu.memory_space<vmem>>, vector<16xf32>,
    %swap3A_367 = arith.constant 11 : i32
    %swap3A_368 = arith.index_cast %swap3A_367 : i32 to index
    %swap3A_369 = arith.constant 16 : index
    %swap3A_370 = tpu.vector_load %arg9[%swap3A_368, %swap3A_369] {strides = array<i32>} : memref<16x128xf32, #tpu.memory_space<vmem>>, vector<16xf32>,
    tpu.vector_store %arg9[%swap3A_368, %swap3A_369], %broadcast_in_dim3A_11 {strides = array<i32>} : memref<16x128xf32, #tpu.memory_space<vmem>>, vector<16xf32>,
    %swap3A_371 = arith.constant 11 : i32
    %swap3A_372 = arith.index_cast %swap3A_371 : i32 to index
    %swap3A_373 = arith.constant 32 : index
    %swap3A_374 = tpu.vector_load %arg9[%swap3A_372, %swap3A_373] {strides = array<i32>} : memref<16x128xf32, #tpu.memory_space<vmem>>, vector<16xf32>,
    tpu.vector_store %arg9[%swap3A_372, %swap3A_373], %broadcast_in_dim3A_11 {strides = array<i32>} : memref<16x128xf32, #tpu.memory_space<vmem>>, vector<16xf32>,
    %swap3A_375 = arith.constant 11 : i32
    %swap3A_376 = arith.index_cast %swap3A_375 : i32 to index
    %swap3A_377 = arith.constant 48 : index
    %swap3A_378 = tpu.vector_load %arg9[%swap3A_376, %swap3A_377] {strides = array<i32>} : memref<16x128xf32, #tpu.memory_space<vmem>>, vector<16xf32>,
    tpu.vector_store %arg9[%swap3A_376, %swap3A_377], %broadcast_in_dim3A_11 {strides = array<i32>} : memref<16x128xf32, #tpu.memory_space<vmem>>, vector<16xf32>,
    %swap3A_379 = arith.constant 11 : i32
    %swap3A_380 = arith.index_cast %swap3A_379 : i32 to index
    %swap3A_381 = arith.constant 64 : index
    %swap3A_382 = tpu.vector_load %arg9[%swap3A_380, %swap3A_381] {strides = array<i32>} : memref<16x128xf32, #tpu.memory_space<vmem>>, vector<16xf32>,
    tpu.vector_store %arg9[%swap3A_380, %swap3A_381], %broadcast_in_dim3A_11 {strides = array<i32>} : memref<16x128xf32, #tpu.memory_space<vmem>>, vector<16xf32>,
    %swap3A_383 = arith.constant 11 : i32
    %swap3A_384 = arith.index_cast %swap3A_383 : i32 to index
    %swap3A_385 = arith.constant 80 : index
    %swap3A_386 = tpu.vector_load %arg9[%swap3A_384, %swap3A_385] {strides = array<i32>} : memref<16x128xf32, #tpu.memory_space<vmem>>, vector<16xf32>,
    tpu.vector_store %arg9[%swap3A_384, %swap3A_385], %broadcast_in_dim3A_11 {strides = array<i32>} : memref<16x128xf32, #tpu.memory_space<vmem>>, vector<16xf32>,
    %swap3A_387 = arith.constant 11 : i32
    %swap3A_388 = arith.index_cast %swap3A_387 : i32 to index
    %swap3A_389 = arith.constant 96 : index
    %swap3A_390 = tpu.vector_load %arg9[%swap3A_388, %swap3A_389] {strides = array<i32>} : memref<16x128xf32, #tpu.memory_space<vmem>>, vector<16xf32>,
    tpu.vector_store %arg9[%swap3A_388, %swap3A_389], %broadcast_in_dim3A_11 {strides = array<i32>} : memref<16x128xf32, #tpu.memory_space<vmem>>, vector<16xf32>,
    %swap3A_391 = arith.constant 11 : i32
    %swap3A_392 = arith.index_cast %swap3A_391 : i32 to index
    %swap3A_393 = arith.constant 112 : index
    %swap3A_394 = tpu.vector_load %arg9[%swap3A_392, %swap3A_393] {strides = array<i32>} : memref<16x128xf32, #tpu.memory_space<vmem>>, vector<16xf32>,
    tpu.vector_store %arg9[%swap3A_392, %swap3A_393], %broadcast_in_dim3A_11 {strides = array<i32>} : memref<16x128xf32, #tpu.memory_space<vmem>>, vector<16xf32>,
    %swap3A_395 = arith.constant 12 : i32
    %swap3A_396 = arith.index_cast %swap3A_395 : i32 to index
    %swap3A_397 = arith.constant 0 : index
    %swap3A_398 = tpu.vector_load %arg9[%swap3A_396, %swap3A_397] {strides = array<i32>} : memref<16x128xf32, #tpu.memory_space<vmem>>, vector<16xf32>,
    tpu.vector_store %arg9[%swap3A_396, %swap3A_397], %broadcast_in_dim3A_11 {strides = array<i32>} : memref<16x128xf32, #tpu.memory_space<vmem>>, vector<16xf32>,
    %swap3A_399 = arith.constant 12 : i32
    %swap3A_400 = arith.index_cast %swap3A_399 : i32 to index
    %swap3A_401 = arith.constant 16 : index
    %swap3A_402 = tpu.vector_load %arg9[%swap3A_400, %swap3A_401] {strides = array<i32>} : memref<16x128xf32, #tpu.memory_space<vmem>>, vector<16xf32>,
    tpu.vector_store %arg9[%swap3A_400, %swap3A_401], %broadcast_in_dim3A_11 {strides = array<i32>} : memref<16x128xf32, #tpu.memory_space<vmem>>, vector<16xf32>,
    %swap3A_403 = arith.constant 12 : i32
    %swap3A_404 = arith.index_cast %swap3A_403 : i32 to index
    %swap3A_405 = arith.constant 32 : index
    %swap3A_406 = tpu.vector_load %arg9[%swap3A_404, %swap3A_405] {strides = array<i32>} : memref<16x128xf32, #tpu.memory_space<vmem>>, vector<16xf32>,
    tpu.vector_store %arg9[%swap3A_404, %swap3A_405], %broadcast_in_dim3A_11 {strides = array<i32>} : memref<16x128xf32, #tpu.memory_space<vmem>>, vector<16xf32>,
    %swap3A_407 = arith.constant 12 : i32
    %swap3A_408 = arith.index_cast %swap3A_407 : i32 to index
    %swap3A_409 = arith.constant 48 : index
    %swap3A_410 = tpu.vector_load %arg9[%swap3A_408, %swap3A_409] {strides = array<i32>} : memref<16x128xf32, #tpu.memory_space<vmem>>, vector<16xf32>,
    tpu.vector_store %arg9[%swap3A_408, %swap3A_409], %broadcast_in_dim3A_11 {strides = array<i32>} : memref<16x128xf32, #tpu.memory_space<vmem>>, vector<16xf32>,
    %swap3A_411 = arith.constant 12 : i32
    %swap3A_412 = arith.index_cast %swap3A_411 : i32 to index
    %swap3A_413 = arith.constant 64 : index
    %swap3A_414 = tpu.vector_load %arg9[%swap3A_412, %swap3A_413] {strides = array<i32>} : memref<16x128xf32, #tpu.memory_space<vmem>>, vector<16xf32>,
    tpu.vector_store %arg9[%swap3A_412, %swap3A_413], %broadcast_in_dim3A_11 {strides = array<i32>} : memref<16x128xf32, #tpu.memory_space<vmem>>, vector<16xf32>,
    %swap3A_415 = arith.constant 12 : i32
    %swap3A_416 = arith.index_cast %swap3A_415 : i32 to index
    %swap3A_417 = arith.constant 80 : index
    %swap3A_418 = tpu.vector_load %arg9[%swap3A_416, %swap3A_417] {strides = array<i32>} : memref<16x128xf32, #tpu.memory_space<vmem>>, vector<16xf32>,
    tpu.vector_store %arg9[%swap3A_416, %swap3A_417], %broadcast_in_dim3A_11 {strides = array<i32>} : memref<16x128xf32, #tpu.memory_space<vmem>>, vector<16xf32>,
    %swap3A_419 = arith.constant 12 : i32
    %swap3A_420 = arith.index_cast %swap3A_419 : i32 to index
    %swap3A_421 = arith.constant 96 : index
    %swap3A_422 = tpu.vector_load %arg9[%swap3A_420, %swap3A_421] {strides = array<i32>} : memref<16x128xf32, #tpu.memory_space<vmem>>, vector<16xf32>,
    tpu.vector_store %arg9[%swap3A_420, %swap3A_421], %broadcast_in_dim3A_11 {strides = array<i32>} : memref<16x128xf32, #tpu.memory_space<vmem>>, vector<16xf32>,
    %swap3A_423 = arith.constant 12 : i32
    %swap3A_424 = arith.index_cast %swap3A_423 : i32 to index
    %swap3A_425 = arith.constant 112 : index
    %swap3A_426 = tpu.vector_load %arg9[%swap3A_424, %swap3A_425] {strides = array<i32>} : memref<16x128xf32, #tpu.memory_space<vmem>>, vector<16xf32>,
    tpu.vector_store %arg9[%swap3A_424, %swap3A_425], %broadcast_in_dim3A_11 {strides = array<i32>} : memref<16x128xf32, #tpu.memory_space<vmem>>, vector<16xf32>,
    %swap3A_427 = arith.constant 13 : i32
    %swap3A_428 = arith.index_cast %swap3A_427 : i32 to index
    %swap3A_429 = arith.constant 0 : index
    %swap3A_430 = tpu.vector_load %arg9[%swap3A_428, %swap3A_429] {strides = array<i32>} : memref<16x128xf32, #tpu.memory_space<vmem>>, vector<16xf32>,
    tpu.vector_store %arg9[%swap3A_428, %swap3A_429], %broadcast_in_dim3A_11 {strides = array<i32>} : memref<16x128xf32, #tpu.memory_space<vmem>>, vector<16xf32>,
    %swap3A_431 = arith.constant 13 : i32
    %swap3A_432 = arith.index_cast %swap3A_431 : i32 to index
    %swap3A_433 = arith.constant 16 : index
    %swap3A_434 = tpu.vector_load %arg9[%swap3A_432, %swap3A_433] {strides = array<i32>} : memref<16x128xf32, #tpu.memory_space<vmem>>, vector<16xf32>,
    tpu.vector_store %arg9[%swap3A_432, %swap3A_433], %broadcast_in_dim3A_11 {strides = array<i32>} : memref<16x128xf32, #tpu.memory_space<vmem>>, vector<16xf32>,
    %swap3A_435 = arith.constant 13 : i32
    %swap3A_436 = arith.index_cast %swap3A_435 : i32 to index
    %swap3A_437 = arith.constant 32 : index
    %swap3A_438 = tpu.vector_load %arg9[%swap3A_436, %swap3A_437] {strides = array<i32>} : memref<16x128xf32, #tpu.memory_space<vmem>>, vector<16xf32>,
    tpu.vector_store %arg9[%swap3A_436, %swap3A_437], %broadcast_in_dim3A_11 {strides = array<i32>} : memref<16x128xf32, #tpu.memory_space<vmem>>, vector<16xf32>,
    %swap3A_439 = arith.constant 13 : i32
    %swap3A_440 = arith.index_cast %swap3A_439 : i32 to index
    %swap3A_441 = arith.constant 48 : index
    %swap3A_442 = tpu.vector_load %arg9[%swap3A_440, %swap3A_441] {strides = array<i32>} : memref<16x128xf32, #tpu.memory_space<vmem>>, vector<16xf32>,
    tpu.vector_store %arg9[%swap3A_440, %swap3A_441], %broadcast_in_dim3A_11 {strides = array<i32>} : memref<16x128xf32, #tpu.memory_space<vmem>>, vector<16xf32>,
    %swap3A_443 = arith.constant 13 : i32
    %swap3A_444 = arith.index_cast %swap3A_443 : i32 to index
    %swap3A_445 = arith.constant 64 : index
    %swap3A_446 = tpu.vector_load %arg9[%swap3A_444, %swap3A_445] {strides = array<i32>} : memref<16x128xf32, #tpu.memory_space<vmem>>, vector<16xf32>,
    tpu.vector_store %arg9[%swap3A_444, %swap3A_445], %broadcast_in_dim3A_11 {strides = array<i32>} : memref<16x128xf32, #tpu.memory_space<vmem>>, vector<16xf32>,
    %swap3A_447 = arith.constant 13 : i32
    %swap3A_448 = arith.index_cast %swap3A_447 : i32 to index
    %swap3A_449 = arith.constant 80 : index
    %swap3A_450 = tpu.vector_load %arg9[%swap3A_448, %swap3A_449] {strides = array<i32>} : memref<16x128xf32, #tpu.memory_space<vmem>>, vector<16xf32>,
    tpu.vector_store %arg9[%swap3A_448, %swap3A_449], %broadcast_in_dim3A_11 {strides = array<i32>} : memref<16x128xf32, #tpu.memory_space<vmem>>, vector<16xf32>,
    %swap3A_451 = arith.constant 13 : i32
    %swap3A_452 = arith.index_cast %swap3A_451 : i32 to index
    %swap3A_453 = arith.constant 96 : index
    %swap3A_454 = tpu.vector_load %arg9[%swap3A_452, %swap3A_453] {strides = array<i32>} : memref<16x128xf32, #tpu.memory_space<vmem>>, vector<16xf32>,
    tpu.vector_store %arg9[%swap3A_452, %swap3A_453], %broadcast_in_dim3A_11 {strides = array<i32>} : memref<16x128xf32, #tpu.memory_space<vmem>>, vector<16xf32>,
    %swap3A_455 = arith.constant 13 : i32
    %swap3A_456 = arith.index_cast %swap3A_455 : i32 to index
    %swap3A_457 = arith.constant 112 : index
    %swap3A_458 = tpu.vector_load %arg9[%swap3A_456, %swap3A_457] {strides = array<i32>} : memref<16x128xf32, #tpu.memory_space<vmem>>, vector<16xf32>,
    tpu.vector_store %arg9[%swap3A_456, %swap3A_457], %broadcast_in_dim3A_11 {strides = array<i32>} : memref<16x128xf32, #tpu.memory_space<vmem>>, vector<16xf32>,
    %swap3A_459 = arith.constant 14 : i32
    %swap3A_460 = arith.index_cast %swap3A_459 : i32 to index
    %swap3A_461 = arith.constant 0 : index
    %swap3A_462 = tpu.vector_load %arg9[%swap3A_460, %swap3A_461] {strides = array<i32>} : memref<16x128xf32, #tpu.memory_space<vmem>>, vector<16xf32>,
    tpu.vector_store %arg9[%swap3A_460, %swap3A_461], %broadcast_in_dim3A_11 {strides = array<i32>} : memref<16x128xf32, #tpu.memory_space<vmem>>, vector<16xf32>,
    %swap3A_463 = arith.constant 14 : i32
    %swap3A_464 = arith.index_cast %swap3A_463 : i32 to index
    %swap3A_465 = arith.constant 16 : index
    %swap3A_466 = tpu.vector_load %arg9[%swap3A_464, %swap3A_465] {strides = array<i32>} : memref<16x128xf32, #tpu.memory_space<vmem>>, vector<16xf32>,
    tpu.vector_store %arg9[%swap3A_464, %swap3A_465], %broadcast_in_dim3A_11 {strides = array<i32>} : memref<16x128xf32, #tpu.memory_space<vmem>>, vector<16xf32>,
    %swap3A_467 = arith.constant 14 : i32
    %swap3A_468 = arith.index_cast %swap3A_467 : i32 to index
    %swap3A_469 = arith.constant 32 : index
    %swap3A_470 = tpu.vector_load %arg9[%swap3A_468, %swap3A_469] {strides = array<i32>} : memref<16x128xf32, #tpu.memory_space<vmem>>, vector<16xf32>,
    tpu.vector_store %arg9[%swap3A_468, %swap3A_469], %broadcast_in_dim3A_11 {strides = array<i32>} : memref<16x128xf32, #tpu.memory_space<vmem>>, vector<16xf32>,
    %swap3A_471 = arith.constant 14 : i32
    %swap3A_472 = arith.index_cast %swap3A_471 : i32 to index
    %swap3A_473 = arith.constant 48 : index
    %swap3A_474 = tpu.vector_load %arg9[%swap3A_472, %swap3A_473] {strides = array<i32>} : memref<16x128xf32, #tpu.memory_space<vmem>>, vector<16xf32>,
    tpu.vector_store %arg9[%swap3A_472, %swap3A_473], %broadcast_in_dim3A_11 {strides = array<i32>} : memref<16x128xf32, #tpu.memory_space<vmem>>, vector<16xf32>,
    %swap3A_475 = arith.constant 14 : i32
    %swap3A_476 = arith.index_cast %swap3A_475 : i32 to index
    %swap3A_477 = arith.constant 64 : index
    %swap3A_478 = tpu.vector_load %arg9[%swap3A_476, %swap3A_477] {strides = array<i32>} : memref<16x128xf32, #tpu.memory_space<vmem>>, vector<16xf32>,
    tpu.vector_store %arg9[%swap3A_476, %swap3A_477], %broadcast_in_dim3A_11 {strides = array<i32>} : memref<16x128xf32, #tpu.memory_space<vmem>>, vector<16xf32>,
    %swap3A_479 = arith.constant 14 : i32
    %swap3A_480 = arith.index_cast %swap3A_479 : i32 to index
    %swap3A_481 = arith.constant 80 : index
    %swap3A_482 = tpu.vector_load %arg9[%swap3A_480, %swap3A_481] {strides = array<i32>} : memref<16x128xf32, #tpu.memory_space<vmem>>, vector<16xf32>,
    tpu.vector_store %arg9[%swap3A_480, %swap3A_481], %broadcast_in_dim3A_11 {strides = array<i32>} : memref<16x128xf32, #tpu.memory_space<vmem>>, vector<16xf32>,
    %swap3A_483 = arith.constant 14 : i32
    %swap3A_484 = arith.index_cast %swap3A_483 : i32 to index
    %swap3A_485 = arith.constant 96 : index
    %swap3A_486 = tpu.vector_load %arg9[%swap3A_484, %swap3A_485] {strides = array<i32>} : memref<16x128xf32, #tpu.memory_space<vmem>>, vector<16xf32>,
    tpu.vector_store %arg9[%swap3A_484, %swap3A_485], %broadcast_in_dim3A_11 {strides = array<i32>} : memref<16x128xf32, #tpu.memory_space<vmem>>, vector<16xf32>,
    %swap3A_487 = arith.constant 14 : i32
    %swap3A_488 = arith.index_cast %swap3A_487 : i32 to index
    %swap3A_489 = arith.constant 112 : index
    %swap3A_490 = tpu.vector_load %arg9[%swap3A_488, %swap3A_489] {strides = array<i32>} : memref<16x128xf32, #tpu.memory_space<vmem>>, vector<16xf32>,
    tpu.vector_store %arg9[%swap3A_488, %swap3A_489], %broadcast_in_dim3A_11 {strides = array<i32>} : memref<16x128xf32, #tpu.memory_space<vmem>>, vector<16xf32>,
    %swap3A_491 = arith.constant 15 : i32
    %swap3A_492 = arith.index_cast %swap3A_491 : i32 to index
    %swap3A_493 = arith.constant 0 : index
    %swap3A_494 = tpu.vector_load %arg9[%swap3A_492, %swap3A_493] {strides = array<i32>} : memref<16x128xf32, #tpu.memory_space<vmem>>, vector<16xf32>,
    tpu.vector_store %arg9[%swap3A_492, %swap3A_493], %broadcast_in_dim3A_11 {strides = array<i32>} : memref<16x128xf32, #tpu.memory_space<vmem>>, vector<16xf32>,
    %swap3A_495 = arith.constant 15 : i32
    %swap3A_496 = arith.index_cast %swap3A_495 : i32 to index
    %swap3A_497 = arith.constant 16 : index
    %swap3A_498 = tpu.vector_load %arg9[%swap3A_496, %swap3A_497] {strides = array<i32>} : memref<16x128xf32, #tpu.memory_space<vmem>>, vector<16xf32>,
    tpu.vector_store %arg9[%swap3A_496, %swap3A_497], %broadcast_in_dim3A_11 {strides = array<i32>} : memref<16x128xf32, #tpu.memory_space<vmem>>, vector<16xf32>,
    %swap3A_499 = arith.constant 15 : i32
    %swap3A_500 = arith.index_cast %swap3A_499 : i32 to index
    %swap3A_501 = arith.constant 32 : index
    %swap3A_502 = tpu.vector_load %arg9[%swap3A_500, %swap3A_501] {strides = array<i32>} : memref<16x128xf32, #tpu.memory_space<vmem>>, vector<16xf32>,
    tpu.vector_store %arg9[%swap3A_500, %swap3A_501], %broadcast_in_dim3A_11 {strides = array<i32>} : memref<16x128xf32, #tpu.memory_space<vmem>>, vector<16xf32>,
    %swap3A_503 = arith.constant 15 : i32
    %swap3A_504 = arith.index_cast %swap3A_503 : i32 to index
    %swap3A_505 = arith.constant 48 : index
    %swap3A_506 = tpu.vector_load %arg9[%swap3A_504, %swap3A_505] {strides = array<i32>} : memref<16x128xf32, #tpu.memory_space<vmem>>, vector<16xf32>,
    tpu.vector_store %arg9[%swap3A_504, %swap3A_505], %broadcast_in_dim3A_11 {strides = array<i32>} : memref<16x128xf32, #tpu.memory_space<vmem>>, vector<16xf32>,
    %swap3A_507 = arith.constant 15 : i32
    %swap3A_508 = arith.index_cast %swap3A_507 : i32 to index
    %swap3A_509 = arith.constant 64 : index
    %swap3A_510 = tpu.vector_load %arg9[%swap3A_508, %swap3A_509] {strides = array<i32>} : memref<16x128xf32, #tpu.memory_space<vmem>>, vector<16xf32>,
    tpu.vector_store %arg9[%swap3A_508, %swap3A_509], %broadcast_in_dim3A_11 {strides = array<i32>} : memref<16x128xf32, #tpu.memory_space<vmem>>, vector<16xf32>,
    %swap3A_511 = arith.constant 15 : i32
    %swap3A_512 = arith.index_cast %swap3A_511 : i32 to index
    %swap3A_513 = arith.constant 80 : index
    %swap3A_514 = tpu.vector_load %arg9[%swap3A_512, %swap3A_513] {strides = array<i32>} : memref<16x128xf32, #tpu.memory_space<vmem>>, vector<16xf32>,
    tpu.vector_store %arg9[%swap3A_512, %swap3A_513], %broadcast_in_dim3A_11 {strides = array<i32>} : memref<16x128xf32, #tpu.memory_space<vmem>>, vector<16xf32>,
    %swap3A_515 = arith.constant 15 : i32
    %swap3A_516 = arith.index_cast %swap3A_515 : i32 to index
    %swap3A_517 = arith.constant 96 : index
    %swap3A_518 = tpu.vector_load %arg9[%swap3A_516, %swap3A_517] {strides = array<i32>} : memref<16x128xf32, #tpu.memory_space<vmem>>, vector<16xf32>,
    tpu.vector_store %arg9[%swap3A_516, %swap3A_517], %broadcast_in_dim3A_11 {strides = array<i32>} : memref<16x128xf32, #tpu.memory_space<vmem>>, vector<16xf32>,
    %swap3A_519 = arith.constant 15 : i32
    %swap3A_520 = arith.index_cast %swap3A_519 : i32 to index
    %swap3A_521 = arith.constant 112 : index
    %swap3A_522 = tpu.vector_load %arg9[%swap3A_520, %swap3A_521] {strides = array<i32>} : memref<16x128xf32, #tpu.memory_space<vmem>>, vector<16xf32>,
    tpu.vector_store %arg9[%swap3A_520, %swap3A_521], %broadcast_in_dim3A_11 {strides = array<i32>} : memref<16x128xf32, #tpu.memory_space<vmem>>, vector<16xf32>,
    %dma_wait3A = arith.constant 0 : i32
    %dma_wait3A_523 = arith.constant 0 : i32
    %dma_wait3A_524 = tpu.memref_slice %arg2[%arg1, %dma_wait3A, %dma_wait3A_523] : memref<16x20x16xf32, #tpu.memory_space<hbm>> -> memref<1x20x16xf32, #tpu.memory_space<hbm>>
    %dma_wait3A_525 = tpu.memref_squeeze %dma_wait3A_524 : memref<1x20x16xf32, #tpu.memory_space<hbm>> -> memref<20x16xf32, #tpu.memory_space<hbm>>
    %dma_wait3A_526 = arith.constant 0 : i32
    %dma_wait3A_527 = arith.constant 0 : i32
    %dma_wait3A_528 = tpu.memref_slice %arg2[%arg1, %dma_wait3A_526, %dma_wait3A_527] : memref<16x20x16xf32, #tpu.memory_space<hbm>> -> memref<1x20x16xf32, #tpu.memory_space<hbm>>
    %dma_wait3A_529 = tpu.memref_squeeze %dma_wait3A_528 : memref<1x20x16xf32, #tpu.memory_space<hbm>> -> memref<20x16xf32, #tpu.memory_space<hbm>>
    tpu.wait_dma2 semaphore(%arg12 : memref<!tpu.dma_semaphore, #tpu.memory_space<semaphore_mem>>) src(%dma_wait3A_529 : memref<20x16xf32, #tpu.memory_space<hbm>>) dst(%arg6 : memref<20x16xf32, #tpu.memory_space<vmem>>)
    %dma_wait3A_530 = arith.constant 0 : i32
    %dma_wait3A_531 = tpu.memref_slice %arg7[%dma_wait3A_530] : memref<24xi32, #tpu.memory_space<vmem>> -> memref<17xi32, #tpu.memory_space<vmem>>
    %dma_wait3A_532 = arith.constant 0 : i32
    %dma_wait3A_533 = tpu.memref_slice %arg7[%dma_wait3A_532] : memref<24xi32, #tpu.memory_space<vmem>> -> memref<17xi32, #tpu.memory_space<vmem>>
    tpu.wait_dma2 semaphore(%arg13 : memref<!tpu.dma_semaphore, #tpu.memory_space<semaphore_mem>>) src(%arg3 : memref<17xi32, #tpu.memory_space<hbm>>) dst(%dma_wait3A_533 : memref<17xi32, #tpu.memory_space<vmem>>)
    %broadcast_in_dim3A_534 = vector.broadcast %arg1 : i32 to vector<16xi32>
    %gather3A = tpu.vector_load_idx %arg7[%broadcast_in_dim3A_534] : memref<24xi32, #tpu.memory_space<vmem>>[vector<16xi32>], vector<16xi32>,
    %add3A = arith.constant 1 : i32
    %add3A_535 = arith.addi %arg1, %add3A : i32
    %broadcast_in_dim3A_536 = vector.broadcast %add3A_535 : i32 to vector<16xi32>
    %gather3A_537 = tpu.vector_load_idx %arg7[%broadcast_in_dim3A_536] : memref<24xi32, #tpu.memory_space<vmem>>[vector<16xi32>], vector<16xi32>,
    %sub3A = arith.subi %gather3A_537, %gather3A : vector<16xi32>
    %convert_element_type3A = arith.sitofp %sub3A : vector<16xi32> to vector<16xf32>
    %get3A = arith.constant 0 : i32
    %get3A_538 = arith.index_cast %get3A : i32 to index
    %get3A_539 = arith.constant 0 : index
    %get3A_540 = tpu.vector_load %arg6[%get3A_538, %get3A_539] {strides = array<i32>} : memref<20x16xf32, #tpu.memory_space<vmem>>, vector<16xf32>,
    %mul3A = arith.mulf %get3A_540, %convert_element_type3A : vector<16xf32>
    %convert_element_type3A_541 = arith.fptosi %mul3A : vector<16xf32> to vector<16xi32>
    %add3A_542 = arith.addi %convert_element_type3A_541, %gather3A : vector<16xi32>
    %mul3A_543 = arith.constant 128 : i32
    %mul3A_544 = vector.broadcast %mul3A_543 : i32 to vector<16xi32>
    %mul3A_545 = arith.muli %add3A_542, %mul3A_544 : vector<16xi32>
    %dma_start3A_546 = arith.constant 0 : i32
    %dma_start3A_547 = tpu.memref_slice %arg8[%dma_start3A_546] : memref<320xf32, #tpu.memory_space<vmem>> -> memref<16xf32, #tpu.memory_space<vmem>>
    %dma_start3A_548 = arith.constant 0 : i32
    %dma_start3A_549 = tpu.memref_slice %arg4[%dma_start3A_548] : memref<2097152xf32, #tpu.memory_space<hbm>> -> memref<2097152xf32, #tpu.memory_space<hbm>>
    tpu.enqueue_indirect_dma source(%dma_start3A_549 : memref<2097152xf32, #tpu.memory_space<hbm>>) target(%dma_start3A_547 : memref<16xf32, #tpu.memory_space<vmem>>) offsets(%mul3A_545 : vector<16xi32>) semaphore(%arg11 : memref<!tpu.dma_semaphore, #tpu.memory_space<semaphore_mem>>)
    %get3A_550 = arith.constant 1 : i32
    %get3A_551 = arith.index_cast %get3A_550 : i32 to index
    %get3A_552 = arith.constant 0 : index
    %get3A_553 = tpu.vector_load %arg6[%get3A_551, %get3A_552] {strides = array<i32>} : memref<20x16xf32, #tpu.memory_space<vmem>>, vector<16xf32>,
    %mul3A_554 = arith.mulf %get3A_553, %convert_element_type3A : vector<16xf32>
    %convert_element_type3A_555 = arith.fptosi %mul3A_554 : vector<16xf32> to vector<16xi32>
    %add3A_556 = arith.addi %convert_element_type3A_555, %gather3A : vector<16xi32>
    %mul3A_557 = arith.constant 128 : i32
    %mul3A_558 = vector.broadcast %mul3A_557 : i32 to vector<16xi32>
    %mul3A_559 = arith.muli %add3A_556, %mul3A_558 : vector<16xi32>
    %dma_start3A_560 = arith.constant 16 : i32
    %dma_start3A_561 = tpu.memref_slice %arg8[%dma_start3A_560] : memref<320xf32, #tpu.memory_space<vmem>> -> memref<16xf32, #tpu.memory_space<vmem>>
    %dma_start3A_562 = arith.constant 0 : i32
    %dma_start3A_563 = tpu.memref_slice %arg4[%dma_start3A_562] : memref<2097152xf32, #tpu.memory_space<hbm>> -> memref<2097152xf32, #tpu.memory_space<hbm>>
    tpu.enqueue_indirect_dma source(%dma_start3A_563 : memref<2097152xf32, #tpu.memory_space<hbm>>) target(%dma_start3A_561 : memref<16xf32, #tpu.memory_space<vmem>>) offsets(%mul3A_559 : vector<16xi32>) semaphore(%arg11 : memref<!tpu.dma_semaphore, #tpu.memory_space<semaphore_mem>>)
    %get3A_564 = arith.constant 2 : i32
    %get3A_565 = arith.index_cast %get3A_564 : i32 to index
    %get3A_566 = arith.constant 0 : index
    %get3A_567 = tpu.vector_load %arg6[%get3A_565, %get3A_566] {strides = array<i32>} : memref<20x16xf32, #tpu.memory_space<vmem>>, vector<16xf32>,
    %mul3A_568 = arith.mulf %get3A_567, %convert_element_type3A : vector<16xf32>
    %convert_element_type3A_569 = arith.fptosi %mul3A_568 : vector<16xf32> to vector<16xi32>
    %add3A_570 = arith.addi %convert_element_type3A_569, %gather3A : vector<16xi32>
    %mul3A_571 = arith.constant 128 : i32
    %mul3A_572 = vector.broadcast %mul3A_571 : i32 to vector<16xi32>
    %mul3A_573 = arith.muli %add3A_570, %mul3A_572 : vector<16xi32>
    %dma_start3A_574 = arith.constant 32 : i32
    %dma_start3A_575 = tpu.memref_slice %arg8[%dma_start3A_574] : memref<320xf32, #tpu.memory_space<vmem>> -> memref<16xf32, #tpu.memory_space<vmem>>
    %dma_start3A_576 = arith.constant 0 : i32
    %dma_start3A_577 = tpu.memref_slice %arg4[%dma_start3A_576] : memref<2097152xf32, #tpu.memory_space<hbm>> -> memref<2097152xf32, #tpu.memory_space<hbm>>
    tpu.enqueue_indirect_dma source(%dma_start3A_577 : memref<2097152xf32, #tpu.memory_space<hbm>>) target(%dma_start3A_575 : memref<16xf32, #tpu.memory_space<vmem>>) offsets(%mul3A_573 : vector<16xi32>) semaphore(%arg11 : memref<!tpu.dma_semaphore, #tpu.memory_space<semaphore_mem>>)
    %get3A_578 = arith.constant 3 : i32
    %get3A_579 = arith.index_cast %get3A_578 : i32 to index
    %get3A_580 = arith.constant 0 : index
    %get3A_581 = tpu.vector_load %arg6[%get3A_579, %get3A_580] {strides = array<i32>} : memref<20x16xf32, #tpu.memory_space<vmem>>, vector<16xf32>,
    %mul3A_582 = arith.mulf %get3A_581, %convert_element_type3A : vector<16xf32>
    %convert_element_type3A_583 = arith.fptosi %mul3A_582 : vector<16xf32> to vector<16xi32>
    %add3A_584 = arith.addi %convert_element_type3A_583, %gather3A : vector<16xi32>
    %mul3A_585 = arith.constant 128 : i32
    %mul3A_586 = vector.broadcast %mul3A_585 : i32 to vector<16xi32>
    %mul3A_587 = arith.muli %add3A_584, %mul3A_586 : vector<16xi32>
    %dma_start3A_588 = arith.constant 48 : i32
    %dma_start3A_589 = tpu.memref_slice %arg8[%dma_start3A_588] : memref<320xf32, #tpu.memory_space<vmem>> -> memref<16xf32, #tpu.memory_space<vmem>>
    %dma_start3A_590 = arith.constant 0 : i32
    %dma_start3A_591 = tpu.memref_slice %arg4[%dma_start3A_590] : memref<2097152xf32, #tpu.memory_space<hbm>> -> memref<2097152xf32, #tpu.memory_space<hbm>>
    tpu.enqueue_indirect_dma source(%dma_start3A_591 : memref<2097152xf32, #tpu.memory_space<hbm>>) target(%dma_start3A_589 : memref<16xf32, #tpu.memory_space<vmem>>) offsets(%mul3A_587 : vector<16xi32>) semaphore(%arg11 : memref<!tpu.dma_semaphore, #tpu.memory_space<semaphore_mem>>)
    %get3A_592 = arith.constant 4 : i32
    %get3A_593 = arith.index_cast %get3A_592 : i32 to index
    %get3A_594 = arith.constant 0 : index
    %get3A_595 = tpu.vector_load %arg6[%get3A_593, %get3A_594] {strides = array<i32>} : memref<20x16xf32, #tpu.memory_space<vmem>>, vector<16xf32>,
    %mul3A_596 = arith.mulf %get3A_595, %convert_element_type3A : vector<16xf32>
    %convert_element_type3A_597 = arith.fptosi %mul3A_596 : vector<16xf32> to vector<16xi32>
    %add3A_598 = arith.addi %convert_element_type3A_597, %gather3A : vector<16xi32>
    %mul3A_599 = arith.constant 128 : i32
    %mul3A_600 = vector.broadcast %mul3A_599 : i32 to vector<16xi32>
    %mul3A_601 = arith.muli %add3A_598, %mul3A_600 : vector<16xi32>
    %dma_start3A_602 = arith.constant 64 : i32
    %dma_start3A_603 = tpu.memref_slice %arg8[%dma_start3A_602] : memref<320xf32, #tpu.memory_space<vmem>> -> memref<16xf32, #tpu.memory_space<vmem>>
    %dma_start3A_604 = arith.constant 0 : i32
    %dma_start3A_605 = tpu.memref_slice %arg4[%dma_start3A_604] : memref<2097152xf32, #tpu.memory_space<hbm>> -> memref<2097152xf32, #tpu.memory_space<hbm>>
    tpu.enqueue_indirect_dma source(%dma_start3A_605 : memref<2097152xf32, #tpu.memory_space<hbm>>) target(%dma_start3A_603 : memref<16xf32, #tpu.memory_space<vmem>>) offsets(%mul3A_601 : vector<16xi32>) semaphore(%arg11 : memref<!tpu.dma_semaphore, #tpu.memory_space<semaphore_mem>>)
    %get3A_606 = arith.constant 5 : i32
    %get3A_607 = arith.index_cast %get3A_606 : i32 to index
    %get3A_608 = arith.constant 0 : index
    %get3A_609 = tpu.vector_load %arg6[%get3A_607, %get3A_608] {strides = array<i32>} : memref<20x16xf32, #tpu.memory_space<vmem>>, vector<16xf32>,
    %mul3A_610 = arith.mulf %get3A_609, %convert_element_type3A : vector<16xf32>
    %convert_element_type3A_611 = arith.fptosi %mul3A_610 : vector<16xf32> to vector<16xi32>
    %add3A_612 = arith.addi %convert_element_type3A_611, %gather3A : vector<16xi32>
    %mul3A_613 = arith.constant 128 : i32
    %mul3A_614 = vector.broadcast %mul3A_613 : i32 to vector<16xi32>
    %mul3A_615 = arith.muli %add3A_612, %mul3A_614 : vector<16xi32>
    %dma_start3A_616 = arith.constant 80 : i32
    %dma_start3A_617 = tpu.memref_slice %arg8[%dma_start3A_616] : memref<320xf32, #tpu.memory_space<vmem>> -> memref<16xf32, #tpu.memory_space<vmem>>
    %dma_start3A_618 = arith.constant 0 : i32
    %dma_start3A_619 = tpu.memref_slice %arg4[%dma_start3A_618] : memref<2097152xf32, #tpu.memory_space<hbm>> -> memref<2097152xf32, #tpu.memory_space<hbm>>
    tpu.enqueue_indirect_dma source(%dma_start3A_619 : memref<2097152xf32, #tpu.memory_space<hbm>>) target(%dma_start3A_617 : memref<16xf32, #tpu.memory_space<vmem>>) offsets(%mul3A_615 : vector<16xi32>) semaphore(%arg11 : memref<!tpu.dma_semaphore, #tpu.memory_space<semaphore_mem>>)
    %get3A_620 = arith.constant 6 : i32
    %get3A_621 = arith.index_cast %get3A_620 : i32 to index
    %get3A_622 = arith.constant 0 : index
    %get3A_623 = tpu.vector_load %arg6[%get3A_621, %get3A_622] {strides = array<i32>} : memref<20x16xf32, #tpu.memory_space<vmem>>, vector<16xf32>,
    %mul3A_624 = arith.mulf %get3A_623, %convert_element_type3A : vector<16xf32>
    %convert_element_type3A_625 = arith.fptosi %mul3A_624 : vector<16xf32> to vector<16xi32>
    %add3A_626 = arith.addi %convert_element_type3A_625, %gather3A : vector<16xi32>
    %mul3A_627 = arith.constant 128 : i32
    %mul3A_628 = vector.broadcast %mul3A_627 : i32 to vector<16xi32>
    %mul3A_629 = arith.muli %add3A_626, %mul3A_628 : vector<16xi32>
    %dma_start3A_630 = arith.constant 96 : i32
    %dma_start3A_631 = tpu.memref_slice %arg8[%dma_start3A_630] : memref<320xf32, #tpu.memory_space<vmem>> -> memref<16xf32, #tpu.memory_space<vmem>>
    %dma_start3A_632 = arith.constant 0 : i32
    %dma_start3A_633 = tpu.memref_slice %arg4[%dma_start3A_632] : memref<2097152xf32, #tpu.memory_space<hbm>> -> memref<2097152xf32, #tpu.memory_space<hbm>>
    tpu.enqueue_indirect_dma source(%dma_start3A_633 : memref<2097152xf32, #tpu.memory_space<hbm>>) target(%dma_start3A_631 : memref<16xf32, #tpu.memory_space<vmem>>) offsets(%mul3A_629 : vector<16xi32>) semaphore(%arg11 : memref<!tpu.dma_semaphore, #tpu.memory_space<semaphore_mem>>)
    %get3A_634 = arith.constant 7 : i32
    %get3A_635 = arith.index_cast %get3A_634 : i32 to index
    %get3A_636 = arith.constant 0 : index
    %get3A_637 = tpu.vector_load %arg6[%get3A_635, %get3A_636] {strides = array<i32>} : memref<20x16xf32, #tpu.memory_space<vmem>>, vector<16xf32>,
    %mul3A_638 = arith.mulf %get3A_637, %convert_element_type3A : vector<16xf32>
    %convert_element_type3A_639 = arith.fptosi %mul3A_638 : vector<16xf32> to vector<16xi32>
    %add3A_640 = arith.addi %convert_element_type3A_639, %gather3A : vector<16xi32>
    %mul3A_641 = arith.constant 128 : i32
    %mul3A_642 = vector.broadcast %mul3A_641 : i32 to vector<16xi32>
    %mul3A_643 = arith.muli %add3A_640, %mul3A_642 : vector<16xi32>
    %dma_start3A_644 = arith.constant 112 : i32
    %dma_start3A_645 = tpu.memref_slice %arg8[%dma_start3A_644] : memref<320xf32, #tpu.memory_space<vmem>> -> memref<16xf32, #tpu.memory_space<vmem>>
    %dma_start3A_646 = arith.constant 0 : i32
    %dma_start3A_647 = tpu.memref_slice %arg4[%dma_start3A_646] : memref<2097152xf32, #tpu.memory_space<hbm>> -> memref<2097152xf32, #tpu.memory_space<hbm>>
    tpu.enqueue_indirect_dma source(%dma_start3A_647 : memref<2097152xf32, #tpu.memory_space<hbm>>) target(%dma_start3A_645 : memref<16xf32, #tpu.memory_space<vmem>>) offsets(%mul3A_643 : vector<16xi32>) semaphore(%arg11 : memref<!tpu.dma_semaphore, #tpu.memory_space<semaphore_mem>>)
    %get3A_648 = arith.constant 8 : i32
    %get3A_649 = arith.index_cast %get3A_648 : i32 to index
    %get3A_650 = arith.constant 0 : index
    %get3A_651 = tpu.vector_load %arg6[%get3A_649, %get3A_650] {strides = array<i32>} : memref<20x16xf32, #tpu.memory_space<vmem>>, vector<16xf32>,
    %mul3A_652 = arith.mulf %get3A_651, %convert_element_type3A : vector<16xf32>
    %convert_element_type3A_653 = arith.fptosi %mul3A_652 : vector<16xf32> to vector<16xi32>
    %add3A_654 = arith.addi %convert_element_type3A_653, %gather3A : vector<16xi32>
    %mul3A_655 = arith.constant 128 : i32
    %mul3A_656 = vector.broadcast %mul3A_655 : i32 to vector<16xi32>
    %mul3A_657 = arith.muli %add3A_654, %mul3A_656 : vector<16xi32>
    %dma_start3A_658 = arith.constant 128 : i32
    %dma_start3A_659 = tpu.memref_slice %arg8[%dma_start3A_658] : memref<320xf32, #tpu.memory_space<vmem>> -> memref<16xf32, #tpu.memory_space<vmem>>
    %dma_start3A_660 = arith.constant 0 : i32
    %dma_start3A_661 = tpu.memref_slice %arg4[%dma_start3A_660] : memref<2097152xf32, #tpu.memory_space<hbm>> -> memref<2097152xf32, #tpu.memory_space<hbm>>
    tpu.enqueue_indirect_dma source(%dma_start3A_661 : memref<2097152xf32, #tpu.memory_space<hbm>>) target(%dma_start3A_659 : memref<16xf32, #tpu.memory_space<vmem>>) offsets(%mul3A_657 : vector<16xi32>) semaphore(%arg11 : memref<!tpu.dma_semaphore, #tpu.memory_space<semaphore_mem>>)
    %get3A_662 = arith.constant 9 : i32
    %get3A_663 = arith.index_cast %get3A_662 : i32 to index
    %get3A_664 = arith.constant 0 : index
    %get3A_665 = tpu.vector_load %arg6[%get3A_663, %get3A_664] {strides = array<i32>} : memref<20x16xf32, #tpu.memory_space<vmem>>, vector<16xf32>,
    %mul3A_666 = arith.mulf %get3A_665, %convert_element_type3A : vector<16xf32>
    %convert_element_type3A_667 = arith.fptosi %mul3A_666 : vector<16xf32> to vector<16xi32>
    %add3A_668 = arith.addi %convert_element_type3A_667, %gather3A : vector<16xi32>
    %mul3A_669 = arith.constant 128 : i32
    %mul3A_670 = vector.broadcast %mul3A_669 : i32 to vector<16xi32>
    %mul3A_671 = arith.muli %add3A_668, %mul3A_670 : vector<16xi32>
    %dma_start3A_672 = arith.constant 144 : i32
    %dma_start3A_673 = tpu.memref_slice %arg8[%dma_start3A_672] : memref<320xf32, #tpu.memory_space<vmem>> -> memref<16xf32, #tpu.memory_space<vmem>>
    %dma_start3A_674 = arith.constant 0 : i32
    %dma_start3A_675 = tpu.memref_slice %arg4[%dma_start3A_674] : memref<2097152xf32, #tpu.memory_space<hbm>> -> memref<2097152xf32, #tpu.memory_space<hbm>>
    tpu.enqueue_indirect_dma source(%dma_start3A_675 : memref<2097152xf32, #tpu.memory_space<hbm>>) target(%dma_start3A_673 : memref<16xf32, #tpu.memory_space<vmem>>) offsets(%mul3A_671 : vector<16xi32>) semaphore(%arg11 : memref<!tpu.dma_semaphore, #tpu.memory_space<semaphore_mem>>)
    %get3A_676 = arith.constant 10 : i32
    %get3A_677 = arith.index_cast %get3A_676 : i32 to index
    %get3A_678 = arith.constant 0 : index
    %get3A_679 = tpu.vector_load %arg6[%get3A_677, %get3A_678] {strides = array<i32>} : memref<20x16xf32, #tpu.memory_space<vmem>>, vector<16xf32>,
    %mul3A_680 = arith.mulf %get3A_679, %convert_element_type3A : vector<16xf32>
    %convert_element_type3A_681 = arith.fptosi %mul3A_680 : vector<16xf32> to vector<16xi32>
    %add3A_682 = arith.addi %convert_element_type3A_681, %gather3A : vector<16xi32>
    %mul3A_683 = arith.constant 128 : i32
    %mul3A_684 = vector.broadcast %mul3A_683 : i32 to vector<16xi32>
    %mul3A_685 = arith.muli %add3A_682, %mul3A_684 : vector<16xi32>
    %dma_start3A_686 = arith.constant 160 : i32
    %dma_start3A_687 = tpu.memref_slice %arg8[%dma_start3A_686] : memref<320xf32, #tpu.memory_space<vmem>> -> memref<16xf32, #tpu.memory_space<vmem>>
    %dma_start3A_688 = arith.constant 0 : i32
    %dma_start3A_689 = tpu.memref_slice %arg4[%dma_start3A_688] : memref<2097152xf32, #tpu.memory_space<hbm>> -> memref<2097152xf32, #tpu.memory_space<hbm>>
    tpu.enqueue_indirect_dma source(%dma_start3A_689 : memref<2097152xf32, #tpu.memory_space<hbm>>) target(%dma_start3A_687 : memref<16xf32, #tpu.memory_space<vmem>>) offsets(%mul3A_685 : vector<16xi32>) semaphore(%arg11 : memref<!tpu.dma_semaphore, #tpu.memory_space<semaphore_mem>>)
    %get3A_690 = arith.constant 11 : i32
    %get3A_691 = arith.index_cast %get3A_690 : i32 to index
    %get3A_692 = arith.constant 0 : index
    %get3A_693 = tpu.vector_load %arg6[%get3A_691, %get3A_692] {strides = array<i32>} : memref<20x16xf32, #tpu.memory_space<vmem>>, vector<16xf32>,
    %mul3A_694 = arith.mulf %get3A_693, %convert_element_type3A : vector<16xf32>
    %convert_element_type3A_695 = arith.fptosi %mul3A_694 : vector<16xf32> to vector<16xi32>
    %add3A_696 = arith.addi %convert_element_type3A_695, %gather3A : vector<16xi32>
    %mul3A_697 = arith.constant 128 : i32
    %mul3A_698 = vector.broadcast %mul3A_697 : i32 to vector<16xi32>
    %mul3A_699 = arith.muli %add3A_696, %mul3A_698 : vector<16xi32>
    %dma_start3A_700 = arith.constant 176 : i32
    %dma_start3A_701 = tpu.memref_slice %arg8[%dma_start3A_700] : memref<320xf32, #tpu.memory_space<vmem>> -> memref<16xf32, #tpu.memory_space<vmem>>
    %dma_start3A_702 = arith.constant 0 : i32
    %dma_start3A_703 = tpu.memref_slice %arg4[%dma_start3A_702] : memref<2097152xf32, #tpu.memory_space<hbm>> -> memref<2097152xf32, #tpu.memory_space<hbm>>
    tpu.enqueue_indirect_dma source(%dma_start3A_703 : memref<2097152xf32, #tpu.memory_space<hbm>>) target(%dma_start3A_701 : memref<16xf32, #tpu.memory_space<vmem>>) offsets(%mul3A_699 : vector<16xi32>) semaphore(%arg11 : memref<!tpu.dma_semaphore, #tpu.memory_space<semaphore_mem>>)
    %get3A_704 = arith.constant 12 : i32
    %get3A_705 = arith.index_cast %get3A_704 : i32 to index
    %get3A_706 = arith.constant 0 : index
    %get3A_707 = tpu.vector_load %arg6[%get3A_705, %get3A_706] {strides = array<i32>} : memref<20x16xf32, #tpu.memory_space<vmem>>, vector<16xf32>,
    %mul3A_708 = arith.mulf %get3A_707, %convert_element_type3A : vector<16xf32>
    %convert_element_type3A_709 = arith.fptosi %mul3A_708 : vector<16xf32> to vector<16xi32>
    %add3A_710 = arith.addi %convert_element_type3A_709, %gather3A : vector<16xi32>
    %mul3A_711 = arith.constant 128 : i32
    %mul3A_712 = vector.broadcast %mul3A_711 : i32 to vector<16xi32>
    %mul3A_713 = arith.muli %add3A_710, %mul3A_712 : vector<16xi32>
    %dma_start3A_714 = arith.constant 192 : i32
    %dma_start3A_715 = tpu.memref_slice %arg8[%dma_start3A_714] : memref<320xf32, #tpu.memory_space<vmem>> -> memref<16xf32, #tpu.memory_space<vmem>>
    %dma_start3A_716 = arith.constant 0 : i32
    %dma_start3A_717 = tpu.memref_slice %arg4[%dma_start3A_716] : memref<2097152xf32, #tpu.memory_space<hbm>> -> memref<2097152xf32, #tpu.memory_space<hbm>>
    tpu.enqueue_indirect_dma source(%dma_start3A_717 : memref<2097152xf32, #tpu.memory_space<hbm>>) target(%dma_start3A_715 : memref<16xf32, #tpu.memory_space<vmem>>) offsets(%mul3A_713 : vector<16xi32>) semaphore(%arg11 : memref<!tpu.dma_semaphore, #tpu.memory_space<semaphore_mem>>)
    %get3A_718 = arith.constant 13 : i32
    %get3A_719 = arith.index_cast %get3A_718 : i32 to index
    %get3A_720 = arith.constant 0 : index
    %get3A_721 = tpu.vector_load %arg6[%get3A_719, %get3A_720] {strides = array<i32>} : memref<20x16xf32, #tpu.memory_space<vmem>>, vector<16xf32>,
    %mul3A_722 = arith.mulf %get3A_721, %convert_element_type3A : vector<16xf32>
    %convert_element_type3A_723 = arith.fptosi %mul3A_722 : vector<16xf32> to vector<16xi32>
    %add3A_724 = arith.addi %convert_element_type3A_723, %gather3A : vector<16xi32>
    %mul3A_725 = arith.constant 128 : i32
    %mul3A_726 = vector.broadcast %mul3A_725 : i32 to vector<16xi32>
    %mul3A_727 = arith.muli %add3A_724, %mul3A_726 : vector<16xi32>
    %dma_start3A_728 = arith.constant 208 : i32
    %dma_start3A_729 = tpu.memref_slice %arg8[%dma_start3A_728] : memref<320xf32, #tpu.memory_space<vmem>> -> memref<16xf32, #tpu.memory_space<vmem>>
    %dma_start3A_730 = arith.constant 0 : i32
    %dma_start3A_731 = tpu.memref_slice %arg4[%dma_start3A_730] : memref<2097152xf32, #tpu.memory_space<hbm>> -> memref<2097152xf32, #tpu.memory_space<hbm>>
    tpu.enqueue_indirect_dma source(%dma_start3A_731 : memref<2097152xf32, #tpu.memory_space<hbm>>) target(%dma_start3A_729 : memref<16xf32, #tpu.memory_space<vmem>>) offsets(%mul3A_727 : vector<16xi32>) semaphore(%arg11 : memref<!tpu.dma_semaphore, #tpu.memory_space<semaphore_mem>>)
    %get3A_732 = arith.constant 14 : i32
    %get3A_733 = arith.index_cast %get3A_732 : i32 to index
    %get3A_734 = arith.constant 0 : index
    %get3A_735 = tpu.vector_load %arg6[%get3A_733, %get3A_734] {strides = array<i32>} : memref<20x16xf32, #tpu.memory_space<vmem>>, vector<16xf32>,
    %mul3A_736 = arith.mulf %get3A_735, %convert_element_type3A : vector<16xf32>
    %convert_element_type3A_737 = arith.fptosi %mul3A_736 : vector<16xf32> to vector<16xi32>
    %add3A_738 = arith.addi %convert_element_type3A_737, %gather3A : vector<16xi32>
    %mul3A_739 = arith.constant 128 : i32
    %mul3A_740 = vector.broadcast %mul3A_739 : i32 to vector<16xi32>
    %mul3A_741 = arith.muli %add3A_738, %mul3A_740 : vector<16xi32>
    %dma_start3A_742 = arith.constant 224 : i32
    %dma_start3A_743 = tpu.memref_slice %arg8[%dma_start3A_742] : memref<320xf32, #tpu.memory_space<vmem>> -> memref<16xf32, #tpu.memory_space<vmem>>
    %dma_start3A_744 = arith.constant 0 : i32
    %dma_start3A_745 = tpu.memref_slice %arg4[%dma_start3A_744] : memref<2097152xf32, #tpu.memory_space<hbm>> -> memref<2097152xf32, #tpu.memory_space<hbm>>
    tpu.enqueue_indirect_dma source(%dma_start3A_745 : memref<2097152xf32, #tpu.memory_space<hbm>>) target(%dma_start3A_743 : memref<16xf32, #tpu.memory_space<vmem>>) offsets(%mul3A_741 : vector<16xi32>) semaphore(%arg11 : memref<!tpu.dma_semaphore, #tpu.memory_space<semaphore_mem>>)
    %get3A_746 = arith.constant 15 : i32
    %get3A_747 = arith.index_cast %get3A_746 : i32 to index
    %get3A_748 = arith.constant 0 : index
    %get3A_749 = tpu.vector_load %arg6[%get3A_747, %get3A_748] {strides = array<i32>} : memref<20x16xf32, #tpu.memory_space<vmem>>, vector<16xf32>,
    %mul3A_750 = arith.mulf %get3A_749, %convert_element_type3A : vector<16xf32>
    %convert_element_type3A_751 = arith.fptosi %mul3A_750 : vector<16xf32> to vector<16xi32>
    %add3A_752 = arith.addi %convert_element_type3A_751, %gather3A : vector<16xi32>
    %mul3A_753 = arith.constant 128 : i32
    %mul3A_754 = vector.broadcast %mul3A_753 : i32 to vector<16xi32>
    %mul3A_755 = arith.muli %add3A_752, %mul3A_754 : vector<16xi32>
    %dma_start3A_756 = arith.constant 240 : i32
    %dma_start3A_757 = tpu.memref_slice %arg8[%dma_start3A_756] : memref<320xf32, #tpu.memory_space<vmem>> -> memref<16xf32, #tpu.memory_space<vmem>>
    %dma_start3A_758 = arith.constant 0 : i32
    %dma_start3A_759 = tpu.memref_slice %arg4[%dma_start3A_758] : memref<2097152xf32, #tpu.memory_space<hbm>> -> memref<2097152xf32, #tpu.memory_space<hbm>>
    tpu.enqueue_indirect_dma source(%dma_start3A_759 : memref<2097152xf32, #tpu.memory_space<hbm>>) target(%dma_start3A_757 : memref<16xf32, #tpu.memory_space<vmem>>) offsets(%mul3A_755 : vector<16xi32>) semaphore(%arg11 : memref<!tpu.dma_semaphore, #tpu.memory_space<semaphore_mem>>)
    %get3A_760 = arith.constant 16 : i32
    %get3A_761 = arith.index_cast %get3A_760 : i32 to index
    %get3A_762 = arith.constant 0 : index
    %get3A_763 = tpu.vector_load %arg6[%get3A_761, %get3A_762] {strides = array<i32>} : memref<20x16xf32, #tpu.memory_space<vmem>>, vector<16xf32>,
    %mul3A_764 = arith.mulf %get3A_763, %convert_element_type3A : vector<16xf32>
    %convert_element_type3A_765 = arith.fptosi %mul3A_764 : vector<16xf32> to vector<16xi32>
    %add3A_766 = arith.addi %convert_element_type3A_765, %gather3A : vector<16xi32>
    %mul3A_767 = arith.constant 128 : i32
    %mul3A_768 = vector.broadcast %mul3A_767 : i32 to vector<16xi32>
    %mul3A_769 = arith.muli %add3A_766, %mul3A_768 : vector<16xi32>
    %dma_start3A_770 = arith.constant 256 : i32
    %dma_start3A_771 = tpu.memref_slice %arg8[%dma_start3A_770] : memref<320xf32, #tpu.memory_space<vmem>> -> memref<16xf32, #tpu.memory_space<vmem>>
    %dma_start3A_772 = arith.constant 0 : i32
    %dma_start3A_773 = tpu.memref_slice %arg4[%dma_start3A_772] : memref<2097152xf32, #tpu.memory_space<hbm>> -> memref<2097152xf32, #tpu.memory_space<hbm>>
    tpu.enqueue_indirect_dma source(%dma_start3A_773 : memref<2097152xf32, #tpu.memory_space<hbm>>) target(%dma_start3A_771 : memref<16xf32, #tpu.memory_space<vmem>>) offsets(%mul3A_769 : vector<16xi32>) semaphore(%arg11 : memref<!tpu.dma_semaphore, #tpu.memory_space<semaphore_mem>>)
    %get3A_774 = arith.constant 17 : i32
    %get3A_775 = arith.index_cast %get3A_774 : i32 to index
    %get3A_776 = arith.constant 0 : index
    %get3A_777 = tpu.vector_load %arg6[%get3A_775, %get3A_776] {strides = array<i32>} : memref<20x16xf32, #tpu.memory_space<vmem>>, vector<16xf32>,
    %mul3A_778 = arith.mulf %get3A_777, %convert_element_type3A : vector<16xf32>
    %convert_element_type3A_779 = arith.fptosi %mul3A_778 : vector<16xf32> to vector<16xi32>
    %add3A_780 = arith.addi %convert_element_type3A_779, %gather3A : vector<16xi32>
    %mul3A_781 = arith.constant 128 : i32
    %mul3A_782 = vector.broadcast %mul3A_781 : i32 to vector<16xi32>
    %mul3A_783 = arith.muli %add3A_780, %mul3A_782 : vector<16xi32>
    %dma_start3A_784 = arith.constant 272 : i32
    %dma_start3A_785 = tpu.memref_slice %arg8[%dma_start3A_784] : memref<320xf32, #tpu.memory_space<vmem>> -> memref<16xf32, #tpu.memory_space<vmem>>
    %dma_start3A_786 = arith.constant 0 : i32
    %dma_start3A_787 = tpu.memref_slice %arg4[%dma_start3A_786] : memref<2097152xf32, #tpu.memory_space<hbm>> -> memref<2097152xf32, #tpu.memory_space<hbm>>
    tpu.enqueue_indirect_dma source(%dma_start3A_787 : memref<2097152xf32, #tpu.memory_space<hbm>>) target(%dma_start3A_785 : memref<16xf32, #tpu.memory_space<vmem>>) offsets(%mul3A_783 : vector<16xi32>) semaphore(%arg11 : memref<!tpu.dma_semaphore, #tpu.memory_space<semaphore_mem>>)
    %get3A_788 = arith.constant 18 : i32
    %get3A_789 = arith.index_cast %get3A_788 : i32 to index
    %get3A_790 = arith.constant 0 : index
    %get3A_791 = tpu.vector_load %arg6[%get3A_789, %get3A_790] {strides = array<i32>} : memref<20x16xf32, #tpu.memory_space<vmem>>, vector<16xf32>,
    %mul3A_792 = arith.mulf %get3A_791, %convert_element_type3A : vector<16xf32>
    %convert_element_type3A_793 = arith.fptosi %mul3A_792 : vector<16xf32> to vector<16xi32>
    %add3A_794 = arith.addi %convert_element_type3A_793, %gather3A : vector<16xi32>
    %mul3A_795 = arith.constant 128 : i32
    %mul3A_796 = vector.broadcast %mul3A_795 : i32 to vector<16xi32>
    %mul3A_797 = arith.muli %add3A_794, %mul3A_796 : vector<16xi32>
    %dma_start3A_798 = arith.constant 288 : i32
    %dma_start3A_799 = tpu.memref_slice %arg8[%dma_start3A_798] : memref<320xf32, #tpu.memory_space<vmem>> -> memref<16xf32, #tpu.memory_space<vmem>>
    %dma_start3A_800 = arith.constant 0 : i32
    %dma_start3A_801 = tpu.memref_slice %arg4[%dma_start3A_800] : memref<2097152xf32, #tpu.memory_space<hbm>> -> memref<2097152xf32, #tpu.memory_space<hbm>>
    tpu.enqueue_indirect_dma source(%dma_start3A_801 : memref<2097152xf32, #tpu.memory_space<hbm>>) target(%dma_start3A_799 : memref<16xf32, #tpu.memory_space<vmem>>) offsets(%mul3A_797 : vector<16xi32>) semaphore(%arg11 : memref<!tpu.dma_semaphore, #tpu.memory_space<semaphore_mem>>)
    %get3A_802 = arith.constant 19 : i32
    %get3A_803 = arith.index_cast %get3A_802 : i32 to index
    %get3A_804 = arith.constant 0 : index
    %get3A_805 = tpu.vector_load %arg6[%get3A_803, %get3A_804] {strides = array<i32>} : memref<20x16xf32, #tpu.memory_space<vmem>>, vector<16xf32>,
    %mul3A_806 = arith.mulf %get3A_805, %convert_element_type3A : vector<16xf32>
    %convert_element_type3A_807 = arith.fptosi %mul3A_806 : vector<16xf32> to vector<16xi32>
    %add3A_808 = arith.addi %convert_element_type3A_807, %gather3A : vector<16xi32>
    %mul3A_809 = arith.constant 128 : i32
    %mul3A_810 = vector.broadcast %mul3A_809 : i32 to vector<16xi32>
    %mul3A_811 = arith.muli %add3A_808, %mul3A_810 : vector<16xi32>
    %dma_start3A_812 = arith.constant 304 : i32
    %dma_start3A_813 = tpu.memref_slice %arg8[%dma_start3A_812] : memref<320xf32, #tpu.memory_space<vmem>> -> memref<16xf32, #tpu.memory_space<vmem>>
    %dma_start3A_814 = arith.constant 0 : i32
    %dma_start3A_815 = tpu.memref_slice %arg4[%dma_start3A_814] : memref<2097152xf32, #tpu.memory_space<hbm>> -> memref<2097152xf32, #tpu.memory_space<hbm>>
    tpu.enqueue_indirect_dma source(%dma_start3A_815 : memref<2097152xf32, #tpu.memory_space<hbm>>) target(%dma_start3A_813 : memref<16xf32, #tpu.memory_space<vmem>>) offsets(%mul3A_811 : vector<16xi32>) semaphore(%arg11 : memref<!tpu.dma_semaphore, #tpu.memory_space<semaphore_mem>>)
    %dma_wait3A_816 = arith.constant 0 : i32
    %dma_wait3A_817 = tpu.memref_slice %arg8[%dma_wait3A_816] : memref<320xf32, #tpu.memory_space<vmem>> -> memref<16xf32, #tpu.memory_space<vmem>>
    %dma_wait3A_818 = arith.constant 0 : i32
    %dma_wait3A_819 = tpu.memref_slice %arg4[%dma_wait3A_818] : memref<2097152xf32, #tpu.memory_space<hbm>> -> memref<2097152xf32, #tpu.memory_space<hbm>>
    tpu.wait_indirect_dma semaphore(%arg11 : memref<!tpu.dma_semaphore, #tpu.memory_space<semaphore_mem>>) src(%dma_wait3A_819 : memref<2097152xf32, #tpu.memory_space<hbm>>) dst(%dma_wait3A_817 : memref<16xf32, #tpu.memory_space<vmem>>)
    %dma_wait3A_820 = arith.constant 16 : i32
    %dma_wait3A_821 = tpu.memref_slice %arg8[%dma_wait3A_820] : memref<320xf32, #tpu.memory_space<vmem>> -> memref<16xf32, #tpu.memory_space<vmem>>
    %dma_wait3A_822 = arith.constant 0 : i32
    %dma_wait3A_823 = tpu.memref_slice %arg4[%dma_wait3A_822] : memref<2097152xf32, #tpu.memory_space<hbm>> -> memref<2097152xf32, #tpu.memory_space<hbm>>
    tpu.wait_indirect_dma semaphore(%arg11 : memref<!tpu.dma_semaphore, #tpu.memory_space<semaphore_mem>>) src(%dma_wait3A_823 : memref<2097152xf32, #tpu.memory_space<hbm>>) dst(%dma_wait3A_821 : memref<16xf32, #tpu.memory_space<vmem>>)
    %dma_wait3A_824 = arith.constant 32 : i32
    %dma_wait3A_825 = tpu.memref_slice %arg8[%dma_wait3A_824] : memref<320xf32, #tpu.memory_space<vmem>> -> memref<16xf32, #tpu.memory_space<vmem>>
    %dma_wait3A_826 = arith.constant 0 : i32
    %dma_wait3A_827 = tpu.memref_slice %arg4[%dma_wait3A_826] : memref<2097152xf32, #tpu.memory_space<hbm>> -> memref<2097152xf32, #tpu.memory_space<hbm>>
    tpu.wait_indirect_dma semaphore(%arg11 : memref<!tpu.dma_semaphore, #tpu.memory_space<semaphore_mem>>) src(%dma_wait3A_827 : memref<2097152xf32, #tpu.memory_space<hbm>>) dst(%dma_wait3A_825 : memref<16xf32, #tpu.memory_space<vmem>>)
    %dma_wait3A_828 = arith.constant 48 : i32
    %dma_wait3A_829 = tpu.memref_slice %arg8[%dma_wait3A_828] : memref<320xf32, #tpu.memory_space<vmem>> -> memref<16xf32, #tpu.memory_space<vmem>>
    %dma_wait3A_830 = arith.constant 0 : i32
    %dma_wait3A_831 = tpu.memref_slice %arg4[%dma_wait3A_830] : memref<2097152xf32, #tpu.memory_space<hbm>> -> memref<2097152xf32, #tpu.memory_space<hbm>>
    tpu.wait_indirect_dma semaphore(%arg11 : memref<!tpu.dma_semaphore, #tpu.memory_space<semaphore_mem>>) src(%dma_wait3A_831 : memref<2097152xf32, #tpu.memory_space<hbm>>) dst(%dma_wait3A_829 : memref<16xf32, #tpu.memory_space<vmem>>)
    %dma_wait3A_832 = arith.constant 64 : i32
    %dma_wait3A_833 = tpu.memref_slice %arg8[%dma_wait3A_832] : memref<320xf32, #tpu.memory_space<vmem>> -> memref<16xf32, #tpu.memory_space<vmem>>
    %dma_wait3A_834 = arith.constant 0 : i32
    %dma_wait3A_835 = tpu.memref_slice %arg4[%dma_wait3A_834] : memref<2097152xf32, #tpu.memory_space<hbm>> -> memref<2097152xf32, #tpu.memory_space<hbm>>
    tpu.wait_indirect_dma semaphore(%arg11 : memref<!tpu.dma_semaphore, #tpu.memory_space<semaphore_mem>>) src(%dma_wait3A_835 : memref<2097152xf32, #tpu.memory_space<hbm>>) dst(%dma_wait3A_833 : memref<16xf32, #tpu.memory_space<vmem>>)
    %dma_wait3A_836 = arith.constant 80 : i32
    %dma_wait3A_837 = tpu.memref_slice %arg8[%dma_wait3A_836] : memref<320xf32, #tpu.memory_space<vmem>> -> memref<16xf32, #tpu.memory_space<vmem>>
    %dma_wait3A_838 = arith.constant 0 : i32
    %dma_wait3A_839 = tpu.memref_slice %arg4[%dma_wait3A_838] : memref<2097152xf32, #tpu.memory_space<hbm>> -> memref<2097152xf32, #tpu.memory_space<hbm>>
    tpu.wait_indirect_dma semaphore(%arg11 : memref<!tpu.dma_semaphore, #tpu.memory_space<semaphore_mem>>) src(%dma_wait3A_839 : memref<2097152xf32, #tpu.memory_space<hbm>>) dst(%dma_wait3A_837 : memref<16xf32, #tpu.memory_space<vmem>>)
    %dma_wait3A_840 = arith.constant 96 : i32
    %dma_wait3A_841 = tpu.memref_slice %arg8[%dma_wait3A_840] : memref<320xf32, #tpu.memory_space<vmem>> -> memref<16xf32, #tpu.memory_space<vmem>>
    %dma_wait3A_842 = arith.constant 0 : i32
    %dma_wait3A_843 = tpu.memref_slice %arg4[%dma_wait3A_842] : memref<2097152xf32, #tpu.memory_space<hbm>> -> memref<2097152xf32, #tpu.memory_space<hbm>>
    tpu.wait_indirect_dma semaphore(%arg11 : memref<!tpu.dma_semaphore, #tpu.memory_space<semaphore_mem>>) src(%dma_wait3A_843 : memref<2097152xf32, #tpu.memory_space<hbm>>) dst(%dma_wait3A_841 : memref<16xf32, #tpu.memory_space<vmem>>)
    %dma_wait3A_844 = arith.constant 112 : i32
    %dma_wait3A_845 = tpu.memref_slice %arg8[%dma_wait3A_844] : memref<320xf32, #tpu.memory_space<vmem>> -> memref<16xf32, #tpu.memory_space<vmem>>
    %dma_wait3A_846 = arith.constant 0 : i32
    %dma_wait3A_847 = tpu.memref_slice %arg4[%dma_wait3A_846] : memref<2097152xf32, #tpu.memory_space<hbm>> -> memref<2097152xf32, #tpu.memory_space<hbm>>
    tpu.wait_indirect_dma semaphore(%arg11 : memref<!tpu.dma_semaphore, #tpu.memory_space<semaphore_mem>>) src(%dma_wait3A_847 : memref<2097152xf32, #tpu.memory_space<hbm>>) dst(%dma_wait3A_845 : memref<16xf32, #tpu.memory_space<vmem>>)
    %dma_wait3A_848 = arith.constant 128 : i32
    %dma_wait3A_849 = tpu.memref_slice %arg8[%dma_wait3A_848] : memref<320xf32, #tpu.memory_space<vmem>> -> memref<16xf32, #tpu.memory_space<vmem>>
    %dma_wait3A_850 = arith.constant 0 : i32
    %dma_wait3A_851 = tpu.memref_slice %arg4[%dma_wait3A_850] : memref<2097152xf32, #tpu.memory_space<hbm>> -> memref<2097152xf32, #tpu.memory_space<hbm>>
    tpu.wait_indirect_dma semaphore(%arg11 : memref<!tpu.dma_semaphore, #tpu.memory_space<semaphore_mem>>) src(%dma_wait3A_851 : memref<2097152xf32, #tpu.memory_space<hbm>>) dst(%dma_wait3A_849 : memref<16xf32, #tpu.memory_space<vmem>>)
    %dma_wait3A_852 = arith.constant 144 : i32
    %dma_wait3A_853 = tpu.memref_slice %arg8[%dma_wait3A_852] : memref<320xf32, #tpu.memory_space<vmem>> -> memref<16xf32, #tpu.memory_space<vmem>>
    %dma_wait3A_854 = arith.constant 0 : i32
    %dma_wait3A_855 = tpu.memref_slice %arg4[%dma_wait3A_854] : memref<2097152xf32, #tpu.memory_space<hbm>> -> memref<2097152xf32, #tpu.memory_space<hbm>>
    tpu.wait_indirect_dma semaphore(%arg11 : memref<!tpu.dma_semaphore, #tpu.memory_space<semaphore_mem>>) src(%dma_wait3A_855 : memref<2097152xf32, #tpu.memory_space<hbm>>) dst(%dma_wait3A_853 : memref<16xf32, #tpu.memory_space<vmem>>)
    %dma_wait3A_856 = arith.constant 160 : i32
    %dma_wait3A_857 = tpu.memref_slice %arg8[%dma_wait3A_856] : memref<320xf32, #tpu.memory_space<vmem>> -> memref<16xf32, #tpu.memory_space<vmem>>
    %dma_wait3A_858 = arith.constant 0 : i32
    %dma_wait3A_859 = tpu.memref_slice %arg4[%dma_wait3A_858] : memref<2097152xf32, #tpu.memory_space<hbm>> -> memref<2097152xf32, #tpu.memory_space<hbm>>
    tpu.wait_indirect_dma semaphore(%arg11 : memref<!tpu.dma_semaphore, #tpu.memory_space<semaphore_mem>>) src(%dma_wait3A_859 : memref<2097152xf32, #tpu.memory_space<hbm>>) dst(%dma_wait3A_857 : memref<16xf32, #tpu.memory_space<vmem>>)
    %dma_wait3A_860 = arith.constant 176 : i32
    %dma_wait3A_861 = tpu.memref_slice %arg8[%dma_wait3A_860] : memref<320xf32, #tpu.memory_space<vmem>> -> memref<16xf32, #tpu.memory_space<vmem>>
    %dma_wait3A_862 = arith.constant 0 : i32
    %dma_wait3A_863 = tpu.memref_slice %arg4[%dma_wait3A_862] : memref<2097152xf32, #tpu.memory_space<hbm>> -> memref<2097152xf32, #tpu.memory_space<hbm>>
    tpu.wait_indirect_dma semaphore(%arg11 : memref<!tpu.dma_semaphore, #tpu.memory_space<semaphore_mem>>) src(%dma_wait3A_863 : memref<2097152xf32, #tpu.memory_space<hbm>>) dst(%dma_wait3A_861 : memref<16xf32, #tpu.memory_space<vmem>>)
    %dma_wait3A_864 = arith.constant 192 : i32
    %dma_wait3A_865 = tpu.memref_slice %arg8[%dma_wait3A_864] : memref<320xf32, #tpu.memory_space<vmem>> -> memref<16xf32, #tpu.memory_space<vmem>>
    %dma_wait3A_866 = arith.constant 0 : i32
    %dma_wait3A_867 = tpu.memref_slice %arg4[%dma_wait3A_866] : memref<2097152xf32, #tpu.memory_space<hbm>> -> memref<2097152xf32, #tpu.memory_space<hbm>>
    tpu.wait_indirect_dma semaphore(%arg11 : memref<!tpu.dma_semaphore, #tpu.memory_space<semaphore_mem>>) src(%dma_wait3A_867 : memref<2097152xf32, #tpu.memory_space<hbm>>) dst(%dma_wait3A_865 : memref<16xf32, #tpu.memory_space<vmem>>)
    %dma_wait3A_868 = arith.constant 208 : i32
    %dma_wait3A_869 = tpu.memref_slice %arg8[%dma_wait3A_868] : memref<320xf32, #tpu.memory_space<vmem>> -> memref<16xf32, #tpu.memory_space<vmem>>
    %dma_wait3A_870 = arith.constant 0 : i32
    %dma_wait3A_871 = tpu.memref_slice %arg4[%dma_wait3A_870] : memref<2097152xf32, #tpu.memory_space<hbm>> -> memref<2097152xf32, #tpu.memory_space<hbm>>
    tpu.wait_indirect_dma semaphore(%arg11 : memref<!tpu.dma_semaphore, #tpu.memory_space<semaphore_mem>>) src(%dma_wait3A_871 : memref<2097152xf32, #tpu.memory_space<hbm>>) dst(%dma_wait3A_869 : memref<16xf32, #tpu.memory_space<vmem>>)
    %dma_wait3A_872 = arith.constant 224 : i32
    %dma_wait3A_873 = tpu.memref_slice %arg8[%dma_wait3A_872] : memref<320xf32, #tpu.memory_space<vmem>> -> memref<16xf32, #tpu.memory_space<vmem>>
    %dma_wait3A_874 = arith.constant 0 : i32
    %dma_wait3A_875 = tpu.memref_slice %arg4[%dma_wait3A_874] : memref<2097152xf32, #tpu.memory_space<hbm>> -> memref<2097152xf32, #tpu.memory_space<hbm>>
    tpu.wait_indirect_dma semaphore(%arg11 : memref<!tpu.dma_semaphore, #tpu.memory_space<semaphore_mem>>) src(%dma_wait3A_875 : memref<2097152xf32, #tpu.memory_space<hbm>>) dst(%dma_wait3A_873 : memref<16xf32, #tpu.memory_space<vmem>>)
    %dma_wait3A_876 = arith.constant 240 : i32
    %dma_wait3A_877 = tpu.memref_slice %arg8[%dma_wait3A_876] : memref<320xf32, #tpu.memory_space<vmem>> -> memref<16xf32, #tpu.memory_space<vmem>>
    %dma_wait3A_878 = arith.constant 0 : i32
    %dma_wait3A_879 = tpu.memref_slice %arg4[%dma_wait3A_878] : memref<2097152xf32, #tpu.memory_space<hbm>> -> memref<2097152xf32, #tpu.memory_space<hbm>>
    tpu.wait_indirect_dma semaphore(%arg11 : memref<!tpu.dma_semaphore, #tpu.memory_space<semaphore_mem>>) src(%dma_wait3A_879 : memref<2097152xf32, #tpu.memory_space<hbm>>) dst(%dma_wait3A_877 : memref<16xf32, #tpu.memory_space<vmem>>)
    %dma_wait3A_880 = arith.constant 256 : i32
    %dma_wait3A_881 = tpu.memref_slice %arg8[%dma_wait3A_880] : memref<320xf32, #tpu.memory_space<vmem>> -> memref<16xf32, #tpu.memory_space<vmem>>
    %dma_wait3A_882 = arith.constant 0 : i32
    %dma_wait3A_883 = tpu.memref_slice %arg4[%dma_wait3A_882] : memref<2097152xf32, #tpu.memory_space<hbm>> -> memref<2097152xf32, #tpu.memory_space<hbm>>
    tpu.wait_indirect_dma semaphore(%arg11 : memref<!tpu.dma_semaphore, #tpu.memory_space<semaphore_mem>>) src(%dma_wait3A_883 : memref<2097152xf32, #tpu.memory_space<hbm>>) dst(%dma_wait3A_881 : memref<16xf32, #tpu.memory_space<vmem>>)
    %dma_wait3A_884 = arith.constant 272 : i32
    %dma_wait3A_885 = tpu.memref_slice %arg8[%dma_wait3A_884] : memref<320xf32, #tpu.memory_space<vmem>> -> memref<16xf32, #tpu.memory_space<vmem>>
    %dma_wait3A_886 = arith.constant 0 : i32
    %dma_wait3A_887 = tpu.memref_slice %arg4[%dma_wait3A_886] : memref<2097152xf32, #tpu.memory_space<hbm>> -> memref<2097152xf32, #tpu.memory_space<hbm>>
    tpu.wait_indirect_dma semaphore(%arg11 : memref<!tpu.dma_semaphore, #tpu.memory_space<semaphore_mem>>) src(%dma_wait3A_887 : memref<2097152xf32, #tpu.memory_space<hbm>>) dst(%dma_wait3A_885 : memref<16xf32, #tpu.memory_space<vmem>>)
    %dma_wait3A_888 = arith.constant 288 : i32
    %dma_wait3A_889 = tpu.memref_slice %arg8[%dma_wait3A_888] : memref<320xf32, #tpu.memory_space<vmem>> -> memref<16xf32, #tpu.memory_space<vmem>>
    %dma_wait3A_890 = arith.constant 0 : i32
    %dma_wait3A_891 = tpu.memref_slice %arg4[%dma_wait3A_890] : memref<2097152xf32, #tpu.memory_space<hbm>> -> memref<2097152xf32, #tpu.memory_space<hbm>>
    tpu.wait_indirect_dma semaphore(%arg11 : memref<!tpu.dma_semaphore, #tpu.memory_space<semaphore_mem>>) src(%dma_wait3A_891 : memref<2097152xf32, #tpu.memory_space<hbm>>) dst(%dma_wait3A_889 : memref<16xf32, #tpu.memory_space<vmem>>)
    %dma_wait3A_892 = arith.constant 304 : i32
    %dma_wait3A_893 = tpu.memref_slice %arg8[%dma_wait3A_892] : memref<320xf32, #tpu.memory_space<vmem>> -> memref<16xf32, #tpu.memory_space<vmem>>
    %dma_wait3A_894 = arith.constant 0 : i32
    %dma_wait3A_895 = tpu.memref_slice %arg4[%dma_wait3A_894] : memref<2097152xf32, #tpu.memory_space<hbm>> -> memref<2097152xf32, #tpu.memory_space<hbm>>
    tpu.wait_indirect_dma semaphore(%arg11 : memref<!tpu.dma_semaphore, #tpu.memory_space<semaphore_mem>>) src(%dma_wait3A_895 : memref<2097152xf32, #tpu.memory_space<hbm>>) dst(%dma_wait3A_893 : memref<16xf32, #tpu.memory_space<vmem>>)
    %iota3A = tpu.iota {dimensions = array<i32: 0>} : vector<16xi32>
    %broadcast_in_dim3A_896 = arith.constant 1.000000e+00 : f32
    %broadcast_in_dim3A_897 = vector.broadcast %broadcast_in_dim3A_896 : f32 to vector<16xf32>
    %get3A_898 = arith.constant 0 : index
    %get3A_899 = tpu.vector_load %arg8[%get3A_898] {strides = array<i32>} : memref<320xf32, #tpu.memory_space<vmem>>, vector<16xf32>,
    %convert_element_type3A_900 = arith.fptosi %get3A_899 : vector<16xf32> to vector<16xi32>
    %add3A_901 = arith.constant 0 : i32
    %add3A_902 = vector.broadcast %add3A_901 : i32 to vector<16xi32>
    %add3A_903 = arith.addi %add3A_902, %iota3A : vector<16xi32>
    %lt3A = arith.constant 307 : i32
    %lt3A_904 = vector.broadcast %lt3A : i32 to vector<16xi32>
    %lt3A_905 = arith.cmpi slt, %add3A_903, %lt3A_904 : vector<16xi32>
    tpu.vector_store_idx %arg9[%iota3A, %convert_element_type3A_900], %broadcast_in_dim3A_897 masked %lt3A_905 {add = true} : memref<16x128xf32, #tpu.memory_space<vmem>>[vector<16xi32>, vector<16xi32>], vector<16xf32>, vector<16xi1>
    %get3A_906 = arith.constant 16 : index
    %get3A_907 = tpu.vector_load %arg8[%get3A_906] {strides = array<i32>} : memref<320xf32, #tpu.memory_space<vmem>>, vector<16xf32>,
    %convert_element_type3A_908 = arith.fptosi %get3A_907 : vector<16xf32> to vector<16xi32>
    %add3A_909 = arith.constant 16 : i32
    %add3A_910 = vector.broadcast %add3A_909 : i32 to vector<16xi32>
    %add3A_911 = arith.addi %add3A_910, %iota3A : vector<16xi32>
    %lt3A_912 = arith.constant 307 : i32
    %lt3A_913 = vector.broadcast %lt3A_912 : i32 to vector<16xi32>
    %lt3A_914 = arith.cmpi slt, %add3A_911, %lt3A_913 : vector<16xi32>
    tpu.vector_store_idx %arg9[%iota3A, %convert_element_type3A_908], %broadcast_in_dim3A_897 masked %lt3A_914 {add = true} : memref<16x128xf32, #tpu.memory_space<vmem>>[vector<16xi32>, vector<16xi32>], vector<16xf32>, vector<16xi1>
    %get3A_915 = arith.constant 32 : index
    %get3A_916 = tpu.vector_load %arg8[%get3A_915] {strides = array<i32>} : memref<320xf32, #tpu.memory_space<vmem>>, vector<16xf32>,
    %convert_element_type3A_917 = arith.fptosi %get3A_916 : vector<16xf32> to vector<16xi32>
    %add3A_918 = arith.constant 32 : i32
    %add3A_919 = vector.broadcast %add3A_918 : i32 to vector<16xi32>
    %add3A_920 = arith.addi %add3A_919, %iota3A : vector<16xi32>
    %lt3A_921 = arith.constant 307 : i32
    %lt3A_922 = vector.broadcast %lt3A_921 : i32 to vector<16xi32>
    %lt3A_923 = arith.cmpi slt, %add3A_920, %lt3A_922 : vector<16xi32>
    tpu.vector_store_idx %arg9[%iota3A, %convert_element_type3A_917], %broadcast_in_dim3A_897 masked %lt3A_923 {add = true} : memref<16x128xf32, #tpu.memory_space<vmem>>[vector<16xi32>, vector<16xi32>], vector<16xf32>, vector<16xi1>
    %get3A_924 = arith.constant 48 : index
    %get3A_925 = tpu.vector_load %arg8[%get3A_924] {strides = array<i32>} : memref<320xf32, #tpu.memory_space<vmem>>, vector<16xf32>,
    %convert_element_type3A_926 = arith.fptosi %get3A_925 : vector<16xf32> to vector<16xi32>
    %add3A_927 = arith.constant 48 : i32
    %add3A_928 = vector.broadcast %add3A_927 : i32 to vector<16xi32>
    %add3A_929 = arith.addi %add3A_928, %iota3A : vector<16xi32>
    %lt3A_930 = arith.constant 307 : i32
    %lt3A_931 = vector.broadcast %lt3A_930 : i32 to vector<16xi32>
    %lt3A_932 = arith.cmpi slt, %add3A_929, %lt3A_931 : vector<16xi32>
    tpu.vector_store_idx %arg9[%iota3A, %convert_element_type3A_926], %broadcast_in_dim3A_897 masked %lt3A_932 {add = true} : memref<16x128xf32, #tpu.memory_space<vmem>>[vector<16xi32>, vector<16xi32>], vector<16xf32>, vector<16xi1>
    %get3A_933 = arith.constant 64 : index
    %get3A_934 = tpu.vector_load %arg8[%get3A_933] {strides = array<i32>} : memref<320xf32, #tpu.memory_space<vmem>>, vector<16xf32>,
    %convert_element_type3A_935 = arith.fptosi %get3A_934 : vector<16xf32> to vector<16xi32>
    %add3A_936 = arith.constant 64 : i32
    %add3A_937 = vector.broadcast %add3A_936 : i32 to vector<16xi32>
    %add3A_938 = arith.addi %add3A_937, %iota3A : vector<16xi32>
    %lt3A_939 = arith.constant 307 : i32
    %lt3A_940 = vector.broadcast %lt3A_939 : i32 to vector<16xi32>
    %lt3A_941 = arith.cmpi slt, %add3A_938, %lt3A_940 : vector<16xi32>
    tpu.vector_store_idx %arg9[%iota3A, %convert_element_type3A_935], %broadcast_in_dim3A_897 masked %lt3A_941 {add = true} : memref<16x128xf32, #tpu.memory_space<vmem>>[vector<16xi32>, vector<16xi32>], vector<16xf32>, vector<16xi1>
    %get3A_942 = arith.constant 80 : index
    %get3A_943 = tpu.vector_load %arg8[%get3A_942] {strides = array<i32>} : memref<320xf32, #tpu.memory_space<vmem>>, vector<16xf32>,
    %convert_element_type3A_944 = arith.fptosi %get3A_943 : vector<16xf32> to vector<16xi32>
    %add3A_945 = arith.constant 80 : i32
    %add3A_946 = vector.broadcast %add3A_945 : i32 to vector<16xi32>
    %add3A_947 = arith.addi %add3A_946, %iota3A : vector<16xi32>
    %lt3A_948 = arith.constant 307 : i32
    %lt3A_949 = vector.broadcast %lt3A_948 : i32 to vector<16xi32>
    %lt3A_950 = arith.cmpi slt, %add3A_947, %lt3A_949 : vector<16xi32>
    tpu.vector_store_idx %arg9[%iota3A, %convert_element_type3A_944], %broadcast_in_dim3A_897 masked %lt3A_950 {add = true} : memref<16x128xf32, #tpu.memory_space<vmem>>[vector<16xi32>, vector<16xi32>], vector<16xf32>, vector<16xi1>
    %get3A_951 = arith.constant 96 : index
    %get3A_952 = tpu.vector_load %arg8[%get3A_951] {strides = array<i32>} : memref<320xf32, #tpu.memory_space<vmem>>, vector<16xf32>,
    %convert_element_type3A_953 = arith.fptosi %get3A_952 : vector<16xf32> to vector<16xi32>
    %add3A_954 = arith.constant 96 : i32
    %add3A_955 = vector.broadcast %add3A_954 : i32 to vector<16xi32>
    %add3A_956 = arith.addi %add3A_955, %iota3A : vector<16xi32>
    %lt3A_957 = arith.constant 307 : i32
    %lt3A_958 = vector.broadcast %lt3A_957 : i32 to vector<16xi32>
    %lt3A_959 = arith.cmpi slt, %add3A_956, %lt3A_958 : vector<16xi32>
    tpu.vector_store_idx %arg9[%iota3A, %convert_element_type3A_953], %broadcast_in_dim3A_897 masked %lt3A_959 {add = true} : memref<16x128xf32, #tpu.memory_space<vmem>>[vector<16xi32>, vector<16xi32>], vector<16xf32>, vector<16xi1>
    %get3A_960 = arith.constant 112 : index
    %get3A_961 = tpu.vector_load %arg8[%get3A_960] {strides = array<i32>} : memref<320xf32, #tpu.memory_space<vmem>>, vector<16xf32>,
    %convert_element_type3A_962 = arith.fptosi %get3A_961 : vector<16xf32> to vector<16xi32>
    %add3A_963 = arith.constant 112 : i32
    %add3A_964 = vector.broadcast %add3A_963 : i32 to vector<16xi32>
    %add3A_965 = arith.addi %add3A_964, %iota3A : vector<16xi32>
    %lt3A_966 = arith.constant 307 : i32
    %lt3A_967 = vector.broadcast %lt3A_966 : i32 to vector<16xi32>
    %lt3A_968 = arith.cmpi slt, %add3A_965, %lt3A_967 : vector<16xi32>
    tpu.vector_store_idx %arg9[%iota3A, %convert_element_type3A_962], %broadcast_in_dim3A_897 masked %lt3A_968 {add = true} : memref<16x128xf32, #tpu.memory_space<vmem>>[vector<16xi32>, vector<16xi32>], vector<16xf32>, vector<16xi1>
    %get3A_969 = arith.constant 128 : index
    %get3A_970 = tpu.vector_load %arg8[%get3A_969] {strides = array<i32>} : memref<320xf32, #tpu.memory_space<vmem>>, vector<16xf32>,
    %convert_element_type3A_971 = arith.fptosi %get3A_970 : vector<16xf32> to vector<16xi32>
    %add3A_972 = arith.constant 128 : i32
    %add3A_973 = vector.broadcast %add3A_972 : i32 to vector<16xi32>
    %add3A_974 = arith.addi %add3A_973, %iota3A : vector<16xi32>
    %lt3A_975 = arith.constant 307 : i32
    %lt3A_976 = vector.broadcast %lt3A_975 : i32 to vector<16xi32>
    %lt3A_977 = arith.cmpi slt, %add3A_974, %lt3A_976 : vector<16xi32>
    tpu.vector_store_idx %arg9[%iota3A, %convert_element_type3A_971], %broadcast_in_dim3A_897 masked %lt3A_977 {add = true} : memref<16x128xf32, #tpu.memory_space<vmem>>[vector<16xi32>, vector<16xi32>], vector<16xf32>, vector<16xi1>
    %get3A_978 = arith.constant 144 : index
    %get3A_979 = tpu.vector_load %arg8[%get3A_978] {strides = array<i32>} : memref<320xf32, #tpu.memory_space<vmem>>, vector<16xf32>,
    %convert_element_type3A_980 = arith.fptosi %get3A_979 : vector<16xf32> to vector<16xi32>
    %add3A_981 = arith.constant 144 : i32
    %add3A_982 = vector.broadcast %add3A_981 : i32 to vector<16xi32>
    %add3A_983 = arith.addi %add3A_982, %iota3A : vector<16xi32>
    %lt3A_984 = arith.constant 307 : i32
    %lt3A_985 = vector.broadcast %lt3A_984 : i32 to vector<16xi32>
    %lt3A_986 = arith.cmpi slt, %add3A_983, %lt3A_985 : vector<16xi32>
    tpu.vector_store_idx %arg9[%iota3A, %convert_element_type3A_980], %broadcast_in_dim3A_897 masked %lt3A_986 {add = true} : memref<16x128xf32, #tpu.memory_space<vmem>>[vector<16xi32>, vector<16xi32>], vector<16xf32>, vector<16xi1>
    %get3A_987 = arith.constant 160 : index
    %get3A_988 = tpu.vector_load %arg8[%get3A_987] {strides = array<i32>} : memref<320xf32, #tpu.memory_space<vmem>>, vector<16xf32>,
    %convert_element_type3A_989 = arith.fptosi %get3A_988 : vector<16xf32> to vector<16xi32>
    %add3A_990 = arith.constant 160 : i32
    %add3A_991 = vector.broadcast %add3A_990 : i32 to vector<16xi32>
    %add3A_992 = arith.addi %add3A_991, %iota3A : vector<16xi32>
    %lt3A_993 = arith.constant 307 : i32
    %lt3A_994 = vector.broadcast %lt3A_993 : i32 to vector<16xi32>
    %lt3A_995 = arith.cmpi slt, %add3A_992, %lt3A_994 : vector<16xi32>
    tpu.vector_store_idx %arg9[%iota3A, %convert_element_type3A_989], %broadcast_in_dim3A_897 masked %lt3A_995 {add = true} : memref<16x128xf32, #tpu.memory_space<vmem>>[vector<16xi32>, vector<16xi32>], vector<16xf32>, vector<16xi1>
    %get3A_996 = arith.constant 176 : index
    %get3A_997 = tpu.vector_load %arg8[%get3A_996] {strides = array<i32>} : memref<320xf32, #tpu.memory_space<vmem>>, vector<16xf32>,
    %convert_element_type3A_998 = arith.fptosi %get3A_997 : vector<16xf32> to vector<16xi32>
    %add3A_999 = arith.constant 176 : i32
    %add3A_1000 = vector.broadcast %add3A_999 : i32 to vector<16xi32>
    %add3A_1001 = arith.addi %add3A_1000, %iota3A : vector<16xi32>
    %lt3A_1002 = arith.constant 307 : i32
    %lt3A_1003 = vector.broadcast %lt3A_1002 : i32 to vector<16xi32>
    %lt3A_1004 = arith.cmpi slt, %add3A_1001, %lt3A_1003 : vector<16xi32>
    tpu.vector_store_idx %arg9[%iota3A, %convert_element_type3A_998], %broadcast_in_dim3A_897 masked %lt3A_1004 {add = true} : memref<16x128xf32, #tpu.memory_space<vmem>>[vector<16xi32>, vector<16xi32>], vector<16xf32>, vector<16xi1>
    %get3A_1005 = arith.constant 192 : index
    %get3A_1006 = tpu.vector_load %arg8[%get3A_1005] {strides = array<i32>} : memref<320xf32, #tpu.memory_space<vmem>>, vector<16xf32>,
    %convert_element_type3A_1007 = arith.fptosi %get3A_1006 : vector<16xf32> to vector<16xi32>
    %add3A_1008 = arith.constant 192 : i32
    %add3A_1009 = vector.broadcast %add3A_1008 : i32 to vector<16xi32>
    %add3A_1010 = arith.addi %add3A_1009, %iota3A : vector<16xi32>
    %lt3A_1011 = arith.constant 307 : i32
    %lt3A_1012 = vector.broadcast %lt3A_1011 : i32 to vector<16xi32>
    %lt3A_1013 = arith.cmpi slt, %add3A_1010, %lt3A_1012 : vector<16xi32>
    tpu.vector_store_idx %arg9[%iota3A, %convert_element_type3A_1007], %broadcast_in_dim3A_897 masked %lt3A_1013 {add = true} : memref<16x128xf32, #tpu.memory_space<vmem>>[vector<16xi32>, vector<16xi32>], vector<16xf32>, vector<16xi1>
    %get3A_1014 = arith.constant 208 : index
    %get3A_1015 = tpu.vector_load %arg8[%get3A_1014] {strides = array<i32>} : memref<320xf32, #tpu.memory_space<vmem>>, vector<16xf32>,
    %convert_element_type3A_1016 = arith.fptosi %get3A_1015 : vector<16xf32> to vector<16xi32>
    %add3A_1017 = arith.constant 208 : i32
    %add3A_1018 = vector.broadcast %add3A_1017 : i32 to vector<16xi32>
    %add3A_1019 = arith.addi %add3A_1018, %iota3A : vector<16xi32>
    %lt3A_1020 = arith.constant 307 : i32
    %lt3A_1021 = vector.broadcast %lt3A_1020 : i32 to vector<16xi32>
    %lt3A_1022 = arith.cmpi slt, %add3A_1019, %lt3A_1021 : vector<16xi32>
    tpu.vector_store_idx %arg9[%iota3A, %convert_element_type3A_1016], %broadcast_in_dim3A_897 masked %lt3A_1022 {add = true} : memref<16x128xf32, #tpu.memory_space<vmem>>[vector<16xi32>, vector<16xi32>], vector<16xf32>, vector<16xi1>
    %get3A_1023 = arith.constant 224 : index
    %get3A_1024 = tpu.vector_load %arg8[%get3A_1023] {strides = array<i32>} : memref<320xf32, #tpu.memory_space<vmem>>, vector<16xf32>,
    %convert_element_type3A_1025 = arith.fptosi %get3A_1024 : vector<16xf32> to vector<16xi32>
    %add3A_1026 = arith.constant 224 : i32
    %add3A_1027 = vector.broadcast %add3A_1026 : i32 to vector<16xi32>
    %add3A_1028 = arith.addi %add3A_1027, %iota3A : vector<16xi32>
    %lt3A_1029 = arith.constant 307 : i32
    %lt3A_1030 = vector.broadcast %lt3A_1029 : i32 to vector<16xi32>
    %lt3A_1031 = arith.cmpi slt, %add3A_1028, %lt3A_1030 : vector<16xi32>
    tpu.vector_store_idx %arg9[%iota3A, %convert_element_type3A_1025], %broadcast_in_dim3A_897 masked %lt3A_1031 {add = true} : memref<16x128xf32, #tpu.memory_space<vmem>>[vector<16xi32>, vector<16xi32>], vector<16xf32>, vector<16xi1>
    %get3A_1032 = arith.constant 240 : index
    %get3A_1033 = tpu.vector_load %arg8[%get3A_1032] {strides = array<i32>} : memref<320xf32, #tpu.memory_space<vmem>>, vector<16xf32>,
    %convert_element_type3A_1034 = arith.fptosi %get3A_1033 : vector<16xf32> to vector<16xi32>
    %add3A_1035 = arith.constant 240 : i32
    %add3A_1036 = vector.broadcast %add3A_1035 : i32 to vector<16xi32>
    %add3A_1037 = arith.addi %add3A_1036, %iota3A : vector<16xi32>
    %lt3A_1038 = arith.constant 307 : i32
    %lt3A_1039 = vector.broadcast %lt3A_1038 : i32 to vector<16xi32>
    %lt3A_1040 = arith.cmpi slt, %add3A_1037, %lt3A_1039 : vector<16xi32>
    tpu.vector_store_idx %arg9[%iota3A, %convert_element_type3A_1034], %broadcast_in_dim3A_897 masked %lt3A_1040 {add = true} : memref<16x128xf32, #tpu.memory_space<vmem>>[vector<16xi32>, vector<16xi32>], vector<16xf32>, vector<16xi1>
    %get3A_1041 = arith.constant 256 : index
    %get3A_1042 = tpu.vector_load %arg8[%get3A_1041] {strides = array<i32>} : memref<320xf32, #tpu.memory_space<vmem>>, vector<16xf32>,
    %convert_element_type3A_1043 = arith.fptosi %get3A_1042 : vector<16xf32> to vector<16xi32>
    %add3A_1044 = arith.constant 256 : i32
    %add3A_1045 = vector.broadcast %add3A_1044 : i32 to vector<16xi32>
    %add3A_1046 = arith.addi %add3A_1045, %iota3A : vector<16xi32>
    %lt3A_1047 = arith.constant 307 : i32
    %lt3A_1048 = vector.broadcast %lt3A_1047 : i32 to vector<16xi32>
    %lt3A_1049 = arith.cmpi slt, %add3A_1046, %lt3A_1048 : vector<16xi32>
    tpu.vector_store_idx %arg9[%iota3A, %convert_element_type3A_1043], %broadcast_in_dim3A_897 masked %lt3A_1049 {add = true} : memref<16x128xf32, #tpu.memory_space<vmem>>[vector<16xi32>, vector<16xi32>], vector<16xf32>, vector<16xi1>
    %get3A_1050 = arith.constant 272 : index
    %get3A_1051 = tpu.vector_load %arg8[%get3A_1050] {strides = array<i32>} : memref<320xf32, #tpu.memory_space<vmem>>, vector<16xf32>,
    %convert_element_type3A_1052 = arith.fptosi %get3A_1051 : vector<16xf32> to vector<16xi32>
    %add3A_1053 = arith.constant 272 : i32
    %add3A_1054 = vector.broadcast %add3A_1053 : i32 to vector<16xi32>
    %add3A_1055 = arith.addi %add3A_1054, %iota3A : vector<16xi32>
    %lt3A_1056 = arith.constant 307 : i32
    %lt3A_1057 = vector.broadcast %lt3A_1056 : i32 to vector<16xi32>
    %lt3A_1058 = arith.cmpi slt, %add3A_1055, %lt3A_1057 : vector<16xi32>
    tpu.vector_store_idx %arg9[%iota3A, %convert_element_type3A_1052], %broadcast_in_dim3A_897 masked %lt3A_1058 {add = true} : memref<16x128xf32, #tpu.memory_space<vmem>>[vector<16xi32>, vector<16xi32>], vector<16xf32>, vector<16xi1>
    %get3A_1059 = arith.constant 288 : index
    %get3A_1060 = tpu.vector_load %arg8[%get3A_1059] {strides = array<i32>} : memref<320xf32, #tpu.memory_space<vmem>>, vector<16xf32>,
    %convert_element_type3A_1061 = arith.fptosi %get3A_1060 : vector<16xf32> to vector<16xi32>
    %add3A_1062 = arith.constant 288 : i32
    %add3A_1063 = vector.broadcast %add3A_1062 : i32 to vector<16xi32>
    %add3A_1064 = arith.addi %add3A_1063, %iota3A : vector<16xi32>
    %lt3A_1065 = arith.constant 307 : i32
    %lt3A_1066 = vector.broadcast %lt3A_1065 : i32 to vector<16xi32>
    %lt3A_1067 = arith.cmpi slt, %add3A_1064, %lt3A_1066 : vector<16xi32>
    tpu.vector_store_idx %arg9[%iota3A, %convert_element_type3A_1061], %broadcast_in_dim3A_897 masked %lt3A_1067 {add = true} : memref<16x128xf32, #tpu.memory_space<vmem>>[vector<16xi32>, vector<16xi32>], vector<16xf32>, vector<16xi1>
    %get3A_1068 = arith.constant 304 : index
    %get3A_1069 = tpu.vector_load %arg8[%get3A_1068] {strides = array<i32>} : memref<320xf32, #tpu.memory_space<vmem>>, vector<16xf32>,
    %convert_element_type3A_1070 = arith.fptosi %get3A_1069 : vector<16xf32> to vector<16xi32>
    %add3A_1071 = arith.constant 304 : i32
    %add3A_1072 = vector.broadcast %add3A_1071 : i32 to vector<16xi32>
    %add3A_1073 = arith.addi %add3A_1072, %iota3A : vector<16xi32>
    %lt3A_1074 = arith.constant 307 : i32
    %lt3A_1075 = vector.broadcast %lt3A_1074 : i32 to vector<16xi32>
    %lt3A_1076 = arith.cmpi slt, %add3A_1073, %lt3A_1075 : vector<16xi32>
    tpu.vector_store_idx %arg9[%iota3A, %convert_element_type3A_1070], %broadcast_in_dim3A_897 masked %lt3A_1076 {add = true} : memref<16x128xf32, #tpu.memory_space<vmem>>[vector<16xi32>, vector<16xi32>], vector<16xf32>, vector<16xi1>
    %broadcast_in_dim3A_1077 = arith.constant 0.000000e+00 : f32
    %broadcast_in_dim3A_1078 = vector.broadcast %broadcast_in_dim3A_1077 : f32 to vector<16xf32>
    %get3A_1079 = arith.constant 0 : i32
    %get3A_1080 = arith.index_cast %get3A_1079 : i32 to index
    %get3A_1081 = arith.constant 0 : index
    %get3A_1082 = tpu.vector_load %arg9[%get3A_1080, %get3A_1081] {strides = array<i32>} : memref<16x128xf32, #tpu.memory_space<vmem>>, vector<16xf32>,
    %add3A_1083 = arith.addf %broadcast_in_dim3A_1078, %get3A_1082 : vector<16xf32>
    %get3A_1084 = arith.constant 1 : i32
    %get3A_1085 = arith.index_cast %get3A_1084 : i32 to index
    %get3A_1086 = arith.constant 0 : index
    %get3A_1087 = tpu.vector_load %arg9[%get3A_1085, %get3A_1086] {strides = array<i32>} : memref<16x128xf32, #tpu.memory_space<vmem>>, vector<16xf32>,
    %add3A_1088 = arith.addf %add3A_1083, %get3A_1087 : vector<16xf32>
    %get3A_1089 = arith.constant 2 : i32
    %get3A_1090 = arith.index_cast %get3A_1089 : i32 to index
    %get3A_1091 = arith.constant 0 : index
    %get3A_1092 = tpu.vector_load %arg9[%get3A_1090, %get3A_1091] {strides = array<i32>} : memref<16x128xf32, #tpu.memory_space<vmem>>, vector<16xf32>,
    %add3A_1093 = arith.addf %add3A_1088, %get3A_1092 : vector<16xf32>
    %get3A_1094 = arith.constant 3 : i32
    %get3A_1095 = arith.index_cast %get3A_1094 : i32 to index
    %get3A_1096 = arith.constant 0 : index
    %get3A_1097 = tpu.vector_load %arg9[%get3A_1095, %get3A_1096] {strides = array<i32>} : memref<16x128xf32, #tpu.memory_space<vmem>>, vector<16xf32>,
    %add3A_1098 = arith.addf %add3A_1093, %get3A_1097 : vector<16xf32>
    %get3A_1099 = arith.constant 4 : i32
    %get3A_1100 = arith.index_cast %get3A_1099 : i32 to index
    %get3A_1101 = arith.constant 0 : index
    %get3A_1102 = tpu.vector_load %arg9[%get3A_1100, %get3A_1101] {strides = array<i32>} : memref<16x128xf32, #tpu.memory_space<vmem>>, vector<16xf32>,
    %add3A_1103 = arith.addf %add3A_1098, %get3A_1102 : vector<16xf32>
    %get3A_1104 = arith.constant 5 : i32
    %get3A_1105 = arith.index_cast %get3A_1104 : i32 to index
    %get3A_1106 = arith.constant 0 : index
    %get3A_1107 = tpu.vector_load %arg9[%get3A_1105, %get3A_1106] {strides = array<i32>} : memref<16x128xf32, #tpu.memory_space<vmem>>, vector<16xf32>,
    %add3A_1108 = arith.addf %add3A_1103, %get3A_1107 : vector<16xf32>
    %get3A_1109 = arith.constant 6 : i32
    %get3A_1110 = arith.index_cast %get3A_1109 : i32 to index
    %get3A_1111 = arith.constant 0 : index
    %get3A_1112 = tpu.vector_load %arg9[%get3A_1110, %get3A_1111] {strides = array<i32>} : memref<16x128xf32, #tpu.memory_space<vmem>>, vector<16xf32>,
    %add3A_1113 = arith.addf %add3A_1108, %get3A_1112 : vector<16xf32>
    %get3A_1114 = arith.constant 7 : i32
    %get3A_1115 = arith.index_cast %get3A_1114 : i32 to index
    %get3A_1116 = arith.constant 0 : index
    %get3A_1117 = tpu.vector_load %arg9[%get3A_1115, %get3A_1116] {strides = array<i32>} : memref<16x128xf32, #tpu.memory_space<vmem>>, vector<16xf32>,
    %add3A_1118 = arith.addf %add3A_1113, %get3A_1117 : vector<16xf32>
    %get3A_1119 = arith.constant 8 : i32
    %get3A_1120 = arith.index_cast %get3A_1119 : i32 to index
    %get3A_1121 = arith.constant 0 : index
    %get3A_1122 = tpu.vector_load %arg9[%get3A_1120, %get3A_1121] {strides = array<i32>} : memref<16x128xf32, #tpu.memory_space<vmem>>, vector<16xf32>,
    %add3A_1123 = arith.addf %add3A_1118, %get3A_1122 : vector<16xf32>
    %get3A_1124 = arith.constant 9 : i32
    %get3A_1125 = arith.index_cast %get3A_1124 : i32 to index
    %get3A_1126 = arith.constant 0 : index
    %get3A_1127 = tpu.vector_load %arg9[%get3A_1125, %get3A_1126] {strides = array<i32>} : memref<16x128xf32, #tpu.memory_space<vmem>>, vector<16xf32>,
    %add3A_1128 = arith.addf %add3A_1123, %get3A_1127 : vector<16xf32>
    %get3A_1129 = arith.constant 10 : i32
    %get3A_1130 = arith.index_cast %get3A_1129 : i32 to index
    %get3A_1131 = arith.constant 0 : index
    %get3A_1132 = tpu.vector_load %arg9[%get3A_1130, %get3A_1131] {strides = array<i32>} : memref<16x128xf32, #tpu.memory_space<vmem>>, vector<16xf32>,
    %add3A_1133 = arith.addf %add3A_1128, %get3A_1132 : vector<16xf32>
    %get3A_1134 = arith.constant 11 : i32
    %get3A_1135 = arith.index_cast %get3A_1134 : i32 to index
    %get3A_1136 = arith.constant 0 : index
    %get3A_1137 = tpu.vector_load %arg9[%get3A_1135, %get3A_1136] {strides = array<i32>} : memref<16x128xf32, #tpu.memory_space<vmem>>, vector<16xf32>,
    %add3A_1138 = arith.addf %add3A_1133, %get3A_1137 : vector<16xf32>
    %get3A_1139 = arith.constant 12 : i32
    %get3A_1140 = arith.index_cast %get3A_1139 : i32 to index
    %get3A_1141 = arith.constant 0 : index
    %get3A_1142 = tpu.vector_load %arg9[%get3A_1140, %get3A_1141] {strides = array<i32>} : memref<16x128xf32, #tpu.memory_space<vmem>>, vector<16xf32>,
    %add3A_1143 = arith.addf %add3A_1138, %get3A_1142 : vector<16xf32>
    %get3A_1144 = arith.constant 13 : i32
    %get3A_1145 = arith.index_cast %get3A_1144 : i32 to index
    %get3A_1146 = arith.constant 0 : index
    %get3A_1147 = tpu.vector_load %arg9[%get3A_1145, %get3A_1146] {strides = array<i32>} : memref<16x128xf32, #tpu.memory_space<vmem>>, vector<16xf32>,
    %add3A_1148 = arith.addf %add3A_1143, %get3A_1147 : vector<16xf32>
    %get3A_1149 = arith.constant 14 : i32
    %get3A_1150 = arith.index_cast %get3A_1149 : i32 to index
    %get3A_1151 = arith.constant 0 : index
    %get3A_1152 = tpu.vector_load %arg9[%get3A_1150, %get3A_1151] {strides = array<i32>} : memref<16x128xf32, #tpu.memory_space<vmem>>, vector<16xf32>,
    %add3A_1153 = arith.addf %add3A_1148, %get3A_1152 : vector<16xf32>
    %get3A_1154 = arith.constant 15 : i32
    %get3A_1155 = arith.index_cast %get3A_1154 : i32 to index
    %get3A_1156 = arith.constant 0 : index
    %get3A_1157 = tpu.vector_load %arg9[%get3A_1155, %get3A_1156] {strides = array<i32>} : memref<16x128xf32, #tpu.memory_space<vmem>>, vector<16xf32>,
    %add3A_1158 = arith.addf %add3A_1153, %get3A_1157 : vector<16xf32>
    %swap3A_1159 = arith.constant 0 : index
    %swap3A_1160 = tpu.vector_load %arg10[%swap3A_1159] {strides = array<i32>} : memref<128xf32, #tpu.memory_space<vmem>>, vector<16xf32>,
    tpu.vector_store %arg10[%swap3A_1159], %add3A_1158 {strides = array<i32>} : memref<128xf32, #tpu.memory_space<vmem>>, vector<16xf32>,
    %broadcast_in_dim3A_1161 = arith.constant 0.000000e+00 : f32
    %broadcast_in_dim3A_1162 = vector.broadcast %broadcast_in_dim3A_1161 : f32 to vector<16xf32>
    %get3A_1163 = arith.constant 0 : i32
    %get3A_1164 = arith.index_cast %get3A_1163 : i32 to index
    %get3A_1165 = arith.constant 16 : index
    %get3A_1166 = tpu.vector_load %arg9[%get3A_1164, %get3A_1165] {strides = array<i32>} : memref<16x128xf32, #tpu.memory_space<vmem>>, vector<16xf32>,
    %add3A_1167 = arith.addf %broadcast_in_dim3A_1162, %get3A_1166 : vector<16xf32>
    %get3A_1168 = arith.constant 1 : i32
    %get3A_1169 = arith.index_cast %get3A_1168 : i32 to index
    %get3A_1170 = arith.constant 16 : index
    %get3A_1171 = tpu.vector_load %arg9[%get3A_1169, %get3A_1170] {strides = array<i32>} : memref<16x128xf32, #tpu.memory_space<vmem>>, vector<16xf32>,
    %add3A_1172 = arith.addf %add3A_1167, %get3A_1171 : vector<16xf32>
    %get3A_1173 = arith.constant 2 : i32
    %get3A_1174 = arith.index_cast %get3A_1173 : i32 to index
    %get3A_1175 = arith.constant 16 : index
    %get3A_1176 = tpu.vector_load %arg9[%get3A_1174, %get3A_1175] {strides = array<i32>} : memref<16x128xf32, #tpu.memory_space<vmem>>, vector<16xf32>,
    %add3A_1177 = arith.addf %add3A_1172, %get3A_1176 : vector<16xf32>
    %get3A_1178 = arith.constant 3 : i32
    %get3A_1179 = arith.index_cast %get3A_1178 : i32 to index
    %get3A_1180 = arith.constant 16 : index
    %get3A_1181 = tpu.vector_load %arg9[%get3A_1179, %get3A_1180] {strides = array<i32>} : memref<16x128xf32, #tpu.memory_space<vmem>>, vector<16xf32>,
    %add3A_1182 = arith.addf %add3A_1177, %get3A_1181 : vector<16xf32>
    %get3A_1183 = arith.constant 4 : i32
    %get3A_1184 = arith.index_cast %get3A_1183 : i32 to index
    %get3A_1185 = arith.constant 16 : index
    %get3A_1186 = tpu.vector_load %arg9[%get3A_1184, %get3A_1185] {strides = array<i32>} : memref<16x128xf32, #tpu.memory_space<vmem>>, vector<16xf32>,
    %add3A_1187 = arith.addf %add3A_1182, %get3A_1186 : vector<16xf32>
    %get3A_1188 = arith.constant 5 : i32
    %get3A_1189 = arith.index_cast %get3A_1188 : i32 to index
    %get3A_1190 = arith.constant 16 : index
    %get3A_1191 = tpu.vector_load %arg9[%get3A_1189, %get3A_1190] {strides = array<i32>} : memref<16x128xf32, #tpu.memory_space<vmem>>, vector<16xf32>,
    %add3A_1192 = arith.addf %add3A_1187, %get3A_1191 : vector<16xf32>
    %get3A_1193 = arith.constant 6 : i32
    %get3A_1194 = arith.index_cast %get3A_1193 : i32 to index
    %get3A_1195 = arith.constant 16 : index
    %get3A_1196 = tpu.vector_load %arg9[%get3A_1194, %get3A_1195] {strides = array<i32>} : memref<16x128xf32, #tpu.memory_space<vmem>>, vector<16xf32>,
    %add3A_1197 = arith.addf %add3A_1192, %get3A_1196 : vector<16xf32>
    %get3A_1198 = arith.constant 7 : i32
    %get3A_1199 = arith.index_cast %get3A_1198 : i32 to index
    %get3A_1200 = arith.constant 16 : index
    %get3A_1201 = tpu.vector_load %arg9[%get3A_1199, %get3A_1200] {strides = array<i32>} : memref<16x128xf32, #tpu.memory_space<vmem>>, vector<16xf32>,
    %add3A_1202 = arith.addf %add3A_1197, %get3A_1201 : vector<16xf32>
    %get3A_1203 = arith.constant 8 : i32
    %get3A_1204 = arith.index_cast %get3A_1203 : i32 to index
    %get3A_1205 = arith.constant 16 : index
    %get3A_1206 = tpu.vector_load %arg9[%get3A_1204, %get3A_1205] {strides = array<i32>} : memref<16x128xf32, #tpu.memory_space<vmem>>, vector<16xf32>,
    %add3A_1207 = arith.addf %add3A_1202, %get3A_1206 : vector<16xf32>
    %get3A_1208 = arith.constant 9 : i32
    %get3A_1209 = arith.index_cast %get3A_1208 : i32 to index
    %get3A_1210 = arith.constant 16 : index
    %get3A_1211 = tpu.vector_load %arg9[%get3A_1209, %get3A_1210] {strides = array<i32>} : memref<16x128xf32, #tpu.memory_space<vmem>>, vector<16xf32>,
    %add3A_1212 = arith.addf %add3A_1207, %get3A_1211 : vector<16xf32>
    %get3A_1213 = arith.constant 10 : i32
    %get3A_1214 = arith.index_cast %get3A_1213 : i32 to index
    %get3A_1215 = arith.constant 16 : index
    %get3A_1216 = tpu.vector_load %arg9[%get3A_1214, %get3A_1215] {strides = array<i32>} : memref<16x128xf32, #tpu.memory_space<vmem>>, vector<16xf32>,
    %add3A_1217 = arith.addf %add3A_1212, %get3A_1216 : vector<16xf32>
    %get3A_1218 = arith.constant 11 : i32
    %get3A_1219 = arith.index_cast %get3A_1218 : i32 to index
    %get3A_1220 = arith.constant 16 : index
    %get3A_1221 = tpu.vector_load %arg9[%get3A_1219, %get3A_1220] {strides = array<i32>} : memref<16x128xf32, #tpu.memory_space<vmem>>, vector<16xf32>,
    %add3A_1222 = arith.addf %add3A_1217, %get3A_1221 : vector<16xf32>
    %get3A_1223 = arith.constant 12 : i32
    %get3A_1224 = arith.index_cast %get3A_1223 : i32 to index
    %get3A_1225 = arith.constant 16 : index
    %get3A_1226 = tpu.vector_load %arg9[%get3A_1224, %get3A_1225] {strides = array<i32>} : memref<16x128xf32, #tpu.memory_space<vmem>>, vector<16xf32>,
    %add3A_1227 = arith.addf %add3A_1222, %get3A_1226 : vector<16xf32>
    %get3A_1228 = arith.constant 13 : i32
    %get3A_1229 = arith.index_cast %get3A_1228 : i32 to index
    %get3A_1230 = arith.constant 16 : index
    %get3A_1231 = tpu.vector_load %arg9[%get3A_1229, %get3A_1230] {strides = array<i32>} : memref<16x128xf32, #tpu.memory_space<vmem>>, vector<16xf32>,
    %add3A_1232 = arith.addf %add3A_1227, %get3A_1231 : vector<16xf32>
    %get3A_1233 = arith.constant 14 : i32
    %get3A_1234 = arith.index_cast %get3A_1233 : i32 to index
    %get3A_1235 = arith.constant 16 : index
    %get3A_1236 = tpu.vector_load %arg9[%get3A_1234, %get3A_1235] {strides = array<i32>} : memref<16x128xf32, #tpu.memory_space<vmem>>, vector<16xf32>,
    %add3A_1237 = arith.addf %add3A_1232, %get3A_1236 : vector<16xf32>
    %get3A_1238 = arith.constant 15 : i32
    %get3A_1239 = arith.index_cast %get3A_1238 : i32 to index
    %get3A_1240 = arith.constant 16 : index
    %get3A_1241 = tpu.vector_load %arg9[%get3A_1239, %get3A_1240] {strides = array<i32>} : memref<16x128xf32, #tpu.memory_space<vmem>>, vector<16xf32>,
    %add3A_1242 = arith.addf %add3A_1237, %get3A_1241 : vector<16xf32>
    %swap3A_1243 = arith.constant 16 : index
    %swap3A_1244 = tpu.vector_load %arg10[%swap3A_1243] {strides = array<i32>} : memref<128xf32, #tpu.memory_space<vmem>>, vector<16xf32>,
    tpu.vector_store %arg10[%swap3A_1243], %add3A_1242 {strides = array<i32>} : memref<128xf32, #tpu.memory_space<vmem>>, vector<16xf32>,
    %broadcast_in_dim3A_1245 = arith.constant 0.000000e+00 : f32
    %broadcast_in_dim3A_1246 = vector.broadcast %broadcast_in_dim3A_1245 : f32 to vector<16xf32>
    %get3A_1247 = arith.constant 0 : i32
    %get3A_1248 = arith.index_cast %get3A_1247 : i32 to index
    %get3A_1249 = arith.constant 32 : index
    %get3A_1250 = tpu.vector_load %arg9[%get3A_1248, %get3A_1249] {strides = array<i32>} : memref<16x128xf32, #tpu.memory_space<vmem>>, vector<16xf32>,
    %add3A_1251 = arith.addf %broadcast_in_dim3A_1246, %get3A_1250 : vector<16xf32>
    %get3A_1252 = arith.constant 1 : i32
    %get3A_1253 = arith.index_cast %get3A_1252 : i32 to index
    %get3A_1254 = arith.constant 32 : index
    %get3A_1255 = tpu.vector_load %arg9[%get3A_1253, %get3A_1254] {strides = array<i32>} : memref<16x128xf32, #tpu.memory_space<vmem>>, vector<16xf32>,
    %add3A_1256 = arith.addf %add3A_1251, %get3A_1255 : vector<16xf32>
    %get3A_1257 = arith.constant 2 : i32
    %get3A_1258 = arith.index_cast %get3A_1257 : i32 to index
    %get3A_1259 = arith.constant 32 : index
    %get3A_1260 = tpu.vector_load %arg9[%get3A_1258, %get3A_1259] {strides = array<i32>} : memref<16x128xf32, #tpu.memory_space<vmem>>, vector<16xf32>,
    %add3A_1261 = arith.addf %add3A_1256, %get3A_1260 : vector<16xf32>
    %get3A_1262 = arith.constant 3 : i32
    %get3A_1263 = arith.index_cast %get3A_1262 : i32 to index
    %get3A_1264 = arith.constant 32 : index
    %get3A_1265 = tpu.vector_load %arg9[%get3A_1263, %get3A_1264] {strides = array<i32>} : memref<16x128xf32, #tpu.memory_space<vmem>>, vector<16xf32>,
    %add3A_1266 = arith.addf %add3A_1261, %get3A_1265 : vector<16xf32>
    %get3A_1267 = arith.constant 4 : i32
    %get3A_1268 = arith.index_cast %get3A_1267 : i32 to index
    %get3A_1269 = arith.constant 32 : index
    %get3A_1270 = tpu.vector_load %arg9[%get3A_1268, %get3A_1269] {strides = array<i32>} : memref<16x128xf32, #tpu.memory_space<vmem>>, vector<16xf32>,
    %add3A_1271 = arith.addf %add3A_1266, %get3A_1270 : vector<16xf32>
    %get3A_1272 = arith.constant 5 : i32
    %get3A_1273 = arith.index_cast %get3A_1272 : i32 to index
    %get3A_1274 = arith.constant 32 : index
    %get3A_1275 = tpu.vector_load %arg9[%get3A_1273, %get3A_1274] {strides = array<i32>} : memref<16x128xf32, #tpu.memory_space<vmem>>, vector<16xf32>,
    %add3A_1276 = arith.addf %add3A_1271, %get3A_1275 : vector<16xf32>
    %get3A_1277 = arith.constant 6 : i32
    %get3A_1278 = arith.index_cast %get3A_1277 : i32 to index
    %get3A_1279 = arith.constant 32 : index
    %get3A_1280 = tpu.vector_load %arg9[%get3A_1278, %get3A_1279] {strides = array<i32>} : memref<16x128xf32, #tpu.memory_space<vmem>>, vector<16xf32>,
    %add3A_1281 = arith.addf %add3A_1276, %get3A_1280 : vector<16xf32>
    %get3A_1282 = arith.constant 7 : i32
    %get3A_1283 = arith.index_cast %get3A_1282 : i32 to index
    %get3A_1284 = arith.constant 32 : index
    %get3A_1285 = tpu.vector_load %arg9[%get3A_1283, %get3A_1284] {strides = array<i32>} : memref<16x128xf32, #tpu.memory_space<vmem>>, vector<16xf32>,
    %add3A_1286 = arith.addf %add3A_1281, %get3A_1285 : vector<16xf32>
    %get3A_1287 = arith.constant 8 : i32
    %get3A_1288 = arith.index_cast %get3A_1287 : i32 to index
    %get3A_1289 = arith.constant 32 : index
    %get3A_1290 = tpu.vector_load %arg9[%get3A_1288, %get3A_1289] {strides = array<i32>} : memref<16x128xf32, #tpu.memory_space<vmem>>, vector<16xf32>,
    %add3A_1291 = arith.addf %add3A_1286, %get3A_1290 : vector<16xf32>
    %get3A_1292 = arith.constant 9 : i32
    %get3A_1293 = arith.index_cast %get3A_1292 : i32 to index
    %get3A_1294 = arith.constant 32 : index
    %get3A_1295 = tpu.vector_load %arg9[%get3A_1293, %get3A_1294] {strides = array<i32>} : memref<16x128xf32, #tpu.memory_space<vmem>>, vector<16xf32>,
    %add3A_1296 = arith.addf %add3A_1291, %get3A_1295 : vector<16xf32>
    %get3A_1297 = arith.constant 10 : i32
    %get3A_1298 = arith.index_cast %get3A_1297 : i32 to index
    %get3A_1299 = arith.constant 32 : index
    %get3A_1300 = tpu.vector_load %arg9[%get3A_1298, %get3A_1299] {strides = array<i32>} : memref<16x128xf32, #tpu.memory_space<vmem>>, vector<16xf32>,
    %add3A_1301 = arith.addf %add3A_1296, %get3A_1300 : vector<16xf32>
    %get3A_1302 = arith.constant 11 : i32
    %get3A_1303 = arith.index_cast %get3A_1302 : i32 to index
    %get3A_1304 = arith.constant 32 : index
    %get3A_1305 = tpu.vector_load %arg9[%get3A_1303, %get3A_1304] {strides = array<i32>} : memref<16x128xf32, #tpu.memory_space<vmem>>, vector<16xf32>,
    %add3A_1306 = arith.addf %add3A_1301, %get3A_1305 : vector<16xf32>
    %get3A_1307 = arith.constant 12 : i32
    %get3A_1308 = arith.index_cast %get3A_1307 : i32 to index
    %get3A_1309 = arith.constant 32 : index
    %get3A_1310 = tpu.vector_load %arg9[%get3A_1308, %get3A_1309] {strides = array<i32>} : memref<16x128xf32, #tpu.memory_space<vmem>>, vector<16xf32>,
    %add3A_1311 = arith.addf %add3A_1306, %get3A_1310 : vector<16xf32>
    %get3A_1312 = arith.constant 13 : i32
    %get3A_1313 = arith.index_cast %get3A_1312 : i32 to index
    %get3A_1314 = arith.constant 32 : index
    %get3A_1315 = tpu.vector_load %arg9[%get3A_1313, %get3A_1314] {strides = array<i32>} : memref<16x128xf32, #tpu.memory_space<vmem>>, vector<16xf32>,
    %add3A_1316 = arith.addf %add3A_1311, %get3A_1315 : vector<16xf32>
    %get3A_1317 = arith.constant 14 : i32
    %get3A_1318 = arith.index_cast %get3A_1317 : i32 to index
    %get3A_1319 = arith.constant 32 : index
    %get3A_1320 = tpu.vector_load %arg9[%get3A_1318, %get3A_1319] {strides = array<i32>} : memref<16x128xf32, #tpu.memory_space<vmem>>, vector<16xf32>,
    %add3A_1321 = arith.addf %add3A_1316, %get3A_1320 : vector<16xf32>
    %get3A_1322 = arith.constant 15 : i32
    %get3A_1323 = arith.index_cast %get3A_1322 : i32 to index
    %get3A_1324 = arith.constant 32 : index
    %get3A_1325 = tpu.vector_load %arg9[%get3A_1323, %get3A_1324] {strides = array<i32>} : memref<16x128xf32, #tpu.memory_space<vmem>>, vector<16xf32>,
    %add3A_1326 = arith.addf %add3A_1321, %get3A_1325 : vector<16xf32>
    %swap3A_1327 = arith.constant 32 : index
    %swap3A_1328 = tpu.vector_load %arg10[%swap3A_1327] {strides = array<i32>} : memref<128xf32, #tpu.memory_space<vmem>>, vector<16xf32>,
    tpu.vector_store %arg10[%swap3A_1327], %add3A_1326 {strides = array<i32>} : memref<128xf32, #tpu.memory_space<vmem>>, vector<16xf32>,
    %broadcast_in_dim3A_1329 = arith.constant 0.000000e+00 : f32
    %broadcast_in_dim3A_1330 = vector.broadcast %broadcast_in_dim3A_1329 : f32 to vector<16xf32>
    %get3A_1331 = arith.constant 0 : i32
    %get3A_1332 = arith.index_cast %get3A_1331 : i32 to index
    %get3A_1333 = arith.constant 48 : index
    %get3A_1334 = tpu.vector_load %arg9[%get3A_1332, %get3A_1333] {strides = array<i32>} : memref<16x128xf32, #tpu.memory_space<vmem>>, vector<16xf32>,
    %add3A_1335 = arith.addf %broadcast_in_dim3A_1330, %get3A_1334 : vector<16xf32>
    %get3A_1336 = arith.constant 1 : i32
    %get3A_1337 = arith.index_cast %get3A_1336 : i32 to index
    %get3A_1338 = arith.constant 48 : index
    %get3A_1339 = tpu.vector_load %arg9[%get3A_1337, %get3A_1338] {strides = array<i32>} : memref<16x128xf32, #tpu.memory_space<vmem>>, vector<16xf32>,
    %add3A_1340 = arith.addf %add3A_1335, %get3A_1339 : vector<16xf32>
    %get3A_1341 = arith.constant 2 : i32
    %get3A_1342 = arith.index_cast %get3A_1341 : i32 to index
    %get3A_1343 = arith.constant 48 : index
    %get3A_1344 = tpu.vector_load %arg9[%get3A_1342, %get3A_1343] {strides = array<i32>} : memref<16x128xf32, #tpu.memory_space<vmem>>, vector<16xf32>,
    %add3A_1345 = arith.addf %add3A_1340, %get3A_1344 : vector<16xf32>
    %get3A_1346 = arith.constant 3 : i32
    %get3A_1347 = arith.index_cast %get3A_1346 : i32 to index
    %get3A_1348 = arith.constant 48 : index
    %get3A_1349 = tpu.vector_load %arg9[%get3A_1347, %get3A_1348] {strides = array<i32>} : memref<16x128xf32, #tpu.memory_space<vmem>>, vector<16xf32>,
    %add3A_1350 = arith.addf %add3A_1345, %get3A_1349 : vector<16xf32>
    %get3A_1351 = arith.constant 4 : i32
    %get3A_1352 = arith.index_cast %get3A_1351 : i32 to index
    %get3A_1353 = arith.constant 48 : index
    %get3A_1354 = tpu.vector_load %arg9[%get3A_1352, %get3A_1353] {strides = array<i32>} : memref<16x128xf32, #tpu.memory_space<vmem>>, vector<16xf32>,
    %add3A_1355 = arith.addf %add3A_1350, %get3A_1354 : vector<16xf32>
    %get3A_1356 = arith.constant 5 : i32
    %get3A_1357 = arith.index_cast %get3A_1356 : i32 to index
    %get3A_1358 = arith.constant 48 : index
    %get3A_1359 = tpu.vector_load %arg9[%get3A_1357, %get3A_1358] {strides = array<i32>} : memref<16x128xf32, #tpu.memory_space<vmem>>, vector<16xf32>,
    %add3A_1360 = arith.addf %add3A_1355, %get3A_1359 : vector<16xf32>
    %get3A_1361 = arith.constant 6 : i32
    %get3A_1362 = arith.index_cast %get3A_1361 : i32 to index
    %get3A_1363 = arith.constant 48 : index
    %get3A_1364 = tpu.vector_load %arg9[%get3A_1362, %get3A_1363] {strides = array<i32>} : memref<16x128xf32, #tpu.memory_space<vmem>>, vector<16xf32>,
    %add3A_1365 = arith.addf %add3A_1360, %get3A_1364 : vector<16xf32>
    %get3A_1366 = arith.constant 7 : i32
    %get3A_1367 = arith.index_cast %get3A_1366 : i32 to index
    %get3A_1368 = arith.constant 48 : index
    %get3A_1369 = tpu.vector_load %arg9[%get3A_1367, %get3A_1368] {strides = array<i32>} : memref<16x128xf32, #tpu.memory_space<vmem>>, vector<16xf32>,
    %add3A_1370 = arith.addf %add3A_1365, %get3A_1369 : vector<16xf32>
    %get3A_1371 = arith.constant 8 : i32
    %get3A_1372 = arith.index_cast %get3A_1371 : i32 to index
    %get3A_1373 = arith.constant 48 : index
    %get3A_1374 = tpu.vector_load %arg9[%get3A_1372, %get3A_1373] {strides = array<i32>} : memref<16x128xf32, #tpu.memory_space<vmem>>, vector<16xf32>,
    %add3A_1375 = arith.addf %add3A_1370, %get3A_1374 : vector<16xf32>
    %get3A_1376 = arith.constant 9 : i32
    %get3A_1377 = arith.index_cast %get3A_1376 : i32 to index
    %get3A_1378 = arith.constant 48 : index
    %get3A_1379 = tpu.vector_load %arg9[%get3A_1377, %get3A_1378] {strides = array<i32>} : memref<16x128xf32, #tpu.memory_space<vmem>>, vector<16xf32>,
    %add3A_1380 = arith.addf %add3A_1375, %get3A_1379 : vector<16xf32>
    %get3A_1381 = arith.constant 10 : i32
    %get3A_1382 = arith.index_cast %get3A_1381 : i32 to index
    %get3A_1383 = arith.constant 48 : index
    %get3A_1384 = tpu.vector_load %arg9[%get3A_1382, %get3A_1383] {strides = array<i32>} : memref<16x128xf32, #tpu.memory_space<vmem>>, vector<16xf32>,
    %add3A_1385 = arith.addf %add3A_1380, %get3A_1384 : vector<16xf32>
    %get3A_1386 = arith.constant 11 : i32
    %get3A_1387 = arith.index_cast %get3A_1386 : i32 to index
    %get3A_1388 = arith.constant 48 : index
    %get3A_1389 = tpu.vector_load %arg9[%get3A_1387, %get3A_1388] {strides = array<i32>} : memref<16x128xf32, #tpu.memory_space<vmem>>, vector<16xf32>,
    %add3A_1390 = arith.addf %add3A_1385, %get3A_1389 : vector<16xf32>
    %get3A_1391 = arith.constant 12 : i32
    %get3A_1392 = arith.index_cast %get3A_1391 : i32 to index
    %get3A_1393 = arith.constant 48 : index
    %get3A_1394 = tpu.vector_load %arg9[%get3A_1392, %get3A_1393] {strides = array<i32>} : memref<16x128xf32, #tpu.memory_space<vmem>>, vector<16xf32>,
    %add3A_1395 = arith.addf %add3A_1390, %get3A_1394 : vector<16xf32>
    %get3A_1396 = arith.constant 13 : i32
    %get3A_1397 = arith.index_cast %get3A_1396 : i32 to index
    %get3A_1398 = arith.constant 48 : index
    %get3A_1399 = tpu.vector_load %arg9[%get3A_1397, %get3A_1398] {strides = array<i32>} : memref<16x128xf32, #tpu.memory_space<vmem>>, vector<16xf32>,
    %add3A_1400 = arith.addf %add3A_1395, %get3A_1399 : vector<16xf32>
    %get3A_1401 = arith.constant 14 : i32
    %get3A_1402 = arith.index_cast %get3A_1401 : i32 to index
    %get3A_1403 = arith.constant 48 : index
    %get3A_1404 = tpu.vector_load %arg9[%get3A_1402, %get3A_1403] {strides = array<i32>} : memref<16x128xf32, #tpu.memory_space<vmem>>, vector<16xf32>,
    %add3A_1405 = arith.addf %add3A_1400, %get3A_1404 : vector<16xf32>
    %get3A_1406 = arith.constant 15 : i32
    %get3A_1407 = arith.index_cast %get3A_1406 : i32 to index
    %get3A_1408 = arith.constant 48 : index
    %get3A_1409 = tpu.vector_load %arg9[%get3A_1407, %get3A_1408] {strides = array<i32>} : memref<16x128xf32, #tpu.memory_space<vmem>>, vector<16xf32>,
    %add3A_1410 = arith.addf %add3A_1405, %get3A_1409 : vector<16xf32>
    %swap3A_1411 = arith.constant 48 : index
    %swap3A_1412 = tpu.vector_load %arg10[%swap3A_1411] {strides = array<i32>} : memref<128xf32, #tpu.memory_space<vmem>>, vector<16xf32>,
    tpu.vector_store %arg10[%swap3A_1411], %add3A_1410 {strides = array<i32>} : memref<128xf32, #tpu.memory_space<vmem>>, vector<16xf32>,
    %broadcast_in_dim3A_1413 = arith.constant 0.000000e+00 : f32
    %broadcast_in_dim3A_1414 = vector.broadcast %broadcast_in_dim3A_1413 : f32 to vector<16xf32>
    %get3A_1415 = arith.constant 0 : i32
    %get3A_1416 = arith.index_cast %get3A_1415 : i32 to index
    %get3A_1417 = arith.constant 64 : index
    %get3A_1418 = tpu.vector_load %arg9[%get3A_1416, %get3A_1417] {strides = array<i32>} : memref<16x128xf32, #tpu.memory_space<vmem>>, vector<16xf32>,
    %add3A_1419 = arith.addf %broadcast_in_dim3A_1414, %get3A_1418 : vector<16xf32>
    %get3A_1420 = arith.constant 1 : i32
    %get3A_1421 = arith.index_cast %get3A_1420 : i32 to index
    %get3A_1422 = arith.constant 64 : index
    %get3A_1423 = tpu.vector_load %arg9[%get3A_1421, %get3A_1422] {strides = array<i32>} : memref<16x128xf32, #tpu.memory_space<vmem>>, vector<16xf32>,
    %add3A_1424 = arith.addf %add3A_1419, %get3A_1423 : vector<16xf32>
    %get3A_1425 = arith.constant 2 : i32
    %get3A_1426 = arith.index_cast %get3A_1425 : i32 to index
    %get3A_1427 = arith.constant 64 : index
    %get3A_1428 = tpu.vector_load %arg9[%get3A_1426, %get3A_1427] {strides = array<i32>} : memref<16x128xf32, #tpu.memory_space<vmem>>, vector<16xf32>,
    %add3A_1429 = arith.addf %add3A_1424, %get3A_1428 : vector<16xf32>
    %get3A_1430 = arith.constant 3 : i32
    %get3A_1431 = arith.index_cast %get3A_1430 : i32 to index
    %get3A_1432 = arith.constant 64 : index
    %get3A_1433 = tpu.vector_load %arg9[%get3A_1431, %get3A_1432] {strides = array<i32>} : memref<16x128xf32, #tpu.memory_space<vmem>>, vector<16xf32>,
    %add3A_1434 = arith.addf %add3A_1429, %get3A_1433 : vector<16xf32>
    %get3A_1435 = arith.constant 4 : i32
    %get3A_1436 = arith.index_cast %get3A_1435 : i32 to index
    %get3A_1437 = arith.constant 64 : index
    %get3A_1438 = tpu.vector_load %arg9[%get3A_1436, %get3A_1437] {strides = array<i32>} : memref<16x128xf32, #tpu.memory_space<vmem>>, vector<16xf32>,
    %add3A_1439 = arith.addf %add3A_1434, %get3A_1438 : vector<16xf32>
    %get3A_1440 = arith.constant 5 : i32
    %get3A_1441 = arith.index_cast %get3A_1440 : i32 to index
    %get3A_1442 = arith.constant 64 : index
    %get3A_1443 = tpu.vector_load %arg9[%get3A_1441, %get3A_1442] {strides = array<i32>} : memref<16x128xf32, #tpu.memory_space<vmem>>, vector<16xf32>,
    %add3A_1444 = arith.addf %add3A_1439, %get3A_1443 : vector<16xf32>
    %get3A_1445 = arith.constant 6 : i32
    %get3A_1446 = arith.index_cast %get3A_1445 : i32 to index
    %get3A_1447 = arith.constant 64 : index
    %get3A_1448 = tpu.vector_load %arg9[%get3A_1446, %get3A_1447] {strides = array<i32>} : memref<16x128xf32, #tpu.memory_space<vmem>>, vector<16xf32>,
    %add3A_1449 = arith.addf %add3A_1444, %get3A_1448 : vector<16xf32>
    %get3A_1450 = arith.constant 7 : i32
    %get3A_1451 = arith.index_cast %get3A_1450 : i32 to index
    %get3A_1452 = arith.constant 64 : index
    %get3A_1453 = tpu.vector_load %arg9[%get3A_1451, %get3A_1452] {strides = array<i32>} : memref<16x128xf32, #tpu.memory_space<vmem>>, vector<16xf32>,
    %add3A_1454 = arith.addf %add3A_1449, %get3A_1453 : vector<16xf32>
    %get3A_1455 = arith.constant 8 : i32
    %get3A_1456 = arith.index_cast %get3A_1455 : i32 to index
    %get3A_1457 = arith.constant 64 : index
    %get3A_1458 = tpu.vector_load %arg9[%get3A_1456, %get3A_1457] {strides = array<i32>} : memref<16x128xf32, #tpu.memory_space<vmem>>, vector<16xf32>,
    %add3A_1459 = arith.addf %add3A_1454, %get3A_1458 : vector<16xf32>
    %get3A_1460 = arith.constant 9 : i32
    %get3A_1461 = arith.index_cast %get3A_1460 : i32 to index
    %get3A_1462 = arith.constant 64 : index
    %get3A_1463 = tpu.vector_load %arg9[%get3A_1461, %get3A_1462] {strides = array<i32>} : memref<16x128xf32, #tpu.memory_space<vmem>>, vector<16xf32>,
    %add3A_1464 = arith.addf %add3A_1459, %get3A_1463 : vector<16xf32>
    %get3A_1465 = arith.constant 10 : i32
    %get3A_1466 = arith.index_cast %get3A_1465 : i32 to index
    %get3A_1467 = arith.constant 64 : index
    %get3A_1468 = tpu.vector_load %arg9[%get3A_1466, %get3A_1467] {strides = array<i32>} : memref<16x128xf32, #tpu.memory_space<vmem>>, vector<16xf32>,
    %add3A_1469 = arith.addf %add3A_1464, %get3A_1468 : vector<16xf32>
    %get3A_1470 = arith.constant 11 : i32
    %get3A_1471 = arith.index_cast %get3A_1470 : i32 to index
    %get3A_1472 = arith.constant 64 : index
    %get3A_1473 = tpu.vector_load %arg9[%get3A_1471, %get3A_1472] {strides = array<i32>} : memref<16x128xf32, #tpu.memory_space<vmem>>, vector<16xf32>,
    %add3A_1474 = arith.addf %add3A_1469, %get3A_1473 : vector<16xf32>
    %get3A_1475 = arith.constant 12 : i32
    %get3A_1476 = arith.index_cast %get3A_1475 : i32 to index
    %get3A_1477 = arith.constant 64 : index
    %get3A_1478 = tpu.vector_load %arg9[%get3A_1476, %get3A_1477] {strides = array<i32>} : memref<16x128xf32, #tpu.memory_space<vmem>>, vector<16xf32>,
    %add3A_1479 = arith.addf %add3A_1474, %get3A_1478 : vector<16xf32>
    %get3A_1480 = arith.constant 13 : i32
    %get3A_1481 = arith.index_cast %get3A_1480 : i32 to index
    %get3A_1482 = arith.constant 64 : index
    %get3A_1483 = tpu.vector_load %arg9[%get3A_1481, %get3A_1482] {strides = array<i32>} : memref<16x128xf32, #tpu.memory_space<vmem>>, vector<16xf32>,
    %add3A_1484 = arith.addf %add3A_1479, %get3A_1483 : vector<16xf32>
    %get3A_1485 = arith.constant 14 : i32
    %get3A_1486 = arith.index_cast %get3A_1485 : i32 to index
    %get3A_1487 = arith.constant 64 : index
    %get3A_1488 = tpu.vector_load %arg9[%get3A_1486, %get3A_1487] {strides = array<i32>} : memref<16x128xf32, #tpu.memory_space<vmem>>, vector<16xf32>,
    %add3A_1489 = arith.addf %add3A_1484, %get3A_1488 : vector<16xf32>
    %get3A_1490 = arith.constant 15 : i32
    %get3A_1491 = arith.index_cast %get3A_1490 : i32 to index
    %get3A_1492 = arith.constant 64 : index
    %get3A_1493 = tpu.vector_load %arg9[%get3A_1491, %get3A_1492] {strides = array<i32>} : memref<16x128xf32, #tpu.memory_space<vmem>>, vector<16xf32>,
    %add3A_1494 = arith.addf %add3A_1489, %get3A_1493 : vector<16xf32>
    %swap3A_1495 = arith.constant 64 : index
    %swap3A_1496 = tpu.vector_load %arg10[%swap3A_1495] {strides = array<i32>} : memref<128xf32, #tpu.memory_space<vmem>>, vector<16xf32>,
    tpu.vector_store %arg10[%swap3A_1495], %add3A_1494 {strides = array<i32>} : memref<128xf32, #tpu.memory_space<vmem>>, vector<16xf32>,
    %broadcast_in_dim3A_1497 = arith.constant 0.000000e+00 : f32
    %broadcast_in_dim3A_1498 = vector.broadcast %broadcast_in_dim3A_1497 : f32 to vector<16xf32>
    %get3A_1499 = arith.constant 0 : i32
    %get3A_1500 = arith.index_cast %get3A_1499 : i32 to index
    %get3A_1501 = arith.constant 80 : index
    %get3A_1502 = tpu.vector_load %arg9[%get3A_1500, %get3A_1501] {strides = array<i32>} : memref<16x128xf32, #tpu.memory_space<vmem>>, vector<16xf32>,
    %add3A_1503 = arith.addf %broadcast_in_dim3A_1498, %get3A_1502 : vector<16xf32>
    %get3A_1504 = arith.constant 1 : i32
    %get3A_1505 = arith.index_cast %get3A_1504 : i32 to index
    %get3A_1506 = arith.constant 80 : index
    %get3A_1507 = tpu.vector_load %arg9[%get3A_1505, %get3A_1506] {strides = array<i32>} : memref<16x128xf32, #tpu.memory_space<vmem>>, vector<16xf32>,
    %add3A_1508 = arith.addf %add3A_1503, %get3A_1507 : vector<16xf32>
    %get3A_1509 = arith.constant 2 : i32
    %get3A_1510 = arith.index_cast %get3A_1509 : i32 to index
    %get3A_1511 = arith.constant 80 : index
    %get3A_1512 = tpu.vector_load %arg9[%get3A_1510, %get3A_1511] {strides = array<i32>} : memref<16x128xf32, #tpu.memory_space<vmem>>, vector<16xf32>,
    %add3A_1513 = arith.addf %add3A_1508, %get3A_1512 : vector<16xf32>
    %get3A_1514 = arith.constant 3 : i32
    %get3A_1515 = arith.index_cast %get3A_1514 : i32 to index
    %get3A_1516 = arith.constant 80 : index
    %get3A_1517 = tpu.vector_load %arg9[%get3A_1515, %get3A_1516] {strides = array<i32>} : memref<16x128xf32, #tpu.memory_space<vmem>>, vector<16xf32>,
    %add3A_1518 = arith.addf %add3A_1513, %get3A_1517 : vector<16xf32>
    %get3A_1519 = arith.constant 4 : i32
    %get3A_1520 = arith.index_cast %get3A_1519 : i32 to index
    %get3A_1521 = arith.constant 80 : index
    %get3A_1522 = tpu.vector_load %arg9[%get3A_1520, %get3A_1521] {strides = array<i32>} : memref<16x128xf32, #tpu.memory_space<vmem>>, vector<16xf32>,
    %add3A_1523 = arith.addf %add3A_1518, %get3A_1522 : vector<16xf32>
    %get3A_1524 = arith.constant 5 : i32
    %get3A_1525 = arith.index_cast %get3A_1524 : i32 to index
    %get3A_1526 = arith.constant 80 : index
    %get3A_1527 = tpu.vector_load %arg9[%get3A_1525, %get3A_1526] {strides = array<i32>} : memref<16x128xf32, #tpu.memory_space<vmem>>, vector<16xf32>,
    %add3A_1528 = arith.addf %add3A_1523, %get3A_1527 : vector<16xf32>
    %get3A_1529 = arith.constant 6 : i32
    %get3A_1530 = arith.index_cast %get3A_1529 : i32 to index
    %get3A_1531 = arith.constant 80 : index
    %get3A_1532 = tpu.vector_load %arg9[%get3A_1530, %get3A_1531] {strides = array<i32>} : memref<16x128xf32, #tpu.memory_space<vmem>>, vector<16xf32>,
    %add3A_1533 = arith.addf %add3A_1528, %get3A_1532 : vector<16xf32>
    %get3A_1534 = arith.constant 7 : i32
    %get3A_1535 = arith.index_cast %get3A_1534 : i32 to index
    %get3A_1536 = arith.constant 80 : index
    %get3A_1537 = tpu.vector_load %arg9[%get3A_1535, %get3A_1536] {strides = array<i32>} : memref<16x128xf32, #tpu.memory_space<vmem>>, vector<16xf32>,
    %add3A_1538 = arith.addf %add3A_1533, %get3A_1537 : vector<16xf32>
    %get3A_1539 = arith.constant 8 : i32
    %get3A_1540 = arith.index_cast %get3A_1539 : i32 to index
    %get3A_1541 = arith.constant 80 : index
    %get3A_1542 = tpu.vector_load %arg9[%get3A_1540, %get3A_1541] {strides = array<i32>} : memref<16x128xf32, #tpu.memory_space<vmem>>, vector<16xf32>,
    %add3A_1543 = arith.addf %add3A_1538, %get3A_1542 : vector<16xf32>
    %get3A_1544 = arith.constant 9 : i32
    %get3A_1545 = arith.index_cast %get3A_1544 : i32 to index
    %get3A_1546 = arith.constant 80 : index
    %get3A_1547 = tpu.vector_load %arg9[%get3A_1545, %get3A_1546] {strides = array<i32>} : memref<16x128xf32, #tpu.memory_space<vmem>>, vector<16xf32>,
    %add3A_1548 = arith.addf %add3A_1543, %get3A_1547 : vector<16xf32>
    %get3A_1549 = arith.constant 10 : i32
    %get3A_1550 = arith.index_cast %get3A_1549 : i32 to index
    %get3A_1551 = arith.constant 80 : index
    %get3A_1552 = tpu.vector_load %arg9[%get3A_1550, %get3A_1551] {strides = array<i32>} : memref<16x128xf32, #tpu.memory_space<vmem>>, vector<16xf32>,
    %add3A_1553 = arith.addf %add3A_1548, %get3A_1552 : vector<16xf32>
    %get3A_1554 = arith.constant 11 : i32
    %get3A_1555 = arith.index_cast %get3A_1554 : i32 to index
    %get3A_1556 = arith.constant 80 : index
    %get3A_1557 = tpu.vector_load %arg9[%get3A_1555, %get3A_1556] {strides = array<i32>} : memref<16x128xf32, #tpu.memory_space<vmem>>, vector<16xf32>,
    %add3A_1558 = arith.addf %add3A_1553, %get3A_1557 : vector<16xf32>
    %get3A_1559 = arith.constant 12 : i32
    %get3A_1560 = arith.index_cast %get3A_1559 : i32 to index
    %get3A_1561 = arith.constant 80 : index
    %get3A_1562 = tpu.vector_load %arg9[%get3A_1560, %get3A_1561] {strides = array<i32>} : memref<16x128xf32, #tpu.memory_space<vmem>>, vector<16xf32>,
    %add3A_1563 = arith.addf %add3A_1558, %get3A_1562 : vector<16xf32>
    %get3A_1564 = arith.constant 13 : i32
    %get3A_1565 = arith.index_cast %get3A_1564 : i32 to index
    %get3A_1566 = arith.constant 80 : index
    %get3A_1567 = tpu.vector_load %arg9[%get3A_1565, %get3A_1566] {strides = array<i32>} : memref<16x128xf32, #tpu.memory_space<vmem>>, vector<16xf32>,
    %add3A_1568 = arith.addf %add3A_1563, %get3A_1567 : vector<16xf32>
    %get3A_1569 = arith.constant 14 : i32
    %get3A_1570 = arith.index_cast %get3A_1569 : i32 to index
    %get3A_1571 = arith.constant 80 : index
    %get3A_1572 = tpu.vector_load %arg9[%get3A_1570, %get3A_1571] {strides = array<i32>} : memref<16x128xf32, #tpu.memory_space<vmem>>, vector<16xf32>,
    %add3A_1573 = arith.addf %add3A_1568, %get3A_1572 : vector<16xf32>
    %get3A_1574 = arith.constant 15 : i32
    %get3A_1575 = arith.index_cast %get3A_1574 : i32 to index
    %get3A_1576 = arith.constant 80 : index
    %get3A_1577 = tpu.vector_load %arg9[%get3A_1575, %get3A_1576] {strides = array<i32>} : memref<16x128xf32, #tpu.memory_space<vmem>>, vector<16xf32>,
    %add3A_1578 = arith.addf %add3A_1573, %get3A_1577 : vector<16xf32>
    %swap3A_1579 = arith.constant 80 : index
    %swap3A_1580 = tpu.vector_load %arg10[%swap3A_1579] {strides = array<i32>} : memref<128xf32, #tpu.memory_space<vmem>>, vector<16xf32>,
    tpu.vector_store %arg10[%swap3A_1579], %add3A_1578 {strides = array<i32>} : memref<128xf32, #tpu.memory_space<vmem>>, vector<16xf32>,
    %broadcast_in_dim3A_1581 = arith.constant 0.000000e+00 : f32
    %broadcast_in_dim3A_1582 = vector.broadcast %broadcast_in_dim3A_1581 : f32 to vector<16xf32>
    %get3A_1583 = arith.constant 0 : i32
    %get3A_1584 = arith.index_cast %get3A_1583 : i32 to index
    %get3A_1585 = arith.constant 96 : index
    %get3A_1586 = tpu.vector_load %arg9[%get3A_1584, %get3A_1585] {strides = array<i32>} : memref<16x128xf32, #tpu.memory_space<vmem>>, vector<16xf32>,
    %add3A_1587 = arith.addf %broadcast_in_dim3A_1582, %get3A_1586 : vector<16xf32>
    %get3A_1588 = arith.constant 1 : i32
    %get3A_1589 = arith.index_cast %get3A_1588 : i32 to index
    %get3A_1590 = arith.constant 96 : index
    %get3A_1591 = tpu.vector_load %arg9[%get3A_1589, %get3A_1590] {strides = array<i32>} : memref<16x128xf32, #tpu.memory_space<vmem>>, vector<16xf32>,
    %add3A_1592 = arith.addf %add3A_1587, %get3A_1591 : vector<16xf32>
    %get3A_1593 = arith.constant 2 : i32
    %get3A_1594 = arith.index_cast %get3A_1593 : i32 to index
    %get3A_1595 = arith.constant 96 : index
    %get3A_1596 = tpu.vector_load %arg9[%get3A_1594, %get3A_1595] {strides = array<i32>} : memref<16x128xf32, #tpu.memory_space<vmem>>, vector<16xf32>,
    %add3A_1597 = arith.addf %add3A_1592, %get3A_1596 : vector<16xf32>
    %get3A_1598 = arith.constant 3 : i32
    %get3A_1599 = arith.index_cast %get3A_1598 : i32 to index
    %get3A_1600 = arith.constant 96 : index
    %get3A_1601 = tpu.vector_load %arg9[%get3A_1599, %get3A_1600] {strides = array<i32>} : memref<16x128xf32, #tpu.memory_space<vmem>>, vector<16xf32>,
    %add3A_1602 = arith.addf %add3A_1597, %get3A_1601 : vector<16xf32>
    %get3A_1603 = arith.constant 4 : i32
    %get3A_1604 = arith.index_cast %get3A_1603 : i32 to index
    %get3A_1605 = arith.constant 96 : index
    %get3A_1606 = tpu.vector_load %arg9[%get3A_1604, %get3A_1605] {strides = array<i32>} : memref<16x128xf32, #tpu.memory_space<vmem>>, vector<16xf32>,
    %add3A_1607 = arith.addf %add3A_1602, %get3A_1606 : vector<16xf32>
    %get3A_1608 = arith.constant 5 : i32
    %get3A_1609 = arith.index_cast %get3A_1608 : i32 to index
    %get3A_1610 = arith.constant 96 : index
    %get3A_1611 = tpu.vector_load %arg9[%get3A_1609, %get3A_1610] {strides = array<i32>} : memref<16x128xf32, #tpu.memory_space<vmem>>, vector<16xf32>,
    %add3A_1612 = arith.addf %add3A_1607, %get3A_1611 : vector<16xf32>
    %get3A_1613 = arith.constant 6 : i32
    %get3A_1614 = arith.index_cast %get3A_1613 : i32 to index
    %get3A_1615 = arith.constant 96 : index
    %get3A_1616 = tpu.vector_load %arg9[%get3A_1614, %get3A_1615] {strides = array<i32>} : memref<16x128xf32, #tpu.memory_space<vmem>>, vector<16xf32>,
    %add3A_1617 = arith.addf %add3A_1612, %get3A_1616 : vector<16xf32>
    %get3A_1618 = arith.constant 7 : i32
    %get3A_1619 = arith.index_cast %get3A_1618 : i32 to index
    %get3A_1620 = arith.constant 96 : index
    %get3A_1621 = tpu.vector_load %arg9[%get3A_1619, %get3A_1620] {strides = array<i32>} : memref<16x128xf32, #tpu.memory_space<vmem>>, vector<16xf32>,
    %add3A_1622 = arith.addf %add3A_1617, %get3A_1621 : vector<16xf32>
    %get3A_1623 = arith.constant 8 : i32
    %get3A_1624 = arith.index_cast %get3A_1623 : i32 to index
    %get3A_1625 = arith.constant 96 : index
    %get3A_1626 = tpu.vector_load %arg9[%get3A_1624, %get3A_1625] {strides = array<i32>} : memref<16x128xf32, #tpu.memory_space<vmem>>, vector<16xf32>,
    %add3A_1627 = arith.addf %add3A_1622, %get3A_1626 : vector<16xf32>
    %get3A_1628 = arith.constant 9 : i32
    %get3A_1629 = arith.index_cast %get3A_1628 : i32 to index
    %get3A_1630 = arith.constant 96 : index
    %get3A_1631 = tpu.vector_load %arg9[%get3A_1629, %get3A_1630] {strides = array<i32>} : memref<16x128xf32, #tpu.memory_space<vmem>>, vector<16xf32>,
    %add3A_1632 = arith.addf %add3A_1627, %get3A_1631 : vector<16xf32>
    %get3A_1633 = arith.constant 10 : i32
    %get3A_1634 = arith.index_cast %get3A_1633 : i32 to index
    %get3A_1635 = arith.constant 96 : index
    %get3A_1636 = tpu.vector_load %arg9[%get3A_1634, %get3A_1635] {strides = array<i32>} : memref<16x128xf32, #tpu.memory_space<vmem>>, vector<16xf32>,
    %add3A_1637 = arith.addf %add3A_1632, %get3A_1636 : vector<16xf32>
    %get3A_1638 = arith.constant 11 : i32
    %get3A_1639 = arith.index_cast %get3A_1638 : i32 to index
    %get3A_1640 = arith.constant 96 : index
    %get3A_1641 = tpu.vector_load %arg9[%get3A_1639, %get3A_1640] {strides = array<i32>} : memref<16x128xf32, #tpu.memory_space<vmem>>, vector<16xf32>,
    %add3A_1642 = arith.addf %add3A_1637, %get3A_1641 : vector<16xf32>
    %get3A_1643 = arith.constant 12 : i32
    %get3A_1644 = arith.index_cast %get3A_1643 : i32 to index
    %get3A_1645 = arith.constant 96 : index
    %get3A_1646 = tpu.vector_load %arg9[%get3A_1644, %get3A_1645] {strides = array<i32>} : memref<16x128xf32, #tpu.memory_space<vmem>>, vector<16xf32>,
    %add3A_1647 = arith.addf %add3A_1642, %get3A_1646 : vector<16xf32>
    %get3A_1648 = arith.constant 13 : i32
    %get3A_1649 = arith.index_cast %get3A_1648 : i32 to index
    %get3A_1650 = arith.constant 96 : index
    %get3A_1651 = tpu.vector_load %arg9[%get3A_1649, %get3A_1650] {strides = array<i32>} : memref<16x128xf32, #tpu.memory_space<vmem>>, vector<16xf32>,
    %add3A_1652 = arith.addf %add3A_1647, %get3A_1651 : vector<16xf32>
    %get3A_1653 = arith.constant 14 : i32
    %get3A_1654 = arith.index_cast %get3A_1653 : i32 to index
    %get3A_1655 = arith.constant 96 : index
    %get3A_1656 = tpu.vector_load %arg9[%get3A_1654, %get3A_1655] {strides = array<i32>} : memref<16x128xf32, #tpu.memory_space<vmem>>, vector<16xf32>,
    %add3A_1657 = arith.addf %add3A_1652, %get3A_1656 : vector<16xf32>
    %get3A_1658 = arith.constant 15 : i32
    %get3A_1659 = arith.index_cast %get3A_1658 : i32 to index
    %get3A_1660 = arith.constant 96 : index
    %get3A_1661 = tpu.vector_load %arg9[%get3A_1659, %get3A_1660] {strides = array<i32>} : memref<16x128xf32, #tpu.memory_space<vmem>>, vector<16xf32>,
    %add3A_1662 = arith.addf %add3A_1657, %get3A_1661 : vector<16xf32>
    %swap3A_1663 = arith.constant 96 : index
    %swap3A_1664 = tpu.vector_load %arg10[%swap3A_1663] {strides = array<i32>} : memref<128xf32, #tpu.memory_space<vmem>>, vector<16xf32>,
    tpu.vector_store %arg10[%swap3A_1663], %add3A_1662 {strides = array<i32>} : memref<128xf32, #tpu.memory_space<vmem>>, vector<16xf32>,
    %broadcast_in_dim3A_1665 = arith.constant 0.000000e+00 : f32
    %broadcast_in_dim3A_1666 = vector.broadcast %broadcast_in_dim3A_1665 : f32 to vector<16xf32>
    %get3A_1667 = arith.constant 0 : i32
    %get3A_1668 = arith.index_cast %get3A_1667 : i32 to index
    %get3A_1669 = arith.constant 112 : index
    %get3A_1670 = tpu.vector_load %arg9[%get3A_1668, %get3A_1669] {strides = array<i32>} : memref<16x128xf32, #tpu.memory_space<vmem>>, vector<16xf32>,
    %add3A_1671 = arith.addf %broadcast_in_dim3A_1666, %get3A_1670 : vector<16xf32>
    %get3A_1672 = arith.constant 1 : i32
    %get3A_1673 = arith.index_cast %get3A_1672 : i32 to index
    %get3A_1674 = arith.constant 112 : index
    %get3A_1675 = tpu.vector_load %arg9[%get3A_1673, %get3A_1674] {strides = array<i32>} : memref<16x128xf32, #tpu.memory_space<vmem>>, vector<16xf32>,
    %add3A_1676 = arith.addf %add3A_1671, %get3A_1675 : vector<16xf32>
    %get3A_1677 = arith.constant 2 : i32
    %get3A_1678 = arith.index_cast %get3A_1677 : i32 to index
    %get3A_1679 = arith.constant 112 : index
    %get3A_1680 = tpu.vector_load %arg9[%get3A_1678, %get3A_1679] {strides = array<i32>} : memref<16x128xf32, #tpu.memory_space<vmem>>, vector<16xf32>,
    %add3A_1681 = arith.addf %add3A_1676, %get3A_1680 : vector<16xf32>
    %get3A_1682 = arith.constant 3 : i32
    %get3A_1683 = arith.index_cast %get3A_1682 : i32 to index
    %get3A_1684 = arith.constant 112 : index
    %get3A_1685 = tpu.vector_load %arg9[%get3A_1683, %get3A_1684] {strides = array<i32>} : memref<16x128xf32, #tpu.memory_space<vmem>>, vector<16xf32>,
    %add3A_1686 = arith.addf %add3A_1681, %get3A_1685 : vector<16xf32>
    %get3A_1687 = arith.constant 4 : i32
    %get3A_1688 = arith.index_cast %get3A_1687 : i32 to index
    %get3A_1689 = arith.constant 112 : index
    %get3A_1690 = tpu.vector_load %arg9[%get3A_1688, %get3A_1689] {strides = array<i32>} : memref<16x128xf32, #tpu.memory_space<vmem>>, vector<16xf32>,
    %add3A_1691 = arith.addf %add3A_1686, %get3A_1690 : vector<16xf32>
    %get3A_1692 = arith.constant 5 : i32
    %get3A_1693 = arith.index_cast %get3A_1692 : i32 to index
    %get3A_1694 = arith.constant 112 : index
    %get3A_1695 = tpu.vector_load %arg9[%get3A_1693, %get3A_1694] {strides = array<i32>} : memref<16x128xf32, #tpu.memory_space<vmem>>, vector<16xf32>,
    %add3A_1696 = arith.addf %add3A_1691, %get3A_1695 : vector<16xf32>
    %get3A_1697 = arith.constant 6 : i32
    %get3A_1698 = arith.index_cast %get3A_1697 : i32 to index
    %get3A_1699 = arith.constant 112 : index
    %get3A_1700 = tpu.vector_load %arg9[%get3A_1698, %get3A_1699] {strides = array<i32>} : memref<16x128xf32, #tpu.memory_space<vmem>>, vector<16xf32>,
    %add3A_1701 = arith.addf %add3A_1696, %get3A_1700 : vector<16xf32>
    %get3A_1702 = arith.constant 7 : i32
    %get3A_1703 = arith.index_cast %get3A_1702 : i32 to index
    %get3A_1704 = arith.constant 112 : index
    %get3A_1705 = tpu.vector_load %arg9[%get3A_1703, %get3A_1704] {strides = array<i32>} : memref<16x128xf32, #tpu.memory_space<vmem>>, vector<16xf32>,
    %add3A_1706 = arith.addf %add3A_1701, %get3A_1705 : vector<16xf32>
    %get3A_1707 = arith.constant 8 : i32
    %get3A_1708 = arith.index_cast %get3A_1707 : i32 to index
    %get3A_1709 = arith.constant 112 : index
    %get3A_1710 = tpu.vector_load %arg9[%get3A_1708, %get3A_1709] {strides = array<i32>} : memref<16x128xf32, #tpu.memory_space<vmem>>, vector<16xf32>,
    %add3A_1711 = arith.addf %add3A_1706, %get3A_1710 : vector<16xf32>
    %get3A_1712 = arith.constant 9 : i32
    %get3A_1713 = arith.index_cast %get3A_1712 : i32 to index
    %get3A_1714 = arith.constant 112 : index
    %get3A_1715 = tpu.vector_load %arg9[%get3A_1713, %get3A_1714] {strides = array<i32>} : memref<16x128xf32, #tpu.memory_space<vmem>>, vector<16xf32>,
    %add3A_1716 = arith.addf %add3A_1711, %get3A_1715 : vector<16xf32>
    %get3A_1717 = arith.constant 10 : i32
    %get3A_1718 = arith.index_cast %get3A_1717 : i32 to index
    %get3A_1719 = arith.constant 112 : index
    %get3A_1720 = tpu.vector_load %arg9[%get3A_1718, %get3A_1719] {strides = array<i32>} : memref<16x128xf32, #tpu.memory_space<vmem>>, vector<16xf32>,
    %add3A_1721 = arith.addf %add3A_1716, %get3A_1720 : vector<16xf32>
    %get3A_1722 = arith.constant 11 : i32
    %get3A_1723 = arith.index_cast %get3A_1722 : i32 to index
    %get3A_1724 = arith.constant 112 : index
    %get3A_1725 = tpu.vector_load %arg9[%get3A_1723, %get3A_1724] {strides = array<i32>} : memref<16x128xf32, #tpu.memory_space<vmem>>, vector<16xf32>,
    %add3A_1726 = arith.addf %add3A_1721, %get3A_1725 : vector<16xf32>
    %get3A_1727 = arith.constant 12 : i32
    %get3A_1728 = arith.index_cast %get3A_1727 : i32 to index
    %get3A_1729 = arith.constant 112 : index
    %get3A_1730 = tpu.vector_load %arg9[%get3A_1728, %get3A_1729] {strides = array<i32>} : memref<16x128xf32, #tpu.memory_space<vmem>>, vector<16xf32>,
    %add3A_1731 = arith.addf %add3A_1726, %get3A_1730 : vector<16xf32>
    %get3A_1732 = arith.constant 13 : i32
    %get3A_1733 = arith.index_cast %get3A_1732 : i32 to index
    %get3A_1734 = arith.constant 112 : index
    %get3A_1735 = tpu.vector_load %arg9[%get3A_1733, %get3A_1734] {strides = array<i32>} : memref<16x128xf32, #tpu.memory_space<vmem>>, vector<16xf32>,
    %add3A_1736 = arith.addf %add3A_1731, %get3A_1735 : vector<16xf32>
    %get3A_1737 = arith.constant 14 : i32
    %get3A_1738 = arith.index_cast %get3A_1737 : i32 to index
    %get3A_1739 = arith.constant 112 : index
    %get3A_1740 = tpu.vector_load %arg9[%get3A_1738, %get3A_1739] {strides = array<i32>} : memref<16x128xf32, #tpu.memory_space<vmem>>, vector<16xf32>,
    %add3A_1741 = arith.addf %add3A_1736, %get3A_1740 : vector<16xf32>
    %get3A_1742 = arith.constant 15 : i32
    %get3A_1743 = arith.index_cast %get3A_1742 : i32 to index
    %get3A_1744 = arith.constant 112 : index
    %get3A_1745 = tpu.vector_load %arg9[%get3A_1743, %get3A_1744] {strides = array<i32>} : memref<16x128xf32, #tpu.memory_space<vmem>>, vector<16xf32>,
    %add3A_1746 = arith.addf %add3A_1741, %get3A_1745 : vector<16xf32>
    %swap3A_1747 = arith.constant 112 : index
    %swap3A_1748 = tpu.vector_load %arg10[%swap3A_1747] {strides = array<i32>} : memref<128xf32, #tpu.memory_space<vmem>>, vector<16xf32>,
    tpu.vector_store %arg10[%swap3A_1747], %add3A_1746 {strides = array<i32>} : memref<128xf32, #tpu.memory_space<vmem>>, vector<16xf32>,
    "tpu.region"() ({
      %run_scoped3A = tpu.sem_alloc : memref<!tpu.dma_semaphore, #tpu.memory_space<semaphore_mem>>
      %dma_start3A_1749 = arith.constant 0 : i32
      %dma_start3A_1750 = tpu.memref_slice %arg5[%arg1, %dma_start3A_1749] : memref<16x128xf32, #tpu.memory_space<hbm>> -> memref<1x128xf32, #tpu.memory_space<hbm>>
      %dma_start3A_1751 = tpu.memref_squeeze %dma_start3A_1750 : memref<1x128xf32, #tpu.memory_space<hbm>> -> memref<128xf32, #tpu.memory_space<hbm>>
      %dma_start3A_1752 = arith.constant 0 : i32
      %dma_start3A_1753 = tpu.memref_slice %arg5[%arg1, %dma_start3A_1752] : memref<16x128xf32, #tpu.memory_space<hbm>> -> memref<1x128xf32, #tpu.memory_space<hbm>>
      %dma_start3A_1754 = tpu.memref_squeeze %dma_start3A_1753 : memref<1x128xf32, #tpu.memory_space<hbm>> -> memref<128xf32, #tpu.memory_space<hbm>>
      tpu.enqueue_dma source(%arg10 : memref<128xf32, #tpu.memory_space<vmem>>) target(%dma_start3A_1754 : memref<128xf32, #tpu.memory_space<hbm>>) target_semaphore(%run_scoped3A : memref<!tpu.dma_semaphore, #tpu.memory_space<semaphore_mem>>)
      %dma_wait3A_1755 = arith.constant 0 : i32
      %dma_wait3A_1756 = tpu.memref_slice %arg5[%arg1, %dma_wait3A_1755] : memref<16x128xf32, #tpu.memory_space<hbm>> -> memref<1x128xf32, #tpu.memory_space<hbm>>
      %dma_wait3A_1757 = tpu.memref_squeeze %dma_wait3A_1756 : memref<1x128xf32, #tpu.memory_space<hbm>> -> memref<128xf32, #tpu.memory_space<hbm>>
      %dma_wait3A_1758 = arith.constant 0 : i32
      %dma_wait3A_1759 = tpu.memref_slice %arg5[%arg1, %dma_wait3A_1758] : memref<16x128xf32, #tpu.memory_space<hbm>> -> memref<1x128xf32, #tpu.memory_space<hbm>>
      %dma_wait3A_1760 = tpu.memref_squeeze %dma_wait3A_1759 : memref<1x128xf32, #tpu.memory_space<hbm>> -> memref<128xf32, #tpu.memory_space<hbm>>
      tpu.wait_dma2 semaphore(%run_scoped3A : memref<!tpu.dma_semaphore, #tpu.memory_space<semaphore_mem>>) src(%arg10 : memref<128xf32, #tpu.memory_space<vmem>>) dst(%dma_wait3A_1760 : memref<128xf32, #tpu.memory_space<hbm>>)
      tpu.yield
    }) : () -> ()
    return
  }
}

module attributes {stable_mosaic.version = 14 : i64} {
  func.func @_head_body(%arg0: memref<128xf32, #tpu.memory_space<vmem>>, %arg1: memref<128x256xf32, #tpu.memory_space<vmem>>, %arg2: memref<256xf32, #tpu.memory_space<vmem>>, %arg3: memref<256x119xf32, #tpu.memory_space<vmem>>, %arg4: memref<119xf32, #tpu.memory_space<vmem>>, %arg5: memref<16x128xf32, #tpu.memory_space<vmem>>, %arg6: memref<8x128xf32, #tpu.memory_space<vmem>>) attributes {dimension_semantics = [], scalar_prefetch = 0 : i64, scratch_operands = 0 : i64, tpu.core_type = #tpu.core_type<tc>} {
    %get3A = arith.constant 0 : index
    %get3A_0 = vector.load %arg0[%get3A] : memref<128xf32, #tpu.memory_space<vmem>>, vector<128xf32>
    %reshape3A = vector.shape_cast %get3A_0 : vector<128xf32> to vector<1x128xf32>
    %max3A = arith.constant 0.000000e+00 : f32
    %max3A_1 = vector.broadcast %max3A : f32 to vector<1x128xf32>
    %max3A_2 = arith.maximumf %reshape3A, %max3A_1 : vector<1x128xf32>
    %get3A_3 = arith.constant 0 : index
    %get3A_4 = arith.constant 0 : index
    %get3A_5 = vector.load %arg1[%get3A_3, %get3A_4] : memref<128x256xf32, #tpu.memory_space<vmem>>, vector<128x256xf32>
    %dot_general3A = arith.constant dense<0.000000e+00> : vector<1x256xf32>
    %dot_general3A_6 = tpu.matmul %max3A_2, %get3A_5, %dot_general3A {dimension_numbers = #tpu.dot_dimension_numbers<[1], [0], [0], [1], [0, 0, 1, 1], [], []>, transpose_lhs_hint = false} : vector<1x128xf32>, vector<128x256xf32>, vector<1x256xf32> -> vector<1x256xf32>
    %get3A_7 = arith.constant 0 : index
    %get3A_8 = vector.load %arg2[%get3A_7] : memref<256xf32, #tpu.memory_space<vmem>>, vector<256xf32>
    %reshape3A_9 = vector.shape_cast %get3A_8 : vector<256xf32> to vector<1x256xf32>
    %add3A = arith.addf %dot_general3A_6, %reshape3A_9 : vector<1x256xf32>
    %max3A_10 = arith.constant 0.000000e+00 : f32
    %max3A_11 = vector.broadcast %max3A_10 : f32 to vector<1x256xf32>
    %max3A_12 = arith.maximumf %add3A, %max3A_11 : vector<1x256xf32>
    %get3A_13 = arith.constant 0 : index
    %get3A_14 = arith.constant 0 : index
    %get3A_15 = vector.load %arg3[%get3A_13, %get3A_14] : memref<256x119xf32, #tpu.memory_space<vmem>>, vector<256x119xf32>
    %dot_general3A_16 = arith.constant dense<0.000000e+00> : vector<1x119xf32>
    %dot_general3A_17 = tpu.matmul %max3A_12, %get3A_15, %dot_general3A_16 {dimension_numbers = #tpu.dot_dimension_numbers<[1], [0], [0], [1], [0, 0, 1, 1], [], []>, transpose_lhs_hint = false} : vector<1x256xf32>, vector<256x119xf32>, vector<1x119xf32> -> vector<1x119xf32>
    %get3A_18 = arith.constant 0 : index
    %get3A_19 = vector.load %arg4[%get3A_18] : memref<119xf32, #tpu.memory_space<vmem>>, vector<119xf32>
    %reshape3A_20 = vector.shape_cast %get3A_19 : vector<119xf32> to vector<1x119xf32>
    %add3A_21 = arith.addf %dot_general3A_17, %reshape3A_20 : vector<1x119xf32>
    %reduce_max3A = vector.shape_cast %add3A_21 : vector<1x119xf32> to vector<1x1x119xf32>
    %reduce_max3A_22 = arith.constant dense<0xFF800000> : vector<1xf32>
    %reduce_max3A_23 = vector.multi_reduction <maximumf>, %reduce_max3A, %reduce_max3A_22 [1, 2] : vector<1x1x119xf32> to vector<1xf32>
    %reduce_max3A_24 = vector.shape_cast %reduce_max3A_23 : vector<1xf32> to vector<1x1x1xf32>
    %reduce_max3A_25 = vector.extract %reduce_max3A_24[0, 0, 0] : f32 from vector<1x1x1xf32>
    %sub3A = vector.broadcast %reduce_max3A_25 : f32 to vector<1x119xf32>
    %sub3A_26 = arith.subf %add3A_21, %sub3A : vector<1x119xf32>
    %exp3A = math.exp %sub3A_26 : vector<1x119xf32>
    %reduce_sum3A = vector.shape_cast %exp3A : vector<1x119xf32> to vector<1x1x119xf32>
    %reduce_sum3A_27 = arith.constant dense<0.000000e+00> : vector<1xf32>
    %reduce_sum3A_28 = vector.multi_reduction <add>, %reduce_sum3A, %reduce_sum3A_27 [1, 2] : vector<1x1x119xf32> to vector<1xf32>
    %reduce_sum3A_29 = vector.shape_cast %reduce_sum3A_28 : vector<1xf32> to vector<1x1x1xf32>
    %reduce_sum3A_30 = vector.extract %reduce_sum3A_29[0, 0, 0] : f32 from vector<1x1x1xf32>
    %log3A = math.log %reduce_sum3A_30 : f32
    %add3A_31 = arith.addf %reduce_max3A_25, %log3A : f32
    %broadcast_in_dim3A = arith.constant 0.000000e+00 : f32
    %broadcast_in_dim3A_32 = vector.broadcast %broadcast_in_dim3A : f32 to vector<1x9xf32>
    %concatenate3A = tpu.concatenate %add3A_21, %broadcast_in_dim3A_32 in 1 : vector<1x119xf32>, vector<1x9xf32> -> vector<1x128xf32>
    %get3A_33 = arith.constant 0 : index
    %get3A_34 = arith.constant 0 : index
    %get3A_35 = vector.load %arg5[%get3A_33, %get3A_34] : memref<16x128xf32, #tpu.memory_space<vmem>>, vector<16x128xf32>
    %reduce_sum3A_36 = arith.constant dense<0.000000e+00> : vector<128xf32>
    %reduce_sum3A_37 = vector.multi_reduction <add>, %get3A_35, %reduce_sum3A_36 [0] : vector<16x128xf32> to vector<128xf32>
    %broadcast_in_dim3A_38 = vector.shape_cast %reduce_sum3A_37 : vector<128xf32> to vector<1x128xf32>
    %mul3A = arith.mulf %broadcast_in_dim3A_38, %concatenate3A : vector<1x128xf32>
    %reduce_sum3A_39 = vector.shape_cast %mul3A : vector<1x128xf32> to vector<1x1x128xf32>
    %reduce_sum3A_40 = arith.constant dense<0.000000e+00> : vector<1xf32>
    %reduce_sum3A_41 = vector.multi_reduction <add>, %reduce_sum3A_39, %reduce_sum3A_40 [1, 2] : vector<1x1x128xf32> to vector<1xf32>
    %reduce_sum3A_42 = vector.shape_cast %reduce_sum3A_41 : vector<1xf32> to vector<1x1x1xf32>
    %reduce_sum3A_43 = vector.extract %reduce_sum3A_42[0, 0, 0] : f32 from vector<1x1x1xf32>
    %mul3A_44 = arith.constant 2.03583055E-4 : f32
    %mul3A_45 = arith.mulf %reduce_sum3A_43, %mul3A_44 : f32
    %sub3A_46 = arith.subf %add3A_31, %mul3A_45 : f32
    %broadcast_in_dim3A_47 = vector.broadcast %sub3A_46 : f32 to vector<8x128xf32>
    %swap3A = arith.constant 0 : index
    %swap3A_48 = arith.constant 0 : index
    %swap3A_49 = vector.load %arg6[%swap3A, %swap3A_48] : memref<8x128xf32, #tpu.memory_space<vmem>>, vector<8x128xf32>
    tpu.vector_store %arg6[%swap3A, %swap3A_48], %broadcast_in_dim3A_47 {strides = array<i32>} : memref<8x128xf32, #tpu.memory_space<vmem>>, vector<8x128xf32>,
    return
  }
}

</mosaic_0001>

<sc_bundles>
// kernel: kernel.4.cloned.1.call-start
scs
__scs_entry_jumppad:
0x0: {  	(pc) =	sbr.rel $0x88, $3  }
0x1: {  	(tag) =	ssettag $0x0;
	lr =	simm.s32 $0x1  }
0x2: {  	[smem:$0x3F9A] =	sst lr;
	_ =	strace $0xD0000000  }
0x3: {  	_ = 	snop  }
0x4: {  	_ = 	snop  }
0x5: {  	_ = 	snop  }
0x6: {  	_ = 	snop  }
0x7: {  	_ = 	snop  }
__scs_overlays_trampoline_lowered:
0x8: {  	[smem:$0x3FA9] =	sst s0  }
0x9: {  	[smem:$0x3FAA] =	sst s1  }
0xa: {  	[smem:$0x3FAB] =	sst s2  }
0xb: {  	[smem:$0x3FAC] =	sst s3  }
0xc: {  	[smem:$0x3FAD] =	sst s4  }
0xd: {  	[smem:$0x3FAE] =	sst s5  }
0xe: {  	[smem:$0x3FAF] =	sst s6  }
0xf: {  	[smem:$0x3FB0] =	sst s7  }
0x10: {  	[smem:$0x3FB1] =	sst s8  }
0x11: {  	[smem:$0x3FB2] =	sst s9;
	s0 =	simm.s32 @!p0 $0x0  }
0x12: {  	s1 =	sld [smem:$0x3F98];
	s0 =	simm.s32 @p0 $0x1  }
0x13: {  	[smem:$0x3FB3] =	sst s0;
	s0 =	simm.s32 @!p1 $0x0  }
0x14: {  	s2 =	sld [smem:$0x3F97];
	s0 =	simm.s32 @p1 $0x1  }
0x15: {  	[smem:$0x3FB4] =	sst s0;
	s0 =	simm.s32 @!p2 $0x0  }
0x16: {  	s3 =	sld [smem:$0x3FDB];
	s0 =	simm.s32 @p2 $0x1  }
0x17: {  	s4 =	simm.s32 $0x1BF5;
	[smem:$0x3FB6] =	sst s0  }
0x18: {  	s0 =	sld [smem:$0x3F99];
	_ =	swait.ge [sflag:s4], $0x0  }
0x19: {  	s7 =	sld [smem:$0x3F9A]  }
0x1a: {  	s8 =	sadd.s32 $0xFFFFE003, lr  }
0x1b: {  	s9 =	sadd.s32 $0xFFFFFEF7, lr;
	s5 =	simm.s32 $0xFFFFFFFF;
	p2 =	slt.u32 s8, $0xFFFFF086  }
0x1c: {  	p1 =	slt.u32 s9, $0xF7A;
	s5 =	simm.s32 @!p2 $0x0  }
0x1d: {  	s5 =	simm.s32 @p1 $0x1;
	p0 =	seq.s32 s7, s2  }
0x1e: {  	s7 =	smul.u32 @!p0 $0xF7A, s2;
	p2 =	seq.s32 @!p0 s5, $0x0  }
0x1f: {  	s9 =	smul.u32 $0xF7A, s1;
	s8 =	simm.s32 @!p0 $0x1BF5;
	p2 =	por !p2, p0  }
0x20: {  	[sflag:s8] =	ssyncset.s32 @!p0 $0xFFFFF086;
	s6 =	sadd.s32 @!p0 s3, s7;
	s7 =	simm.s32 @!p0 $0x108  }
0x21: {  	s3 =	sadd.s32 s3, s9;
	s6 =	sadd.s32 @!p0 $0x88, s6;
	s7 =	simm.s32 @p2 $0x1082  }
0x22: {  	[simem:s7], [sflag:s8] =	dma.local @!p0 [hbm:s6], $0xF7A  }
0x23: {  	s9 =	sor.u32 $0xD0000000, s2;
	s6 =	simm.s32 $0x108;
	_ =	swait.ge @!p0 [sflag:s8], $0x0  }
0x24: {  	s3 =	sadd.s32 $0x88, s3;
	s6 =	simm.s32 @!p1 $0x1082;
	[sflag:s4] =	ssyncset.s32 $0xFFFFF086  }
0x25: {  	[simem:s6], [sflag:s4] =	dma.local [hbm:s3], $0xF7A  }
0x26: {  	[smem:$0x3F9A] =	sst s1;
	(tag) =	ssettag s2;
	_ =	strace s9  }
0x27: {  	s1 =	sld [smem:$0x3FAA]  }
0x28: {  	s2 =	sld [smem:$0x3FAB]  }
0x29: {  	s4 =	sld [smem:$0x3FAD]  }
0x2a: {  	p0 =	seq.s32 s5, $0x0;
	s5 =	sld [smem:$0x3FAE]  }
0x2b: {  	s6 =	sld [smem:$0x3FAF]  }
0x2c: {  	s7 =	sld [smem:$0x3FB0]  }
0x2d: {  	s3 =	simm.s32 $0x108;
	s8 =	sld [smem:$0x3FB1]  }
0x2e: {  	s3 =	simm.s32 @!p0 $0x1082;
	s9 =	sld [smem:$0x3FB2]  }
0x2f: {  	lr =	sadd.s32 s0, s3;
	s0 =	sld [smem:$0x3FA9]  }
0x30: {  	s3 =	sld [smem:$0x3FAC]  }
0x31: {  	[smem:$0x3FB5] =	sst s10  }
0x32: {  	s10 =	sld [smem:$0x3FB3];
	_ =	sdelay $0x3  }
0x33: {  	p0 =	seq.s32 s10, $0x1;
	s10 =	sld [smem:$0x3FB5];
	_ =	sdelay $0x3  }
0x34: {  	[smem:$0x3FB5] =	sst s10  }
0x35: {  	s10 =	sld [smem:$0x3FB4];
	_ =	sdelay $0x3  }
0x36: {  	p1 =	seq.s32 s10, $0x1;
	s10 =	sld [smem:$0x3FB5];
	_ =	sdelay $0x3  }
0x37: {  	[smem:$0x3FB5] =	sst s10  }
0x38: {  	s10 =	sld [smem:$0x3FB6]  }
0x39: {  	_ = 	snop;
	(pc) =	sbr.ind lr, $3  }
0x3a: {  	_ = 	snop  }
0x3b: {  	_ = 	snop  }
0x3c: {  	p2 =	seq.s32 s10, $0x1;
	s10 =	sld [smem:$0x3FB5]  }
0x3d: {  	_ =	shalt  }
0x3e: {  	_ =	shalt  }
0x3f: {  	_ =	shalt  }
0x40: {  	_ =	shalt  }
0x41: {  	_ =	shalt  }
0x42: {  	_ =	shalt  }
0x43: {  	_ =	shalt  }
0x44: {  	_ =	shalt  }
0x45: {  	_ =	shalt  }
0x46: {  	_ =	shalt  }
0x47: {  	_ =	shalt  }
0x48: {  	_ =	shalt  }
0x49: {  	_ =	shalt  }
0x4a: {  	_ =	shalt  }
0x4b: {  	_ =	shalt  }
0x4c: {  	_ =	shalt  }
0x4d: {  	_ =	shalt  }
0x4e: {  	_ =	shalt  }
0x4f: {  	_ =	shalt  }
0x50: {  	_ =	shalt  }
0x51: {  	_ =	shalt  }
0x52: {  	_ =	shalt  }
0x53: {  	_ =	shalt  }
0x54: {  	_ =	shalt  }
0x55: {  	_ =	shalt  }
0x56: {  	_ =	shalt  }
0x57: {  	_ =	shalt  }
0x58: {  	_ =	shalt  }
0x59: {  	_ =	shalt  }
0x5a: {  	_ =	shalt  }
0x5b: {  	_ =	shalt  }
0x5c: {  	_ =	shalt  }
0x5d: {  	_ =	shalt  }
0x5e: {  	_ =	shalt  }
0x5f: {  	_ =	shalt  }
0x60: {  	_ =	shalt  }
0x61: {  	_ =	shalt  }
0x62: {  	_ =	shalt  }
0x63: {  	_ =	shalt  }
0x64: {  	_ =	shalt  }
0x65: {  	_ =	shalt  }
0x66: {  	_ =	shalt  }
0x67: {  	_ =	shalt  }
0x68: {  	_ =	shalt  }
0x69: {  	_ =	shalt  }
0x6a: {  	_ =	shalt  }
0x6b: {  	_ =	shalt  }
0x6c: {  	_ =	shalt  }
0x6d: {  	_ =	shalt  }
0x6e: {  	_ =	shalt  }
0x6f: {  	_ =	shalt  }
0x70: {  	_ =	shalt  }
0x71: {  	_ =	shalt  }
0x72: {  	_ =	shalt  }
0x73: {  	_ =	shalt  }
0x74: {  	_ =	shalt  }
0x75: {  	_ =	shalt  }
0x76: {  	_ =	shalt  }
0x77: {  	_ =	shalt  }
0x78: {  	_ =	shalt  }
0x79: {  	_ =	shalt  }
0x7a: {  	_ =	shalt  }
0x7b: {  	_ =	shalt  }
0x7c: {  	_ =	shalt  }
0x7d: {  	_ =	shalt  }
0x7e: {  	_ =	shalt  }
0x7f: {  	_ =	shalt  }
0x80: {  	_ =	shalt  }
0x81: {  	_ =	shalt  }
0x82: {  	_ =	shalt  }
0x83: {  	_ =	shalt  }
0x84: {  	_ =	shalt  }
0x85: {  	_ =	shalt  }
0x86: {  	_ =	shalt  }
0x87: {  	_ =	shalt  }
.Lfunc_end0:
.L_simem_size_0:
called_computation_lowered:
.L_overlay_start_0:
0x88: {  	s0 =	sld [smem:$0x3FD9]  }
0x89: {  	s1 =	sld [smem:$0x3FFE];
	_ =	sdelay $0x3  }
0x8a: {  	s0 =	sadd.s32 s1, s0  }
0x8b: {  	[smem:$0x3FC1] =	sst s0  }
0x8c: {  	_ = 	snop  }
0x8d: {  	s0 =	sld [smem:$0x3FC9]  }
0x8e: {  	s16 =	sld [smem:$0x3FC8];
	(tm) =	ssettm $0x1  }
0x8f: {  	s2 =	sld [smem:$0x3FFB];
	_ =	sdelay $0x3  }
0x90: {  	_ =	strace s2  }
0x91: {  	s2 =	sld [smem:$0x3FFC];
	_ =	sdelay $0x3  }
0x92: {  	_ =	strace s2  }
0x93: {  	s2 =	sld [smem:$0x3FFD];
	_ =	sdelay $0x3  }
0x94: {  	_ =	strace s2  }
0x95: {  	_ =	strace $0x8FFFFFFF  }
0x96: {  	s17 =	sld [smem:$0x3FDB];
	_ =	sdelay $0x1  }
0x97: {  	s3 =	simm.s32 $_scs_section_size  }
0x98: {  	s4 =	simm.s32 $_size__tile_overlayer_lowered;
	s5 =	simm.s32 $_tile_overlayer_lowered  }
0x99: {  	s20 =	simm.s32 $0x1BFF;
	s19 =	sshll.u32 s5, $0x1;
	s2 =	sadd.s32 s3, s17  }
0x9a: {  	s6 =	simm.s32 $0x0;
	s18 =	sshll.u32 s4, $0x1;
	s4 =	sadd.s32 s19, s2  }
0x9b: {  	[timem:s6], [sflag:s20] =	dma.local [hbm:s4], s18  }
0x9c: {  	_ =	swait.ge [sflag:s20], s18  }
0x9d: {  	s3 =	ssub.s32 $0x0, s18;
	[sflag:s20] =	ssyncset.done $0x0  }
0x9e: {  	[sflag:s20] =	ssyncadd.s32 s3;
	_ =	sdelay $0x1  }
0x9f: {  	s21 =	simm.s32 $0x1B8B  }
0xa0: {  	_ =	swait.ge [sflag:s21], $0x1  }
0xa1: {  	[sflag:s21] =	ssyncset.done $0x0  }
0xa2: {  	s23 =	simm.s32 $0x1B8E;
	s22 =	sld [smem:$0x3FFE];
	[sflag:s21] =	ssyncadd.s32 $0xFFFFFFFF  }
0xa3: {  	s24 =	simm.s32 $execute0_lowered;
	[smem:$0x3FD2] =	sst s23  }
0xa4: {  	s4 =	sshll.u32 s24, $0x1;
	_ =	strace $0x80000046;
	[dreg:$0x1] =	wrdreg $0xFFFFFFFF  }
0xa5: {  	s25 =	simm.s32 $_size_execute0_lowered;
	s2 =	sadd.s32 s2, s4;
	[dreg:$0x0] =	wrdreg $0x0  }
0xa6: {  	s4 =	sshll.u32 s25, $0x1;
	[dreg:$0x2] =	wrdreg s2  }
0xa7: {  	[dreg:$0x3] =	wrdreg s4  }
0xa8: {  	[dreg:$0x4] =	wrdreg $0xC0  }
0xa9: {  	_ =	task [dreg:s6], $0x5FFFF  }
0xaa: {  	[dreg:$0x1] =	wrdreg $0xFFFFFFFF  }
0xab: {  	[dreg:$0x0] =	wrdreg $0x60  }
0xac: {  	[dreg:$0x2] =	wrdreg s22  }
0xad: {  	[dreg:$0x3] =	wrdreg s16  }
0xae: {  	[dreg:$0x4] =	wrdreg s0  }
0xaf: {  	[dreg:$0x5] =	wrdreg $0x9  }
0xb0: {  	_ =	task.clear_ibuf [dreg:s6], $0x6FFFF;
	_ =	strace $0x90000046  }
0xb1: {  	s26 =	simm.s32 $0x9;
	_ =	strace $0x80000048  }
0xb2: {  	_ =	swait.ge [sflag:s26], $0x1  }
0xb3: {  	[sflag:s26] =	ssyncadd.s32 $0xFFFFFFFF  }
0xb4: {  	_ =	strace $0x90000048  }
0xb5: {  	_ =	sfence  }
0xb6: {  	s28 =	sld [smem:$0x0];
	_ =	sdelay $0x1  }
0xb7: {  	s29 =	srdreg.scid  }
0xb8: {  	s30 =	sshll.u32 s29, $0xD;
	s31 =	sshrl.u32 s29, $0x2  }
0xb9: {  	s1 =	sand.u32 $0x1, s29;
	s2 =	sand.u32 $0x4000, s30;
	s0 =	sadd.s32 s31, s28  }
0xba: {  	s1 =	sor.u32 s2, s1;
	s0 =	sshll.u32 s0, $0x11  }
0xbb: {  	s0 =	sor.u32 s0, s1  }
0xbc: {  	s0 =	sadd.s32 $0x8F2B, s0  }
0xbd: {  	[sflag:s0] =	ssyncadd.remote.s32 $0x1  }
0xbe: {  	_ =	sfence.sel $0xFFFF  }
0xbf: {  	[dreg:$0x0] =	wrdreg $0xFFFFFFFF;
	(pc) =	sbr.abs _section_cstart, $3  }
0xc0: {  	[dreg:$0x1] =	wrdreg $0xFFFFFFFF  }
0xc1: {  	_ =	task.clear_ibuf [dreg:s6], $0x2FFFF;
	_ =	strace $0x9FFFFFFF  }
0xc2: {  	(tm) =	ssettm $0x7FFFFFFF  }
0xc3: {  	_ =	shalt  }
tec
execute0_lowered:
.L_overlay_start_1:
0x0: {  	(tag) =	ssettag $0x1  }
0x1: {  	s2 =	rddreg [dreg:$0x0];
	s0 =	stileid.u32  }
0x2: {  	s6 =	rddreg [dreg:$0x1];
	s5 =	smul.u32 $0x180, s0  }
0x3: {  	s4 =	rddreg [dreg:$0x2];
	s3 =	simm.s32 $0x0  }
0x4: {  	[smem:$0x7FF] =	sst s3;
	s5 =	sadd.s32 s5, s2  }
0x5: {  	s1 =	rddreg [dreg:$0x3];
	_ =	strace $0x80000047;
	s5 =	sadd.s32 $0x1000, s5  }
0x6: {  	[tilespmem:s3], [sflag:$0x2] =	stream.linear.gather [hbm4b:s5+s3], $0xA00, $0x38;
	[tilespmem:$0x1680] =	vst v63  }
0x7: {  	s29 =	simm.s32 $0xC00  }
0x8: {  	v0 =	vimm.f32 $0.0e+00;
	[tilespmem:s29], [sflag:$0x3] =	stream.linear.gather [hbm4b:s6+s3], $0x11, $0x38;
	[tilespmem:$0x1680] =	vst v63  }
0x9: {  	[tilespmem:$0xE00] =	vst v0  }
0xa: {  	[tilespmem:$0xE10] =	vst v0  }
0xb: {  	[tilespmem:$0xE20] =	vst v0  }
0xc: {  	[tilespmem:$0xE30] =	vst v0  }
0xd: {  	[tilespmem:$0xE40] =	vst v0  }
0xe: {  	[tilespmem:$0xE50] =	vst v0  }
0xf: {  	[tilespmem:$0xE60] =	vst v0  }
0x10: {  	[tilespmem:$0xE70] =	vst v0  }
0x11: {  	[tilespmem:$0xE80] =	vst v0  }
0x12: {  	[tilespmem:$0xE90] =	vst v0  }
0x13: {  	[tilespmem:$0xEA0] =	vst v0  }
0x14: {  	[tilespmem:$0xEB0] =	vst v0  }
0x15: {  	[tilespmem:$0xEC0] =	vst v0  }
0x16: {  	[tilespmem:$0xED0] =	vst v0  }
0x17: {  	[tilespmem:$0xEE0] =	vst v0  }
0x18: {  	[tilespmem:$0xEF0] =	vst v0  }
0x19: {  	[tilespmem:$0xF00] =	vst v0  }
0x1a: {  	[tilespmem:$0xF10] =	vst v0  }
0x1b: {  	[tilespmem:$0xF20] =	vst v0  }
0x1c: {  	[tilespmem:$0xF30] =	vst v0  }
0x1d: {  	[tilespmem:$0xF40] =	vst v0  }
0x1e: {  	[tilespmem:$0xF50] =	vst v0  }
0x1f: {  	[tilespmem:$0xF60] =	vst v0  }
0x20: {  	[tilespmem:$0xF70] =	vst v0  }
0x21: {  	[tilespmem:$0xF80] =	vst v0  }
0x22: {  	[tilespmem:$0xF90] =	vst v0  }
0x23: {  	[tilespmem:$0xFA0] =	vst v0  }
0x24: {  	[tilespmem:$0xFB0] =	vst v0  }
0x25: {  	[tilespmem:$0xFC0] =	vst v0  }
0x26: {  	[tilespmem:$0xFD0] =	vst v0  }
0x27: {  	[tilespmem:$0xFE0] =	vst v0  }
0x28: {  	[tilespmem:$0xFF0] =	vst v0  }
0x29: {  	[tilespmem:$0x1000] =	vst v0  }
0x2a: {  	[tilespmem:$0x1010] =	vst v0  }
0x2b: {  	[tilespmem:$0x1020] =	vst v0  }
0x2c: {  	[tilespmem:$0x1030] =	vst v0  }
0x2d: {  	[tilespmem:$0x1040] =	vst v0  }
0x2e: {  	[tilespmem:$0x1050] =	vst v0  }
0x2f: {  	[tilespmem:$0x1060] =	vst v0  }
0x30: {  	[tilespmem:$0x1070] =	vst v0  }
0x31: {  	[tilespmem:$0x1080] =	vst v0  }
0x32: {  	[tilespmem:$0x1090] =	vst v0  }
0x33: {  	[tilespmem:$0x10A0] =	vst v0  }
0x34: {  	[tilespmem:$0x10B0] =	vst v0  }
0x35: {  	[tilespmem:$0x10C0] =	vst v0  }
0x36: {  	[tilespmem:$0x10D0] =	vst v0  }
0x37: {  	[tilespmem:$0x10E0] =	vst v0  }
0x38: {  	[tilespmem:$0x10F0] =	vst v0  }
0x39: {  	[tilespmem:$0x1100] =	vst v0  }
0x3a: {  	[tilespmem:$0x1110] =	vst v0  }
0x3b: {  	[tilespmem:$0x1120] =	vst v0  }
0x3c: {  	[tilespmem:$0x1130] =	vst v0  }
0x3d: {  	[tilespmem:$0x1140] =	vst v0  }
0x3e: {  	[tilespmem:$0x1150] =	vst v0  }
0x3f: {  	[tilespmem:$0x1160] =	vst v0  }
0x40: {  	[tilespmem:$0x1170] =	vst v0  }
0x41: {  	[tilespmem:$0x1180] =	vst v0  }
0x42: {  	[tilespmem:$0x1190] =	vst v0  }
0x43: {  	[tilespmem:$0x11A0] =	vst v0  }
0x44: {  	[tilespmem:$0x11B0] =	vst v0  }
0x45: {  	[tilespmem:$0x11C0] =	vst v0  }
0x46: {  	[tilespmem:$0x11D0] =	vst v0  }
0x47: {  	[tilespmem:$0x11E0] =	vst v0  }
0x48: {  	[tilespmem:$0x11F0] =	vst v0  }
0x49: {  	[tilespmem:$0x1200] =	vst v0  }
0x4a: {  	[tilespmem:$0x1210] =	vst v0  }
0x4b: {  	[tilespmem:$0x1220] =	vst v0  }
0x4c: {  	[tilespmem:$0x1230] =	vst v0  }
0x4d: {  	[tilespmem:$0x1240] =	vst v0  }
0x4e: {  	[tilespmem:$0x1250] =	vst v0  }
0x4f: {  	[tilespmem:$0x1260] =	vst v0  }
0x50: {  	[tilespmem:$0x1270] =	vst v0  }
0x51: {  	[tilespmem:$0x1280] =	vst v0  }
0x52: {  	[tilespmem:$0x1290] =	vst v0  }
0x53: {  	[tilespmem:$0x12A0] =	vst v0  }
0x54: {  	[tilespmem:$0x12B0] =	vst v0  }
0x55: {  	[tilespmem:$0x12C0] =	vst v0  }
0x56: {  	[tilespmem:$0x12D0] =	vst v0  }
0x57: {  	[tilespmem:$0x12E0] =	vst v0  }
0x58: {  	[tilespmem:$0x12F0] =	vst v0  }
0x59: {  	[tilespmem:$0x1300] =	vst v0  }
0x5a: {  	[tilespmem:$0x1310] =	vst v0  }
0x5b: {  	[tilespmem:$0x1320] =	vst v0  }
0x5c: {  	[tilespmem:$0x1330] =	vst v0  }
0x5d: {  	[tilespmem:$0x1340] =	vst v0  }
0x5e: {  	[tilespmem:$0x1350] =	vst v0  }
0x5f: {  	[tilespmem:$0x1360] =	vst v0  }
0x60: {  	[tilespmem:$0x1370] =	vst v0  }
0x61: {  	[tilespmem:$0x1380] =	vst v0  }
0x62: {  	[tilespmem:$0x1390] =	vst v0  }
0x63: {  	[tilespmem:$0x13A0] =	vst v0  }
0x64: {  	[tilespmem:$0x13B0] =	vst v0  }
0x65: {  	[tilespmem:$0x13C0] =	vst v0  }
0x66: {  	[tilespmem:$0x13D0] =	vst v0  }
0x67: {  	[tilespmem:$0x13E0] =	vst v0  }
0x68: {  	[tilespmem:$0x13F0] =	vst v0  }
0x69: {  	[tilespmem:$0x1400] =	vst v0  }
0x6a: {  	[tilespmem:$0x1410] =	vst v0  }
0x6b: {  	[tilespmem:$0x1420] =	vst v0  }
0x6c: {  	[tilespmem:$0x1430] =	vst v0  }
0x6d: {  	[tilespmem:$0x1440] =	vst v0  }
0x6e: {  	[tilespmem:$0x1450] =	vst v0  }
0x6f: {  	[tilespmem:$0x1460] =	vst v0  }
0x70: {  	[tilespmem:$0x1470] =	vst v0  }
0x71: {  	[tilespmem:$0x1480] =	vst v0  }
0x72: {  	[tilespmem:$0x1490] =	vst v0  }
0x73: {  	[tilespmem:$0x14A0] =	vst v0  }
0x74: {  	[tilespmem:$0x14B0] =	vst v0  }
0x75: {  	[tilespmem:$0x14C0] =	vst v0  }
0x76: {  	[tilespmem:$0x14D0] =	vst v0  }
0x77: {  	[tilespmem:$0x14E0] =	vst v0  }
0x78: {  	[tilespmem:$0x14F0] =	vst v0  }
0x79: {  	[tilespmem:$0x1500] =	vst v0  }
0x7a: {  	[tilespmem:$0x1510] =	vst v0  }
0x7b: {  	[tilespmem:$0x1520] =	vst v0  }
0x7c: {  	[tilespmem:$0x1530] =	vst v0  }
0x7d: {  	[tilespmem:$0x1540] =	vst v0  }
0x7e: {  	[tilespmem:$0x1550] =	vst v0  }
0x7f: {  	[tilespmem:$0x1560] =	vst v0  }
0x80: {  	[tilespmem:$0x1570] =	vst v0  }
0x81: {  	[tilespmem:$0x1580] =	vst v0  }
0x82: {  	[tilespmem:$0x1590] =	vst v0  }
0x83: {  	[tilespmem:$0x15A0] =	vst v0  }
0x84: {  	[tilespmem:$0x15B0] =	vst v0  }
0x85: {  	[tilespmem:$0x15C0] =	vst v0  }
0x86: {  	[tilespmem:$0x15D0] =	vst v0  }
0x87: {  	[tilespmem:$0x15E0] =	vst v0  }
0x88: {  	s30 =	simm.s32 $0x2;
	[tilespmem:$0x15F0] =	vst v0  }
0x89: {  	_ =	swait.ge [sflag:s30], $0xA00  }
0x8a: {  	v41 =	vmov s0;
	s7 =	sadd.s32 $0x1, s0;
	[sflag:s30] =	ssyncset.done $0x0  }
0x8b: {  	s31 =	simm.s32 $0x3;
	v1 =	vmov s7;
	[sflag:s30] =	ssyncadd.s32 $0xFFFFF600  }
0x8c: {  	_ =	swait.ge [sflag:s31], $0x11  }
0x8d: {  	[sflag:s31] =	ssyncset.done $0x0  }
0x8e: {  	[sflag:s31] =	ssyncadd.s32 $0xFFFFFFEF  }
0x8f: {  	v0 =	vld.idx.msk [tilespmem:v41+s29+$0x0], $0xffff  }
0x90: {  	v1 =	vld.idx.msk [tilespmem:v1+s29+$0x0], $0xffff;
	_ =	sdelay $0x2  }
0x91: {  	v2 =	vld [tilespmem:$0x0];
	_ =	sdelay $0x1  }
0x92: {  	v1 =	vsub.s32 v1, v0  }
0x93: {  	v1 =	vcvt.s32.f32 v1;
	_ =	sdelay $0x1  }
0x94: {  	v2 =	vmul.f32 v1, v2;
	_ =	sdelay $0x1  }
0x95: {  	v2 =	vtrunc.f32 v2  }
0x96: {  	v2 =	vcvt.f32.s32 v2;
	_ =	sdelay $0x1  }
0x97: {  	v2 =	vadd.s32 v2, v0  }
0x98: {  	v2 =	vshll.u32 v2, $0x7;
	_ =	sdelay $0x3  }
0x99: {  	vm0 =	vmmov $0xffff;
	s6 =	simm.s32 $0xC80  }
0x9a: {  	[tilespmem:s6], [sflag:$0x1] =	stream.indirect_vreg.gather [hbm4b:s4+s3], $0x1, v2, vm0, $0xb8;
	[tilespmem:$0x1680] =	vst v63  }
0x9b: {  	v2 =	vld [tilespmem:$0x80];
	_ =	sdelay $0x4  }
0x9c: {  	v2 =	vmul.f32 v1, v2;
	_ =	sdelay $0x1  }
0x9d: {  	v2 =	vtrunc.f32 v2  }
0x9e: {  	v2 =	vcvt.f32.s32 v2;
	_ =	sdelay $0x1  }
0x9f: {  	v2 =	vadd.s32 v2, v0  }
0xa0: {  	v2 =	vshll.u32 v2, $0x7;
	_ =	sdelay $0x3  }
0xa1: {  	s7 =	simm.s32 $0xC90  }
0xa2: {  	[tilespmem:s7], [sflag:$0x1] =	stream.indirect_vreg.gather [hbm4b:s4+s3], $0x1, v2, vm0, $0xb8;
	[tilespmem:$0x1680] =	vst v63  }
0xa3: {  	v2 =	vld [tilespmem:$0x100];
	_ =	sdelay $0x4  }
0xa4: {  	v2 =	vmul.f32 v1, v2;
	_ =	sdelay $0x1  }
0xa5: {  	v2 =	vtrunc.f32 v2  }
0xa6: {  	v2 =	vcvt.f32.s32 v2;
	_ =	sdelay $0x1  }
0xa7: {  	v2 =	vadd.s32 v2, v0  }
0xa8: {  	v2 =	vshll.u32 v2, $0x7;
	_ =	sdelay $0x3  }
0xa9: {  	s8 =	simm.s32 $0xCA0  }
0xaa: {  	[tilespmem:s8], [sflag:$0x1] =	stream.indirect_vreg.gather [hbm4b:s4+s3], $0x1, v2, vm0, $0xb8;
	[tilespmem:$0x1680] =	vst v63  }
0xab: {  	v2 =	vld [tilespmem:$0x180];
	_ =	sdelay $0x4  }
0xac: {  	v2 =	vmul.f32 v1, v2;
	_ =	sdelay $0x1  }
0xad: {  	v2 =	vtrunc.f32 v2  }
0xae: {  	v2 =	vcvt.f32.s32 v2;
	_ =	sdelay $0x1  }
0xaf: {  	v2 =	vadd.s32 v2, v0  }
0xb0: {  	v2 =	vshll.u32 v2, $0x7;
	_ =	sdelay $0x3  }
0xb1: {  	s9 =	simm.s32 $0xCB0  }
0xb2: {  	[tilespmem:s9], [sflag:$0x1] =	stream.indirect_vreg.gather [hbm4b:s4+s3], $0x1, v2, vm0, $0xb8;
	[tilespmem:$0x1680] =	vst v63  }
0xb3: {  	v2 =	vld [tilespmem:$0x200];
	_ =	sdelay $0x4  }
0xb4: {  	v2 =	vmul.f32 v1, v2;
	_ =	sdelay $0x1  }
0xb5: {  	v2 =	vtrunc.f32 v2  }
0xb6: {  	v2 =	vcvt.f32.s32 v2;
	_ =	sdelay $0x1  }
0xb7: {  	v2 =	vadd.s32 v2, v0  }
0xb8: {  	v2 =	vshll.u32 v2, $0x7;
	_ =	sdelay $0x3  }
0xb9: {  	s10 =	simm.s32 $0xCC0  }
0xba: {  	[tilespmem:s10], [sflag:$0x1] =	stream.indirect_vreg.gather [hbm4b:s4+s3], $0x1, v2, vm0, $0xb8;
	[tilespmem:$0x1680] =	vst v63  }
0xbb: {  	v2 =	vld [tilespmem:$0x280];
	_ =	sdelay $0x4  }
0xbc: {  	v2 =	vmul.f32 v1, v2;
	_ =	sdelay $0x1  }
0xbd: {  	v2 =	vtrunc.f32 v2  }
0xbe: {  	v2 =	vcvt.f32.s32 v2;
	_ =	sdelay $0x1  }
0xbf: {  	v2 =	vadd.s32 v2, v0  }
0xc0: {  	v2 =	vshll.u32 v2, $0x7;
	_ =	sdelay $0x3  }
0xc1: {  	s11 =	simm.s32 $0xCD0  }
0xc2: {  	[tilespmem:s11], [sflag:$0x1] =	stream.indirect_vreg.gather [hbm4b:s4+s3], $0x1, v2, vm0, $0xb8;
	[tilespmem:$0x1680] =	vst v63  }
0xc3: {  	v2 =	vld [tilespmem:$0x300];
	_ =	sdelay $0x4  }
0xc4: {  	v2 =	vmul.f32 v1, v2;
	_ =	sdelay $0x1  }
0xc5: {  	v2 =	vtrunc.f32 v2  }
0xc6: {  	v2 =	vcvt.f32.s32 v2;
	_ =	sdelay $0x1  }
0xc7: {  	v2 =	vadd.s32 v2, v0  }
0xc8: {  	v2 =	vshll.u32 v2, $0x7;
	_ =	sdelay $0x3  }
0xc9: {  	s12 =	simm.s32 $0xCE0  }
0xca: {  	[tilespmem:s12], [sflag:$0x1] =	stream.indirect_vreg.gather [hbm4b:s4+s3], $0x1, v2, vm0, $0xb8;
	[tilespmem:$0x1680] =	vst v63  }
0xcb: {  	v2 =	vld [tilespmem:$0x380];
	_ =	sdelay $0x4  }
0xcc: {  	v2 =	vmul.f32 v1, v2;
	_ =	sdelay $0x1  }
0xcd: {  	v2 =	vtrunc.f32 v2  }
0xce: {  	v2 =	vcvt.f32.s32 v2;
	_ =	sdelay $0x1  }
0xcf: {  	v2 =	vadd.s32 v2, v0  }
0xd0: {  	v2 =	vshll.u32 v2, $0x7;
	_ =	sdelay $0x3  }
0xd1: {  	s13 =	simm.s32 $0xCF0  }
0xd2: {  	[tilespmem:s13], [sflag:$0x1] =	stream.indirect_vreg.gather [hbm4b:s4+s3], $0x1, v2, vm0, $0xb8;
	[tilespmem:$0x1680] =	vst v63  }
0xd3: {  	v2 =	vld [tilespmem:$0x400];
	_ =	sdelay $0x4  }
0xd4: {  	v2 =	vmul.f32 v1, v2;
	_ =	sdelay $0x1  }
0xd5: {  	v2 =	vtrunc.f32 v2  }
0xd6: {  	v2 =	vcvt.f32.s32 v2;
	_ =	sdelay $0x1  }
0xd7: {  	v2 =	vadd.s32 v2, v0  }
0xd8: {  	v2 =	vshll.u32 v2, $0x7;
	_ =	sdelay $0x3  }
0xd9: {  	s14 =	simm.s32 $0xD00  }
0xda: {  	[tilespmem:s14], [sflag:$0x1] =	stream.indirect_vreg.gather [hbm4b:s4+s3], $0x1, v2, vm0, $0xb8;
	[tilespmem:$0x1680] =	vst v63  }
0xdb: {  	v2 =	vld [tilespmem:$0x480];
	_ =	sdelay $0x4  }
0xdc: {  	v2 =	vmul.f32 v1, v2;
	_ =	sdelay $0x1  }
0xdd: {  	v2 =	vtrunc.f32 v2  }
0xde: {  	v2 =	vcvt.f32.s32 v2;
	_ =	sdelay $0x1  }
0xdf: {  	v2 =	vadd.s32 v2, v0  }
0xe0: {  	v2 =	vshll.u32 v2, $0x7;
	_ =	sdelay $0x3  }
0xe1: {  	s15 =	simm.s32 $0xD10  }
0xe2: {  	[tilespmem:s15], [sflag:$0x1] =	stream.indirect_vreg.gather [hbm4b:s4+s3], $0x1, v2, vm0, $0xb8;
	[tilespmem:$0x1680] =	vst v63  }
0xe3: {  	v2 =	vld [tilespmem:$0x500];
	_ =	sdelay $0x4  }
0xe4: {  	v2 =	vmul.f32 v1, v2;
	_ =	sdelay $0x1  }
0xe5: {  	v2 =	vtrunc.f32 v2  }
0xe6: {  	v2 =	vcvt.f32.s32 v2;
	_ =	sdelay $0x1  }
0xe7: {  	v2 =	vadd.s32 v2, v0  }
0xe8: {  	v2 =	vshll.u32 v2, $0x7;
	_ =	sdelay $0x3  }
0xe9: {  	s16 =	simm.s32 $0xD20  }
0xea: {  	[tilespmem:s16], [sflag:$0x1] =	stream.indirect_vreg.gather [hbm4b:s4+s3], $0x1, v2, vm0, $0xb8;
	[tilespmem:$0x1680] =	vst v63  }
0xeb: {  	v2 =	vld [tilespmem:$0x580];
	_ =	sdelay $0x4  }
0xec: {  	v2 =	vmul.f32 v1, v2;
	_ =	sdelay $0x1  }
0xed: {  	v2 =	vtrunc.f32 v2  }
0xee: {  	v2 =	vcvt.f32.s32 v2;
	_ =	sdelay $0x1  }
0xef: {  	v2 =	vadd.s32 v2, v0  }
0xf0: {  	v2 =	vshll.u32 v2, $0x7;
	_ =	sdelay $0x3  }
0xf1: {  	s17 =	simm.s32 $0xD30  }
0xf2: {  	[tilespmem:s17], [sflag:$0x1] =	stream.indirect_vreg.gather [hbm4b:s4+s3], $0x1, v2, vm0, $0xb8;
	[tilespmem:$0x1680] =	vst v63  }
0xf3: {  	v2 =	vld [tilespmem:$0x600];
	_ =	sdelay $0x4  }
0xf4: {  	v2 =	vmul.f32 v1, v2;
	_ =	sdelay $0x1  }
0xf5: {  	v2 =	vtrunc.f32 v2  }
0xf6: {  	v2 =	vcvt.f32.s32 v2;
	_ =	sdelay $0x1  }
0xf7: {  	v2 =	vadd.s32 v2, v0  }
0xf8: {  	v2 =	vshll.u32 v2, $0x7;
	_ =	sdelay $0x3  }
0xf9: {  	s18 =	simm.s32 $0xD40  }
0xfa: {  	[tilespmem:s18], [sflag:$0x1] =	stream.indirect_vreg.gather [hbm4b:s4+s3], $0x1, v2, vm0, $0xb8;
	[tilespmem:$0x1680] =	vst v63  }
0xfb: {  	v2 =	vld [tilespmem:$0x680];
	_ =	sdelay $0x4  }
0xfc: {  	v2 =	vmul.f32 v1, v2;
	_ =	sdelay $0x1  }
0xfd: {  	v2 =	vtrunc.f32 v2  }
0xfe: {  	v2 =	vcvt.f32.s32 v2;
	_ =	sdelay $0x1  }
0xff: {  	v2 =	vadd.s32 v2, v0  }
0x100: {  	v2 =	vshll.u32 v2, $0x7;
	_ =	sdelay $0x3  }
0x101: {  	s19 =	simm.s32 $0xD50  }
0x102: {  	[tilespmem:s19], [sflag:$0x1] =	stream.indirect_vreg.gather [hbm4b:s4+s3], $0x1, v2, vm0, $0xb8;
	[tilespmem:$0x1680] =	vst v63  }
0x103: {  	v2 =	vld [tilespmem:$0x700];
	_ =	sdelay $0x4  }
0x104: {  	v2 =	vmul.f32 v1, v2;
	_ =	sdelay $0x1  }
0x105: {  	v2 =	vtrunc.f32 v2  }
0x106: {  	v2 =	vcvt.f32.s32 v2;
	_ =	sdelay $0x1  }
0x107: {  	v2 =	vadd.s32 v2, v0  }
0x108: {  	v2 =	vshll.u32 v2, $0x7;
	_ =	sdelay $0x3  }
0x109: {  	s20 =	simm.s32 $0xD60  }
0x10a: {  	[tilespmem:s20], [sflag:$0x1] =	stream.indirect_vreg.gather [hbm4b:s4+s3], $0x1, v2, vm0, $0xb8;
	[tilespmem:$0x1680] =	vst v63  }
0x10b: {  	v2 =	vld [tilespmem:$0x780];
	_ =	sdelay $0x4  }
0x10c: {  	v2 =	vmul.f32 v1, v2;
	_ =	sdelay $0x1  }
0x10d: {  	v2 =	vtrunc.f32 v2  }
0x10e: {  	v2 =	vcvt.f32.s32 v2;
	_ =	sdelay $0x1  }
0x10f: {  	v2 =	vadd.s32 v2, v0  }
0x110: {  	v2 =	vshll.u32 v2, $0x7;
	_ =	sdelay $0x3  }
0x111: {  	s21 =	simm.s32 $0xD70  }
0x112: {  	[tilespmem:s21], [sflag:$0x1] =	stream.indirect_vreg.gather [hbm4b:s4+s3], $0x1, v2, vm0, $0xb8;
	[tilespmem:$0x1680] =	vst v63  }
0x113: {  	v2 =	vld [tilespmem:$0x800];
	_ =	sdelay $0x4  }
0x114: {  	v2 =	vmul.f32 v1, v2;
	_ =	sdelay $0x1  }
0x115: {  	v2 =	vtrunc.f32 v2  }
0x116: {  	v2 =	vcvt.f32.s32 v2;
	_ =	sdelay $0x1  }
0x117: {  	v2 =	vadd.s32 v2, v0  }
0x118: {  	v2 =	vshll.u32 v2, $0x7;
	_ =	sdelay $0x3  }
0x119: {  	s22 =	simm.s32 $0xD80  }
0x11a: {  	[tilespmem:s22], [sflag:$0x1] =	stream.indirect_vreg.gather [hbm4b:s4+s3], $0x1, v2, vm0, $0xb8;
	[tilespmem:$0x1680] =	vst v63  }
0x11b: {  	v2 =	vld [tilespmem:$0x880];
	_ =	sdelay $0x4  }
0x11c: {  	v2 =	vmul.f32 v1, v2;
	_ =	sdelay $0x1  }
0x11d: {  	v2 =	vtrunc.f32 v2  }
0x11e: {  	v2 =	vcvt.f32.s32 v2;
	_ =	sdelay $0x1  }
0x11f: {  	v2 =	vadd.s32 v2, v0  }
0x120: {  	v2 =	vshll.u32 v2, $0x7;
	_ =	sdelay $0x3  }
0x121: {  	s23 =	simm.s32 $0xD90  }
0x122: {  	[tilespmem:s23], [sflag:$0x1] =	stream.indirect_vreg.gather [hbm4b:s4+s3], $0x1, v2, vm0, $0xb8;
	[tilespmem:$0x1680] =	vst v63  }
0x123: {  	v2 =	vld [tilespmem:$0x900];
	_ =	sdelay $0x4  }
0x124: {  	v2 =	vmul.f32 v1, v2;
	_ =	sdelay $0x1  }
0x125: {  	v2 =	vtrunc.f32 v2  }
0x126: {  	v2 =	vcvt.f32.s32 v2;
	_ =	sdelay $0x1  }
0x127: {  	v2 =	vadd.s32 v2, v0  }
0x128: {  	v2 =	vshll.u32 v2, $0x7;
	_ =	sdelay $0x3  }
0x129: {  	s24 =	simm.s32 $0xDA0  }
0x12a: {  	[tilespmem:s24], [sflag:$0x1] =	stream.indirect_vreg.gather [hbm4b:s4+s3], $0x1, v2, vm0, $0xb8;
	[tilespmem:$0x1680] =	vst v63  }
0x12b: {  	v2 =	vld [tilespmem:$0x980];
	_ =	sdelay $0x4  }
0x12c: {  	v1 =	vmul.f32 v1, v2;
	_ =	sdelay $0x1  }
0x12d: {  	v1 =	vtrunc.f32 v1  }
0x12e: {  	v1 =	vcvt.f32.s32 v1;
	_ =	sdelay $0x1  }
0x12f: {  	v0 =	vadd.s32 v1, v0  }
0x130: {  	v0 =	vshll.u32 v0, $0x7;
	_ =	sdelay $0x3  }
0x131: {  	s25 =	simm.s32 $0xDB0;
	s26 =	simm.s32 $0x1  }
0x132: {  	[tilespmem:s25], [sflag:$0x1] =	stream.indirect_vreg.gather [hbm4b:s4+s3], $0x1, v0, vm0, $0xb8;
	[tilespmem:$0x1680] =	vst v63  }
0x133: {  	_ =	swait.ge [sflag:s26], $0x10  }
0x134: {  	[sflag:s26] =	ssyncset.done $0x0  }
0x135: {  	[sflag:s26] =	ssyncadd.s32 $0xFFFFFFF0  }
0x136: {  	_ =	swait.ge [sflag:s26], $0x10  }
0x137: {  	[sflag:s26] =	ssyncset.done $0x0  }
0x138: {  	[sflag:s26] =	ssyncadd.s32 $0xFFFFFFF0  }
0x139: {  	_ =	swait.ge [sflag:s26], $0x10  }
0x13a: {  	[sflag:s26] =	ssyncset.done $0x0  }
0x13b: {  	[sflag:s26] =	ssyncadd.s32 $0xFFFFFFF0  }
0x13c: {  	_ =	swait.ge [sflag:s26], $0x10  }
0x13d: {  	[sflag:s26] =	ssyncset.done $0x0  }
0x13e: {  	[sflag:s26] =	ssyncadd.s32 $0xFFFFFFF0  }
0x13f: {  	_ =	swait.ge [sflag:s26], $0x10  }
0x140: {  	[sflag:s26] =	ssyncset.done $0x0  }
0x141: {  	[sflag:s26] =	ssyncadd.s32 $0xFFFFFFF0  }
0x142: {  	_ =	swait.ge [sflag:s26], $0x10  }
0x143: {  	[sflag:s26] =	ssyncset.done $0x0  }
0x144: {  	[sflag:s26] =	ssyncadd.s32 $0xFFFFFFF0  }
0x145: {  	_ =	swait.ge [sflag:s26], $0x10  }
0x146: {  	[sflag:s26] =	ssyncset.done $0x0  }
0x147: {  	[sflag:s26] =	ssyncadd.s32 $0xFFFFFFF0  }
0x148: {  	_ =	swait.ge [sflag:s26], $0x10  }
0x149: {  	[sflag:s26] =	ssyncset.done $0x0  }
0x14a: {  	[sflag:s26] =	ssyncadd.s32 $0xFFFFFFF0  }
0x14b: {  	_ =	swait.ge [sflag:s26], $0x10  }
0x14c: {  	[sflag:s26] =	ssyncset.done $0x0  }
0x14d: {  	[sflag:s26] =	ssyncadd.s32 $0xFFFFFFF0  }
0x14e: {  	_ =	swait.ge [sflag:s26], $0x10  }
0x14f: {  	[sflag:s26] =	ssyncset.done $0x0  }
0x150: {  	[sflag:s26] =	ssyncadd.s32 $0xFFFFFFF0  }
0x151: {  	_ =	swait.ge [sflag:s26], $0x10  }
0x152: {  	[sflag:s26] =	ssyncset.done $0x0  }
0x153: {  	[sflag:s26] =	ssyncadd.s32 $0xFFFFFFF0  }
0x154: {  	_ =	swait.ge [sflag:s26], $0x10  }
0x155: {  	[sflag:s26] =	ssyncset.done $0x0  }
0x156: {  	[sflag:s26] =	ssyncadd.s32 $0xFFFFFFF0  }
0x157: {  	_ =	swait.ge [sflag:s26], $0x10  }
0x158: {  	[sflag:s26] =	ssyncset.done $0x0  }
0x159: {  	[sflag:s26] =	ssyncadd.s32 $0xFFFFFFF0  }
0x15a: {  	_ =	swait.ge [sflag:s26], $0x10  }
0x15b: {  	[sflag:s26] =	ssyncset.done $0x0  }
0x15c: {  	[sflag:s26] =	ssyncadd.s32 $0xFFFFFFF0  }
0x15d: {  	_ =	swait.ge [sflag:s26], $0x10  }
0x15e: {  	[sflag:s26] =	ssyncset.done $0x0  }
0x15f: {  	[sflag:s26] =	ssyncadd.s32 $0xFFFFFFF0  }
0x160: {  	_ =	swait.ge [sflag:s26], $0x10  }
0x161: {  	[sflag:s26] =	ssyncset.done $0x0  }
0x162: {  	[sflag:s26] =	ssyncadd.s32 $0xFFFFFFF0  }
0x163: {  	_ =	swait.ge [sflag:s26], $0x10  }
0x164: {  	[sflag:s26] =	ssyncset.done $0x0  }
0x165: {  	[sflag:s26] =	ssyncadd.s32 $0xFFFFFFF0  }
0x166: {  	_ =	swait.ge [sflag:s26], $0x10  }
0x167: {  	[sflag:s26] =	ssyncset.done $0x0  }
0x168: {  	[sflag:s26] =	ssyncadd.s32 $0xFFFFFFF0  }
0x169: {  	_ =	swait.ge [sflag:s26], $0x10  }
0x16a: {  	[sflag:s26] =	ssyncset.done $0x0  }
0x16b: {  	[sflag:s26] =	ssyncadd.s32 $0xFFFFFFF0  }
0x16c: {  	_ =	swait.ge [sflag:s26], $0x10  }
0x16d: {  	[sflag:s26] =	ssyncset.done $0x0  }
0x16e: {  	[sflag:s26] =	ssyncadd.s32 $0xFFFFFFF0  }
0x16f: {  	v42 =	vld [tilespmem:$0xC80];
	_ =	sdelay $0x4  }
0x170: {  	v43 =	vlaneseq.u32;
	v0 =	vtrunc.f32 v42  }
0x171: {  	v1 =	vmul.u32 $0x80, v43;
	v0 =	vcvt.f32.s32 v0;
	_ =	sdelay $0x1  }
0x172: {  	v0 =	vadd.s32 v1, v0;
	_ =	sdelay $0x3  }
0x173: {  	v44 =	vimm.f32 $1.000000000e+00;
	s28 =	simm.s32 $0xE00  }
0x174: {  	[tilespmem:v0+s28+$0x0] =	vst.idx.add.f32.msk $0xffff, v44  }
0x175: {  	v0 =	vld [tilespmem:$0xC90];
	_ =	sdelay $0x4  }
0x176: {  	v0 =	vtrunc.f32 v0  }
0x177: {  	v0 =	vcvt.f32.s32 v0;
	_ =	sdelay $0x1  }
0x178: {  	v0 =	vadd.s32 v1, v0;
	_ =	sdelay $0x4  }
0x179: {  	[tilespmem:v0+s28+$0x0] =	vst.idx.add.f32.msk $0xffff, v44  }
0x17a: {  	v0 =	vld [tilespmem:$0xCA0];
	_ =	sdelay $0x4  }
0x17b: {  	v0 =	vtrunc.f32 v0  }
0x17c: {  	v0 =	vcvt.f32.s32 v0;
	_ =	sdelay $0x1  }
0x17d: {  	v0 =	vadd.s32 v1, v0;
	_ =	sdelay $0x4  }
0x17e: {  	[tilespmem:v0+s28+$0x0] =	vst.idx.add.f32.msk $0xffff, v44  }
0x17f: {  	v0 =	vld [tilespmem:$0xCB0];
	_ =	sdelay $0x4  }
0x180: {  	v0 =	vtrunc.f32 v0  }
0x181: {  	v0 =	vcvt.f32.s32 v0;
	_ =	sdelay $0x1  }
0x182: {  	v0 =	vadd.s32 v1, v0;
	_ =	sdelay $0x4  }
0x183: {  	[tilespmem:v0+s28+$0x0] =	vst.idx.add.f32.msk $0xffff, v44  }
0x184: {  	v0 =	vld [tilespmem:$0xCC0];
	_ =	sdelay $0x4  }
0x185: {  	v0 =	vtrunc.f32 v0  }
0x186: {  	v0 =	vcvt.f32.s32 v0;
	_ =	sdelay $0x1  }
0x187: {  	v0 =	vadd.s32 v1, v0;
	_ =	sdelay $0x4  }
0x188: {  	[tilespmem:v0+s28+$0x0] =	vst.idx.add.f32.msk $0xffff, v44  }
0x189: {  	v0 =	vld [tilespmem:$0xCD0];
	_ =	sdelay $0x4  }
0x18a: {  	v0 =	vtrunc.f32 v0  }
0x18b: {  	v0 =	vcvt.f32.s32 v0;
	_ =	sdelay $0x1  }
0x18c: {  	v0 =	vadd.s32 v1, v0;
	_ =	sdelay $0x4  }
0x18d: {  	[tilespmem:v0+s28+$0x0] =	vst.idx.add.f32.msk $0xffff, v44  }
0x18e: {  	v0 =	vld [tilespmem:$0xCE0];
	_ =	sdelay $0x4  }
0x18f: {  	v0 =	vtrunc.f32 v0  }
0x190: {  	v0 =	vcvt.f32.s32 v0;
	_ =	sdelay $0x1  }
0x191: {  	v0 =	vadd.s32 v1, v0;
	_ =	sdelay $0x4  }
0x192: {  	[tilespmem:v0+s28+$0x0] =	vst.idx.add.f32.msk $0xffff, v44  }
0x193: {  	v0 =	vld [tilespmem:$0xCF0];
	_ =	sdelay $0x4  }
0x194: {  	v0 =	vtrunc.f32 v0  }
0x195: {  	v0 =	vcvt.f32.s32 v0;
	_ =	sdelay $0x1  }
0x196: {  	v0 =	vadd.s32 v1, v0;
	_ =	sdelay $0x4  }
0x197: {  	[tilespmem:v0+s28+$0x0] =	vst.idx.add.f32.msk $0xffff, v44  }
0x198: {  	v0 =	vld [tilespmem:$0xD00];
	_ =	sdelay $0x4  }
0x199: {  	v0 =	vtrunc.f32 v0  }
0x19a: {  	v0 =	vcvt.f32.s32 v0;
	_ =	sdelay $0x1  }
0x19b: {  	v0 =	vadd.s32 v1, v0;
	_ =	sdelay $0x4  }
0x19c: {  	[tilespmem:v0+s28+$0x0] =	vst.idx.add.f32.msk $0xffff, v44  }
0x19d: {  	v0 =	vld [tilespmem:$0xD10];
	_ =	sdelay $0x4  }
0x19e: {  	v0 =	vtrunc.f32 v0  }
0x19f: {  	v0 =	vcvt.f32.s32 v0;
	_ =	sdelay $0x1  }
0x1a0: {  	v0 =	vadd.s32 v1, v0;
	_ =	sdelay $0x4  }
0x1a1: {  	[tilespmem:v0+s28+$0x0] =	vst.idx.add.f32.msk $0xffff, v44  }
0x1a2: {  	v0 =	vld [tilespmem:$0xD20];
	_ =	sdelay $0x4  }
0x1a3: {  	v0 =	vtrunc.f32 v0  }
0x1a4: {  	v0 =	vcvt.f32.s32 v0;
	_ =	sdelay $0x1  }
0x1a5: {  	v0 =	vadd.s32 v1, v0;
	_ =	sdelay $0x4  }
0x1a6: {  	[tilespmem:v0+s28+$0x0] =	vst.idx.add.f32.msk $0xffff, v44  }
0x1a7: {  	v0 =	vld [tilespmem:$0xD30];
	_ =	sdelay $0x4  }
0x1a8: {  	v0 =	vtrunc.f32 v0  }
0x1a9: {  	v0 =	vcvt.f32.s32 v0;
	_ =	sdelay $0x1  }
0x1aa: {  	v0 =	vadd.s32 v1, v0;
	_ =	sdelay $0x4  }
0x1ab: {  	[tilespmem:v0+s28+$0x0] =	vst.idx.add.f32.msk $0xffff, v44  }
0x1ac: {  	v0 =	vld [tilespmem:$0xD40];
	_ =	sdelay $0x4  }
0x1ad: {  	v0 =	vtrunc.f32 v0  }
0x1ae: {  	v0 =	vcvt.f32.s32 v0;
	_ =	sdelay $0x1  }
0x1af: {  	v0 =	vadd.s32 v1, v0;
	_ =	sdelay $0x4  }
0x1b0: {  	[tilespmem:v0+s28+$0x0] =	vst.idx.add.f32.msk $0xffff, v44  }
0x1b1: {  	v0 =	vld [tilespmem:$0xD50];
	_ =	sdelay $0x4  }
0x1b2: {  	v0 =	vtrunc.f32 v0  }
0x1b3: {  	v0 =	vcvt.f32.s32 v0;
	_ =	sdelay $0x1  }
0x1b4: {  	v0 =	vadd.s32 v1, v0;
	_ =	sdelay $0x4  }
0x1b5: {  	[tilespmem:v0+s28+$0x0] =	vst.idx.add.f32.msk $0xffff, v44  }
0x1b6: {  	v0 =	vld [tilespmem:$0xD60];
	_ =	sdelay $0x4  }
0x1b7: {  	v0 =	vtrunc.f32 v0  }
0x1b8: {  	v0 =	vcvt.f32.s32 v0;
	_ =	sdelay $0x1  }
0x1b9: {  	v0 =	vadd.s32 v1, v0;
	_ =	sdelay $0x4  }
0x1ba: {  	[tilespmem:v0+s28+$0x0] =	vst.idx.add.f32.msk $0xffff, v44  }
0x1bb: {  	v0 =	vld [tilespmem:$0xD70];
	_ =	sdelay $0x4  }
0x1bc: {  	v0 =	vtrunc.f32 v0  }
0x1bd: {  	v0 =	vcvt.f32.s32 v0;
	_ =	sdelay $0x1  }
0x1be: {  	v0 =	vadd.s32 v1, v0;
	_ =	sdelay $0x4  }
0x1bf: {  	[tilespmem:v0+s28+$0x0] =	vst.idx.add.f32.msk $0xffff, v44  }
0x1c0: {  	v0 =	vld [tilespmem:$0xD80];
	_ =	sdelay $0x4  }
0x1c1: {  	v0 =	vtrunc.f32 v0  }
0x1c2: {  	v0 =	vcvt.f32.s32 v0;
	_ =	sdelay $0x1  }
0x1c3: {  	v0 =	vadd.s32 v1, v0;
	_ =	sdelay $0x4  }
0x1c4: {  	[tilespmem:v0+s28+$0x0] =	vst.idx.add.f32.msk $0xffff, v44  }
0x1c5: {  	v0 =	vld [tilespmem:$0xD90];
	_ =	sdelay $0x4  }
0x1c6: {  	v0 =	vtrunc.f32 v0  }
0x1c7: {  	v0 =	vcvt.f32.s32 v0;
	_ =	sdelay $0x1  }
0x1c8: {  	v0 =	vadd.s32 v1, v0;
	_ =	sdelay $0x4  }
0x1c9: {  	[tilespmem:v0+s28+$0x0] =	vst.idx.add.f32.msk $0xffff, v44  }
0x1ca: {  	v0 =	vld [tilespmem:$0xDA0];
	_ =	sdelay $0x4  }
0x1cb: {  	v0 =	vtrunc.f32 v0  }
0x1cc: {  	v0 =	vcvt.f32.s32 v0;
	_ =	sdelay $0x1  }
0x1cd: {  	v0 =	vadd.s32 v1, v0;
	_ =	sdelay $0x4  }
0x1ce: {  	[tilespmem:v0+s28+$0x0] =	vst.idx.add.f32.msk $0xffff, v44  }
0x1cf: {  	v0 =	vld [tilespmem:$0xDB0];
	_ =	sdelay $0x4  }
0x1d0: {  	v0 =	vtrunc.f32 v0  }
0x1d1: {  	v0 =	vcvt.f32.s32 v0;
	_ =	sdelay $0x1  }
0x1d2: {  	v0 =	vadd.s32 v1, v0;
	_ =	sdelay $0x4  }
0x1d3: {  	[tilespmem:v0+s28+$0x0] =	vst.idx.add.f32.msk $0x7, v44  }
0x1d4: {  	v0 =	vld [tilespmem:$0xE00]  }
0x1d5: {  	v1 =	vld [tilespmem:$0xE80]  }
0x1d6: {  	v2 =	vld [tilespmem:$0xF00]  }
0x1d7: {  	v4 =	vld [tilespmem:$0xF80]  }
0x1d8: {  	v5 =	vld [tilespmem:$0x1000]  }
0x1d9: {  	v10 =	vld [tilespmem:$0x1080]  }
0x1da: {  	v11 =	vld [tilespmem:$0x1100]  }
0x1db: {  	v12 =	vld [tilespmem:$0x1180]  }
0x1dc: {  	v13 =	vld [tilespmem:$0x1200]  }
0x1dd: {  	v14 =	vld [tilespmem:$0x1280]  }
0x1de: {  	v16 =	vld [tilespmem:$0x1300]  }
0x1df: {  	v30 =	vld [tilespmem:$0x1380]  }
0x1e0: {  	v3 =	vld [tilespmem:$0x1400]  }
0x1e1: {  	v45 =	vld [tilespmem:$0x1480]  }
0x1e2: {  	v46 =	vld [tilespmem:$0x1500]  }
0x1e3: {  	v47 =	vld [tilespmem:$0x1580]  }
0x1e4: {  	v7 =	vld [tilespmem:$0xE10]  }
0x1e5: {  	v9 =	vld [tilespmem:$0xE90]  }
0x1e6: {  	v18 =	vld [tilespmem:$0xF10]  }
0x1e7: {  	v19 =	vld [tilespmem:$0xF90]  }
0x1e8: {  	v20 =	vld [tilespmem:$0x1010]  }
0x1e9: {  	v21 =	vld [tilespmem:$0x1090]  }
0x1ea: {  	v22 =	vld [tilespmem:$0x1110]  }
0x1eb: {  	v23 =	vld [tilespmem:$0x1190]  }
0x1ec: {  	v24 =	vld [tilespmem:$0x1210]  }
0x1ed: {  	v25 =	vld [tilespmem:$0x1290]  }
0x1ee: {  	v26 =	vld [tilespmem:$0x1310]  }
0x1ef: {  	v27 =	vld [tilespmem:$0x1390]  }
0x1f0: {  	v28 =	vld [tilespmem:$0x1410]  }
0x1f1: {  	v29 =	vld [tilespmem:$0x1490]  }
0x1f2: {  	v31 =	vld [tilespmem:$0x1510]  }
0x1f3: {  	v48 =	vld [tilespmem:$0x1590]  }
0x1f4: {  	v32 =	vld [tilespmem:$0xE20]  }
0x1f5: {  	v33 =	vld [tilespmem:$0xEA0]  }
0x1f6: {  	v34 =	vld [tilespmem:$0xF20]  }
0x1f7: {  	v35 =	vld [tilespmem:$0xFA0]  }
0x1f8: {  	v36 =	vld [tilespmem:$0x1020]  }
0x1f9: {  	v37 =	vld [tilespmem:$0x10A0]  }
0x1fa: {  	v38 =	vld [tilespmem:$0x1120]  }
0x1fb: {  	v39 =	vld [tilespmem:$0x11A0]  }
0x1fc: {  	v40 =	vld [tilespmem:$0x1220]  }
0x1fd: {  	v41 =	vld [tilespmem:$0x12A0]  }
0x1fe: {  	v42 =	vld [tilespmem:$0x1320]  }
0x1ff: {  	v43 =	vld [tilespmem:$0x13A0]  }
0x200: {  	v44 =	vld [tilespmem:$0x1420]  }
0x201: {  	v49 =	vld [tilespmem:$0xEB0]  }
0x202: {  	v50 =	vld [tilespmem:$0xF30]  }
0x203: {  	v51 =	vld [tilespmem:$0xFB0]  }
0x204: {  	v52 =	vld [tilespmem:$0x1030]  }
0x205: {  	v53 =	vld [tilespmem:$0x10B0]  }
0x206: {  	v54 =	vld [tilespmem:$0x1130]  }
0x207: {  	v55 =	vld [tilespmem:$0x11B0]  }
0x208: {  	v56 =	vld [tilespmem:$0x1230]  }
0x209: {  	v57 =	vld [tilespmem:$0x12B0]  }
0x20a: {  	v58 =	vld [tilespmem:$0x1330]  }
0x20b: {  	v59 =	vld [tilespmem:$0x13B0]  }
0x20c: {  	v60 =	vld [tilespmem:$0x1430]  }
0x20d: {  	v61 =	vld [tilespmem:$0x14B0]  }
0x20e: {  	v62 =	vld [tilespmem:$0x1530]  }
0x20f: {  	v63 =	vld [tilespmem:$0x15B0]  }
0x210: {  	v6 =	vld [tilespmem:$0xEC0]  }
0x211: {  	v8 =	vld [tilespmem:$0xF40]  }
0x212: {  	v15 =	vld [tilespmem:$0xFC0]  }
0x213: {  	v17 =	vld [tilespmem:$0x1040]  }
0x214: {  	[tilespmem:$0x1FFC0] =	vst v45;
	v45 =	vld [tilespmem:$0x14A0]  }
0x215: {  	[tilespmem:$0x1FFD0] =	vst v46;
	v46 =	vld [tilespmem:$0x1520]  }
0x216: {  	[tilespmem:$0x1FFE0] =	vst v47;
	v47 =	vld [tilespmem:$0x15A0];
	v0 =	vadd.f32 $0.0e+00, v0  }
0x217: {  	[tilespmem:$0x1FFF0] =	vst v48;
	v48 =	vld [tilespmem:$0xE30];
	v7 =	vadd.f32 $0.0e+00, v7  }
0x218: {  	[tilespmem:$0x1FFB0] =	vst v3;
	v3 =	vld [tilespmem:$0xE40];
	v0 =	vadd.f32 v1, v0;
	v1 =	vadd.f32 $0.0e+00, v32  }
0x219: {  	v32 =	vld [tilespmem:$0x10C0];
	v7 =	vadd.f32 v9, v7  }
0x21a: {  	v1 =	vadd.f32 v33, v1;
	v33 =	vld [tilespmem:$0x11C0]  }
0x21b: {  	v0 =	vadd.f32 v2, v0;
	v2 =	vadd.f32 v18, v7;
	v18 =	vld [tilespmem:$0x1240]  }
0x21c: {  	v7 =	vld [tilespmem:$0x1340]  }
0x21d: {  	v9 =	vadd.f32 $0.0e+00, v48;
	v48 =	vld [tilespmem:$0x1140]  }
0x21e: {  	v0 =	vadd.f32 v4, v0;
	v4 =	vld [tilespmem:$0x1440]  }
0x21f: {  	v1 =	vadd.f32 v34, v1;
	v34 =	vld [tilespmem:$0x14D0]  }
0x220: {  	v2 =	vadd.f32 v19, v2;
	v49 =	vadd.f32 v49, v9;
	v9 =	vld [tilespmem:$0x12C0]  }
0x221: {  	v0 =	vadd.f32 v5, v0;
	v1 =	vadd.f32 v35, v1;
	v5 =	vld [tilespmem:$0x13C0]  }
0x222: {  	v19 =	vadd.f32 v20, v2;
	v2 =	vld [tilespmem:$0x14C0];
	v49 =	vadd.f32 v50, v49  }
0x223: {  	v3 =	vadd.f32 $0.0e+00, v3;
	v35 =	vld [tilespmem:$0x15D0];
	v0 =	vadd.f32 v10, v0  }
0x224: {  	v50 =	vadd.f32 v51, v49;
	v51 =	vadd.f32 v36, v1;
	v1 =	vld [tilespmem:$0x1540]  }
0x225: {  	v3 =	vadd.f32 v6, v3;
	v19 =	vadd.f32 v21, v19;
	v49 =	vld [tilespmem:$0xE70]  }
0x226: {  	v11 =	vadd.f32 v11, v0;
	v0 =	vld [tilespmem:$0x15C0]  }
0x227: {  	v3 =	vadd.f32 v8, v3;
	v19 =	vadd.f32 v22, v19;
	v22 =	vld [tilespmem:$0xF50]  }
0x228: {  	v20 =	vadd.f32 v52, v50;
	v50 =	vld [tilespmem:$0x1FFF0]  }
0x229: {  	v3 =	vadd.f32 v15, v3;
	v10 =	vadd.f32 v37, v51;
	v51 =	vld [tilespmem:$0xEE0]  }
0x22a: {  	v52 =	vld [tilespmem:$0xEF0]  }
0x22b: {  	v3 =	vadd.f32 v17, v3;
	v37 =	vld [tilespmem:$0x11E0]  }
0x22c: {  	v11 =	vadd.f32 v12, v11;
	v12 =	vld [tilespmem:$0xED0];
	v19 =	vadd.f32 v23, v19  }
0x22d: {  	v23 =	vld [tilespmem:$0x1050];
	v20 =	vadd.f32 v53, v20;
	v10 =	vadd.f32 v38, v10  }
0x22e: {  	v53 =	vld [tilespmem:$0xE50];
	v3 =	vadd.f32 v32, v3;
	v11 =	vadd.f32 v13, v11  }
0x22f: {  	v38 =	vld [tilespmem:$0x11F0];
	v19 =	vadd.f32 v24, v19;
	v36 =	vadd.f32 $0.0e+00, v49  }
0x230: {  	v13 =	vld [tilespmem:$0xFD0];
	v20 =	vadd.f32 v54, v20;
	v10 =	vadd.f32 v39, v10  }
0x231: {  	v24 =	vld [tilespmem:$0x1150];
	v3 =	vadd.f32 v48, v3;
	v11 =	vadd.f32 v14, v11  }
0x232: {  	v49 =	vld [tilespmem:$0x1470];
	v19 =	vadd.f32 v25, v19;
	v10 =	vadd.f32 v40, v10  }
0x233: {  	v39 =	vld [tilespmem:$0x1260];
	v20 =	vadd.f32 v55, v20;
	v3 =	vadd.f32 v33, v3  }
0x234: {  	v14 =	vld [tilespmem:$0x10D0];
	v11 =	vadd.f32 v16, v11;
	v10 =	vadd.f32 v41, v10  }
0x235: {  	v25 =	vld [tilespmem:$0x1250];
	v19 =	vadd.f32 v26, v19;
	v20 =	vadd.f32 v56, v20  }
0x236: {  	v55 =	vld [tilespmem:$0xF70];
	v21 =	vadd.f32 $0.0e+00, v53;
	v10 =	vadd.f32 v42, v10  }
0x237: {  	v40 =	vld [tilespmem:$0x1270];
	v3 =	vadd.f32 v18, v3;
	v20 =	vadd.f32 v57, v20  }
0x238: {  	v16 =	vld [tilespmem:$0x11D0];
	v11 =	vadd.f32 v30, v11;
	v10 =	vadd.f32 v43, v10  }
0x239: {  	v41 =	vld [tilespmem:$0x1FFB0];
	v19 =	vadd.f32 v27, v19;
	v20 =	vadd.f32 v58, v20  }
0x23a: {  	v12 =	vadd.f32 v12, v21;
	v10 =	vadd.f32 v44, v10;
	v44 =	vld [tilespmem:$0xE60]  }
0x23b: {  	v26 =	vld [tilespmem:$0x12D0];
	v3 =	vadd.f32 v9, v3;
	v20 =	vadd.f32 v59, v20  }
0x23c: {  	v53 =	vld [tilespmem:$0xF60];
	v19 =	vadd.f32 v28, v19;
	v12 =	vadd.f32 v22, v12  }
0x23d: {  	v56 =	vld [tilespmem:$0xFE0];
	v58 =	vadd.f32 v52, v36;
	v20 =	vadd.f32 v60, v20  }
0x23e: {  	v42 =	vld [tilespmem:$0x1FFC0];
	v3 =	vadd.f32 v7, v3;
	v11 =	vadd.f32 v41, v11  }
0x23f: {  	v57 =	vld [tilespmem:$0xFF0];
	v20 =	vadd.f32 v61, v20;
	v54 =	vadd.f32 $0.0e+00, v44  }
0x240: {  	v27 =	vld [tilespmem:$0x1350];
	v19 =	vadd.f32 v29, v19;
	v12 =	vadd.f32 v13, v12  }
0x241: {  	v60 =	vld [tilespmem:$0x1070];
	v20 =	vadd.f32 v62, v20;
	v6 =	vadd.f32 v51, v54  }
0x242: {  	v59 =	vld [tilespmem:$0x1060];
	v3 =	vadd.f32 v5, v3;
	v61 =	vadd.f32 v55, v58  }
0x243: {  	v20 =	vadd.f32 v63, v20;
	v63 =	vld [tilespmem:$0x10F0];
	v6 =	vadd.f32 v53, v6  }
0x244: {  	v11 =	vadd.f32 v42, v11;
	v62 =	vld [tilespmem:$0x10E0];
	v8 =	vadd.f32 v57, v61  }
0x245: {  	v36 =	vld [tilespmem:$0x1170];
	v12 =	vadd.f32 v23, v12;
	v6 =	vadd.f32 v56, v6  }
0x246: {  	v19 =	vadd.f32 v31, v19;
	v31 =	vld [tilespmem:$0x1160];
	v8 =	vadd.f32 v60, v8  }
0x247: {  	v43 =	vld [tilespmem:$0x1FFD0];
	v12 =	vadd.f32 v14, v12;
	v6 =	vadd.f32 v59, v6  }
0x248: {  	v30 =	vld [tilespmem:$0x13D0];
	v10 =	vadd.f32 v45, v10;
	v8 =	vadd.f32 v63, v8  }
0x249: {  	v28 =	vld [tilespmem:$0x1450];
	v12 =	vadd.f32 v24, v12;
	v6 =	vadd.f32 v62, v6  }
0x24a: {  	v42 =	vld [tilespmem:$0x12F0];
	v3 =	vadd.f32 v4, v3;
	v8 =	vadd.f32 v36, v8  }
0x24b: {  	v45 =	vld [tilespmem:$0x1FFE0];
	v12 =	vadd.f32 v16, v12;
	v6 =	vadd.f32 v31, v6  }
0x24c: {  	v41 =	vld [tilespmem:$0x12E0];
	v11 =	vadd.f32 v43, v11;
	v8 =	vadd.f32 v38, v8  }
0x24d: {  	v44 =	vld [tilespmem:$0x1370];
	v12 =	vadd.f32 v25, v12;
	v6 =	vadd.f32 v37, v6  }
0x24e: {  	v43 =	vld [tilespmem:$0x1360];
	v10 =	vadd.f32 v46, v10;
	v8 =	vadd.f32 v40, v8  }
0x24f: {  	v46 =	vld [tilespmem:$0x13F0];
	v12 =	vadd.f32 v26, v12;
	v6 =	vadd.f32 v39, v6  }
0x250: {  	v11 =	vadd.f32 v45, v11;
	v45 =	vld [tilespmem:$0x13E0];
	v8 =	vadd.f32 v42, v8  }
0x251: {  	v52 =	vld [tilespmem:$0x14F0];
	v12 =	vadd.f32 v27, v12;
	v6 =	vadd.f32 v41, v6  }
0x252: {  	v10 =	vadd.f32 v47, v10;
	v47 =	vld [tilespmem:$0x1460];
	v8 =	vadd.f32 v44, v8  }
0x253: {  	v29 =	vld [tilespmem:$0x1550];
	v12 =	vadd.f32 v30, v12;
	v48 =	vadd.f32 v43, v6  }
0x254: {  	v19 =	vadd.f32 v50, v19;
	v50 =	vld [tilespmem:$0x14E0];
	v7 =	vadd.f32 v46, v8  }
0x255: {  	v55 =	vld [tilespmem:$0x1570];
	v12 =	vadd.f32 v28, v12;
	v51 =	vadd.f32 v45, v48  }
0x256: {  	v2 =	vadd.f32 v2, v3;
	v53 =	vld [tilespmem:$0x1560];
	v6 =	vadd.f32 v49, v7  }
0x257: {  	v58 =	vld [tilespmem:$0x15F0];
	v12 =	vadd.f32 v34, v12;
	v54 =	vadd.f32 v47, v51  }
0x258: {  	[tilespmem:$0x1610] =	vst v19;
	v1 =	vadd.f32 v1, v2;
	v56 =	vld [tilespmem:$0x15E0];
	v5 =	vadd.f32 v52, v6  }
0x259: {  	[tilespmem:$0x1620] =	vst v10;
	v59 =	vadd.f32 v29, v12;
	v57 =	vadd.f32 v50, v54  }
0x25a: {  	v0 =	vadd.f32 v0, v1;
	[tilespmem:$0x1600] =	vst v11;
	v4 =	vadd.f32 v55, v5  }
0x25b: {  	[tilespmem:$0x1630] =	vst v20;
	v61 =	vadd.f32 v35, v59;
	v60 =	vadd.f32 v53, v57  }
0x25c: {  	[tilespmem:$0x1640] =	vst v0;
	v63 =	vadd.f32 v58, v4  }
0x25d: {  	s29 =	sshll.u32 s0, $0x4;
	[tilespmem:$0x1650] =	vst v61;
	v62 =	vadd.f32 v56, v60  }
0x25e: {  	s2 =	sadd.s32 s29, s2;
	[tilespmem:$0x1670] =	vst v63  }
0x25f: {  	s30 =	simm.s32 $0x1600;
	s31 =	simm.s32 $0x4;
	s2 =	sadd.s32 $0x2800, s2;
	[tilespmem:$0x1660] =	vst v62  }
0x260: {  	[hbm4b:s2+s3] =	stream.linear.scatter [tilespmem:s30], [sflag:$0x4], $0x80, $0x38;
	[tilespmem:$0x1680] =	vst v63  }
0x261: {  	_ =	swait.ge [sflag:s31], $0x80  }
0x262: {  	[sflag:s31] =	ssyncset.done $0x0  }
0x263: {  	[sflag:s31] =	ssyncadd.s32 $0xFFFFFF80  }
0x264: {  	_ =	sfence.sel $0x180000  }
0x265: {  	[bflag:$0x0] =	sbarrier.arrive $0xFFFF  }
0x266: {  	p0 =	sne.s32 s0, $0x0;
	_ =	strace $0x90000047  }
0x267: {  	s0 =	sadd.s32 @!p0 $0x100000, s1;
	[bflag:$0x2] =	sbarrier.arrive $0xFFFF  }
0x268: {  	[sflag:s0] =	ssyncadd.tile.s32 @!p0 $0x1;
	_ =	shalt  }
.Lfunc_end2:
_tile_overlayer_lowered:
.L_overlay_start_2:
0x269: {  	(tag) =	ssettag $0x2  }
0x26a: {  	s0 =	rddreg [dreg:$0x0];
	s2 =	stileid.u32  }
0x26b: {  	s1 =	rddreg [dreg:$0x1];
	p0 =	sne.s32 s2, $0x0  }
0x26c: {  	s3 =	rddreg [dreg:$0x2];
	[bflag:$0x3] =	sbarrier.arrive $0xFFFF;
	s2 =	simm.s32 @!p0 $0x1C04  }
0x26d: {  	[timem:s3], [sflag:s2] =	dma.local @!p0 [hbm:s0], s1  }
0x26e: {  	s0 =	simm.s32 @!p0 $0x4  }
0x26f: {  	_ =	swait.ge @!p0 [sflag:s0], s1  }
0x270: {  	s1 =	ssub.s32 @!p0 $0x0, s1;
	[sflag:s0] =	ssyncset.done @!p0 $0x0  }
0x271: {  	[sflag:s0] =	ssyncadd.s32 @!p0 s1  }
0x272: {  	[bflag:$0x3] =	sbarrier.arrive $0xFFFF  }
0x273: {  	_ =	shalt  }

</sc_bundles>
